<compile_context>
chip_gen: v7x
topology: tpu7x:2x2x1
jax: 0.10.2.dev20260603
libtpu: 0.0.44.dev20260713+nightly
codegen_flags: <defaults>
</compile_context>

<pallas_src>
import functools

import jax
import jax.numpy as jnp
from jax import lax
from jax.experimental import pallas as pl
from jax.experimental.pallas import tpu as pltpu
from jax.experimental.pallas import tpu_sc as plsc

B = 4096
S = 200
D = 64
N_LOCS = 128
V = 1000000

VP = 1 << 19
TAIL = V - 488 * 2048

NC = 2
NS = 16
L = 16
NW = NC * NS
BPW = B // NW

SA = 128
SB = S - SA

TW = 2048

_mesh = plsc.VectorSubcoreMesh(core_axis_name="c", subcore_axis_name="s")




def _tr_body(t1_ref, t2_ref, tl_ref, o_ref):
    i = pl.program_id(0)
    v = jnp.concatenate([t1_ref[...], t2_ref[...]], axis=0)
    o_ref[...] = v.T

    @pl.when(i == (V - TAIL - VP) // TW)
    def _():
        o_ref[pl.ds(0, TAIL), pl.ds(D, D)] = tl_ref[...].T


_transposer = pl.pallas_call(
    _tr_body,
    grid=(VP // TW,),
    in_specs=[
        pl.BlockSpec((D, TW), lambda i: (0, i)),
        pl.BlockSpec((D, TW), lambda i: (0, jnp.minimum(i + VP // TW,
                                                        V // TW - 1))),
        pl.BlockSpec((D, TAIL), lambda i: (0, 0)),
    ],
    out_specs=pl.BlockSpec((TW, 2 * D), lambda i: (i, 0)),
    out_shape=jax.ShapeDtypeStruct((VP, 2 * D), jnp.float32),
)



@functools.partial(
    pl.kernel,
    mesh=_mesh,
    compiler_params=pltpu.CompilerParams(use_tc_tiling_on_sc=False),
    out_type=jax.ShapeDtypeStruct((B, D), jnp.float32),
    scratch_types=[
        pltpu.VMEM((BPW, SA), jnp.int32),
        pltpu.VMEM((BPW, SB), jnp.int32),
        [pltpu.VMEM((SA, D), jnp.float32)] * 4,
        [pltpu.VMEM((SB, D), jnp.float32)] * 4,
        pltpu.VMEM((BPW, D), jnp.float32),
        [pltpu.SemaphoreType.DMA] * 4,
        [pltpu.SemaphoreType.DMA] * 4,
    ],
)
def _pool_sc(xa_hbm, xb_hbm, emb_hbm, out_hbm,
             idx_a, idx_b, bufs_a, bufs_b, out_v, sems_a, sems_b):
    NSLOT = 4
    wid = lax.axis_index("s") * NC + lax.axis_index("c")
    base = wid * BPW

    pltpu.sync_copy(xa_hbm.at[pl.ds(base, BPW)], idx_a)
    pltpu.sync_copy(xb_hbm.at[pl.ds(base, BPW)], idx_b)

    def issue(i, s):
        pltpu.async_copy(emb_hbm.at[idx_a.at[i]], bufs_a[s], sems_a[s])
        pltpu.async_copy(emb_hbm.at[idx_b.at[i]], bufs_b[s], sems_b[s])

    def wait(s):
        pltpu.make_async_copy(emb_hbm.at[idx_a.at[0]], bufs_a[s], sems_a[s]).wait()
        pltpu.make_async_copy(emb_hbm.at[idx_b.at[0]], bufs_b[s], sems_b[s]).wait()

    def reduce_row(i, s):
        def red(buf):
            def body(j, ms):
                return tuple(
                    jnp.maximum(ms[c], buf[j, pl.ds(c * L, L)])
                    for c in range(4)
                )
            return body

        ms = tuple(jnp.full((L,), -jnp.inf, jnp.float32) for _ in range(4))
        ms = lax.fori_loop(0, SA, red(bufs_a[s]), ms, unroll=8)
        ms = lax.fori_loop(0, SB, red(bufs_b[s]), ms, unroll=8)
        for c in range(4):
            out_v[i, pl.ds(c * L, L)] = ms[c]

    for s in range(NSLOT - 1):
        issue(s, s)

    def group(p, carry):
        i0 = NSLOT * p
        for s in range(NSLOT):
            i = i0 + s
            issue(jnp.minimum(i + NSLOT - 1, BPW - 1), (s + NSLOT - 1) % NSLOT)
            wait(s)
            reduce_row(i, s)
        return carry

    lax.fori_loop(0, BPW // NSLOT, group, 0)
    for s in range(NSLOT - 1):
        wait(s)
    pltpu.sync_copy(out_v, out_hbm.at[pl.ds(base, BPW)])



def _mm_body(p_ref, w_ref, b_ref, o_ref):
    o_ref[...] = (
        lax.dot_general(
            p_ref[...], w_ref[...],
            (((1,), (1,)), ((), ())),
            preferred_element_type=jnp.float32,
        )
        + b_ref[...]
    )


_mm = pl.pallas_call(
    _mm_body,
    grid=(8,),
    in_specs=[
        pl.BlockSpec((B // 8, D), lambda i: (i, 0)),
        pl.BlockSpec((N_LOCS, D), lambda i: (0, 0)),
        pl.BlockSpec((1, N_LOCS), lambda i: (0, 0)),
    ],
    out_specs=pl.BlockSpec((B // 8, N_LOCS), lambda i: (i, 0)),
    out_shape=jax.ShapeDtypeStruct((B, N_LOCS), jnp.float32),
)


def kernel(x, emb, W_fc, b_fc):
    x = x.astype(jnp.int32)
    xr = jnp.where(x < VP, 2 * x, 2 * x - (2 * VP - 1))
    xa = xr[:, :SA]
    xb = xr[:, SA:]
    embT = emb.T
    tailT = lax.slice(embT, (0, V - TAIL), (D, V))
    pair_tab = _transposer(embT, embT, tailT)
    flat_tab = pair_tab.reshape(2 * VP, D)
    pooled = _pool_sc(xa, xb, flat_tab)
    return _mm(pooled, W_fc, b_fc.reshape(1, N_LOCS))

# --- scband reference (transcript-rebuilt; emitter-appended) ---
"""Pipeline reference for scband-model-75144747810994 (READ-ONLY COPY).

The authoritative reference and input builder live on the scoring server;
editing this copy changes nothing except your own understanding.
"""

import jax, jax.numpy as jnp
import numpy as np

VOCAB = 1000000
EMBED_DIM = 64
N_LOCS = 128
BATCH = 4096
SEQ = 200

def setup_inputs(seed: int = 0) -> dict:
    key = jax.random.key(seed)
    k1, k2, k3, k4 = jax.random.split(key, 4)
    x = jax.random.randint(k1, (BATCH, SEQ), 0, VOCAB)
    emb = jax.random.normal(k2, (VOCAB, EMBED_DIM), dtype=jnp.float32)
    # padding_idx=0 -> row 0 initialized to zeros (as in torch.nn.Embedding)
    emb = emb.at[0].set(0.0)
    W_fc = jax.random.normal(k3, (N_LOCS, EMBED_DIM), dtype=jnp.float32) * 0.05
    b_fc = jax.random.normal(k4, (N_LOCS,), dtype=jnp.float32) * 0.05
    return {"x": x, "emb": emb, "W_fc": W_fc, "b_fc": b_fc}

def reference(x, emb, W_fc, b_fc):
    # embedding lookup: [B, S] -> [B, S, D]
    embeds = jnp.take(emb, x, axis=0)
    # MaxPool2d((input_len, 1), ceil_mode=True) on 3D [B, S, D]:
    # pools over the S dim with window=input_len=S -> [B, 1, D]
    pooled = jnp.max(embeds, axis=1, keepdims=True)
    # fc (n_locs, second assignment overwrites the first): [B, 1, n_locs]
    out = pooled @ W_fc.T + b_fc
    # squeeze(1) -> [B, n_locs]
    return out.squeeze(1)

if __name__ == "__main__":
    import jax
    _d = setup_inputs()
    print(jax.jit(kernel)(*tuple(_d.values())))

</pallas_src>

<mosaic_0001>
#map = affine_map<(d0, d1) -> (0, 0)>
module attributes {stable_mosaic.version = 14 : i64} {
  func.func @_pool_sc(%arg0: i32, %arg1: i32, %arg2: memref<4096x128xi32, #tpu.memory_space<hbm>>, %arg3: memref<4096x72xi32, #tpu.memory_space<hbm>>, %arg4: memref<1048576x64xf32, #tpu.memory_space<hbm>>, %arg5: memref<4096x64xf32, #tpu.memory_space<hbm>>, %arg6: memref<128x128xi32, #tpu.memory_space<vmem>>, %arg7: memref<128x72xi32, #tpu.memory_space<vmem>>, %arg8: memref<128x64xf32, #tpu.memory_space<vmem>>, %arg9: memref<128x64xf32, #tpu.memory_space<vmem>>, %arg10: memref<128x64xf32, #tpu.memory_space<vmem>>, %arg11: memref<128x64xf32, #tpu.memory_space<vmem>>, %arg12: memref<72x64xf32, #tpu.memory_space<vmem>>, %arg13: memref<72x64xf32, #tpu.memory_space<vmem>>, %arg14: memref<72x64xf32, #tpu.memory_space<vmem>>, %arg15: memref<72x64xf32, #tpu.memory_space<vmem>>, %arg16: memref<128x64xf32, #tpu.memory_space<vmem>>, %arg17: memref<!tpu.dma_semaphore, #tpu.memory_space<semaphore_mem>>, %arg18: memref<!tpu.dma_semaphore, #tpu.memory_space<semaphore_mem>>, %arg19: memref<!tpu.dma_semaphore, #tpu.memory_space<semaphore_mem>>, %arg20: memref<!tpu.dma_semaphore, #tpu.memory_space<semaphore_mem>>, %arg21: memref<!tpu.dma_semaphore, #tpu.memory_space<semaphore_mem>>, %arg22: memref<!tpu.dma_semaphore, #tpu.memory_space<semaphore_mem>>, %arg23: memref<!tpu.dma_semaphore, #tpu.memory_space<semaphore_mem>>, %arg24: memref<!tpu.dma_semaphore, #tpu.memory_space<semaphore_mem>>) attributes {dimension_semantics = [#tpu.dimension_semantics<core_parallel>, #tpu.dimension_semantics<subcore_parallel>], iteration_bounds = array<i64: 2, 16>, scalar_prefetch = 0 : i64, scratch_operands = 19 : i64, tpu.core_type = #tpu.core_type<sc_vector_subcore>, window_params = [{transform_indices = #map}, {transform_indices = #map}, {transform_indices = #map}, {transform_indices = #map}]} {
    %mul3A = arith.constant 2 : i32
    %mul3A_0 = arith.muli %arg1, %mul3A : i32
    %add3A = arith.addi %mul3A_0, %arg0 : i32
    %mul3A_1 = arith.constant 128 : i32
    %mul3A_2 = arith.muli %add3A, %mul3A_1 : i32
    "tpu.region"() ({
      %run_scoped3A = tpu.sem_alloc : memref<!tpu.dma_semaphore, #tpu.memory_space<semaphore_mem>>
      %dma_start3A_90 = arith.constant 0 : i32
      %dma_start3A_91 = tpu.memref_slice %arg2[%mul3A_2, %dma_start3A_90] : memref<4096x128xi32, #tpu.memory_space<hbm>> -> memref<128x128xi32, #tpu.memory_space<hbm>>
      %dma_start3A_92 = arith.constant 0 : i32
      %dma_start3A_93 = tpu.memref_slice %arg2[%mul3A_2, %dma_start3A_92] : memref<4096x128xi32, #tpu.memory_space<hbm>> -> memref<128x128xi32, #tpu.memory_space<hbm>>
      tpu.enqueue_dma source(%dma_start3A_93 : memref<128x128xi32, #tpu.memory_space<hbm>>) target(%arg6 : memref<128x128xi32, #tpu.memory_space<vmem>>) target_semaphore(%run_scoped3A : memref<!tpu.dma_semaphore, #tpu.memory_space<semaphore_mem>>)
      %dma_wait3A_94 = arith.constant 0 : i32
      %dma_wait3A_95 = tpu.memref_slice %arg2[%mul3A_2, %dma_wait3A_94] : memref<4096x128xi32, #tpu.memory_space<hbm>> -> memref<128x128xi32, #tpu.memory_space<hbm>>
      %dma_wait3A_96 = arith.constant 0 : i32
      %dma_wait3A_97 = tpu.memref_slice %arg2[%mul3A_2, %dma_wait3A_96] : memref<4096x128xi32, #tpu.memory_space<hbm>> -> memref<128x128xi32, #tpu.memory_space<hbm>>
      tpu.wait_dma2 semaphore(%run_scoped3A : memref<!tpu.dma_semaphore, #tpu.memory_space<semaphore_mem>>) src(%dma_wait3A_97 : memref<128x128xi32, #tpu.memory_space<hbm>>) dst(%arg6 : memref<128x128xi32, #tpu.memory_space<vmem>>)
      tpu.yield
    }) : () -> ()
    "tpu.region"() ({
      %run_scoped3A = tpu.sem_alloc : memref<!tpu.dma_semaphore, #tpu.memory_space<semaphore_mem>>
      %dma_start3A_90 = arith.constant 0 : i32
      %dma_start3A_91 = tpu.memref_slice %arg3[%mul3A_2, %dma_start3A_90] : memref<4096x72xi32, #tpu.memory_space<hbm>> -> memref<128x72xi32, #tpu.memory_space<hbm>>
      %dma_start3A_92 = arith.constant 0 : i32
      %dma_start3A_93 = tpu.memref_slice %arg3[%mul3A_2, %dma_start3A_92] : memref<4096x72xi32, #tpu.memory_space<hbm>> -> memref<128x72xi32, #tpu.memory_space<hbm>>
      tpu.enqueue_dma source(%dma_start3A_93 : memref<128x72xi32, #tpu.memory_space<hbm>>) target(%arg7 : memref<128x72xi32, #tpu.memory_space<vmem>>) target_semaphore(%run_scoped3A : memref<!tpu.dma_semaphore, #tpu.memory_space<semaphore_mem>>)
      %dma_wait3A_94 = arith.constant 0 : i32
      %dma_wait3A_95 = tpu.memref_slice %arg3[%mul3A_2, %dma_wait3A_94] : memref<4096x72xi32, #tpu.memory_space<hbm>> -> memref<128x72xi32, #tpu.memory_space<hbm>>
      %dma_wait3A_96 = arith.constant 0 : i32
      %dma_wait3A_97 = tpu.memref_slice %arg3[%mul3A_2, %dma_wait3A_96] : memref<4096x72xi32, #tpu.memory_space<hbm>> -> memref<128x72xi32, #tpu.memory_space<hbm>>
      tpu.wait_dma2 semaphore(%run_scoped3A : memref<!tpu.dma_semaphore, #tpu.memory_space<semaphore_mem>>) src(%dma_wait3A_97 : memref<128x72xi32, #tpu.memory_space<hbm>>) dst(%arg7 : memref<128x72xi32, #tpu.memory_space<vmem>>)
      tpu.yield
    }) : () -> ()
    %dma_start3A = arith.constant 0 : i32
    %dma_start3A_3 = arith.constant 0 : i32
    %dma_start3A_4 = tpu.memref_slice %arg6[%dma_start3A, %dma_start3A_3] : memref<128x128xi32, #tpu.memory_space<vmem>> -> memref<1x128xi32, #tpu.memory_space<vmem>>
    %dma_start3A_5 = tpu.memref_squeeze %dma_start3A_4 : memref<1x128xi32, #tpu.memory_space<vmem>> -> memref<128xi32, #tpu.memory_space<vmem>>
    %dma_start3A_6 = arith.constant 0 : i32
    %dma_start3A_7 = arith.constant 0 : i32
    %dma_start3A_8 = tpu.memref_slice %arg4[%dma_start3A_6, %dma_start3A_7] : memref<1048576x64xf32, #tpu.memory_space<hbm>> -> memref<1048576x64xf32, #tpu.memory_space<hbm>>
    tpu.enqueue_indirect_dma source(%dma_start3A_8 : memref<1048576x64xf32, #tpu.memory_space<hbm>>) target(%arg8 : memref<128x64xf32, #tpu.memory_space<vmem>>) offsets(%dma_start3A_5 : memref<128xi32, #tpu.memory_space<vmem>>) semaphore(%arg17 : memref<!tpu.dma_semaphore, #tpu.memory_space<semaphore_mem>>)
    %dma_start3A_9 = arith.constant 0 : i32
    %dma_start3A_10 = arith.constant 0 : i32
    %dma_start3A_11 = tpu.memref_slice %arg7[%dma_start3A_9, %dma_start3A_10] : memref<128x72xi32, #tpu.memory_space<vmem>> -> memref<1x72xi32, #tpu.memory_space<vmem>>
    %dma_start3A_12 = tpu.memref_squeeze %dma_start3A_11 : memref<1x72xi32, #tpu.memory_space<vmem>> -> memref<72xi32, #tpu.memory_space<vmem>>
    %dma_start3A_13 = arith.constant 0 : i32
    %dma_start3A_14 = arith.constant 0 : i32
    %dma_start3A_15 = tpu.memref_slice %arg4[%dma_start3A_13, %dma_start3A_14] : memref<1048576x64xf32, #tpu.memory_space<hbm>> -> memref<1048576x64xf32, #tpu.memory_space<hbm>>
    tpu.enqueue_indirect_dma source(%dma_start3A_15 : memref<1048576x64xf32, #tpu.memory_space<hbm>>) target(%arg12 : memref<72x64xf32, #tpu.memory_space<vmem>>) offsets(%dma_start3A_12 : memref<72xi32, #tpu.memory_space<vmem>>) semaphore(%arg21 : memref<!tpu.dma_semaphore, #tpu.memory_space<semaphore_mem>>)
    %dma_start3A_16 = arith.constant 1 : i32
    %dma_start3A_17 = arith.constant 0 : i32
    %dma_start3A_18 = tpu.memref_slice %arg6[%dma_start3A_16, %dma_start3A_17] : memref<128x128xi32, #tpu.memory_space<vmem>> -> memref<1x128xi32, #tpu.memory_space<vmem>>
    %dma_start3A_19 = tpu.memref_squeeze %dma_start3A_18 : memref<1x128xi32, #tpu.memory_space<vmem>> -> memref<128xi32, #tpu.memory_space<vmem>>
    %dma_start3A_20 = arith.constant 0 : i32
    %dma_start3A_21 = arith.constant 0 : i32
    %dma_start3A_22 = tpu.memref_slice %arg4[%dma_start3A_20, %dma_start3A_21] : memref<1048576x64xf32, #tpu.memory_space<hbm>> -> memref<1048576x64xf32, #tpu.memory_space<hbm>>
    tpu.enqueue_indirect_dma source(%dma_start3A_22 : memref<1048576x64xf32, #tpu.memory_space<hbm>>) target(%arg9 : memref<128x64xf32, #tpu.memory_space<vmem>>) offsets(%dma_start3A_19 : memref<128xi32, #tpu.memory_space<vmem>>) semaphore(%arg18 : memref<!tpu.dma_semaphore, #tpu.memory_space<semaphore_mem>>)
    %dma_start3A_23 = arith.constant 1 : i32
    %dma_start3A_24 = arith.constant 0 : i32
    %dma_start3A_25 = tpu.memref_slice %arg7[%dma_start3A_23, %dma_start3A_24] : memref<128x72xi32, #tpu.memory_space<vmem>> -> memref<1x72xi32, #tpu.memory_space<vmem>>
    %dma_start3A_26 = tpu.memref_squeeze %dma_start3A_25 : memref<1x72xi32, #tpu.memory_space<vmem>> -> memref<72xi32, #tpu.memory_space<vmem>>
    %dma_start3A_27 = arith.constant 0 : i32
    %dma_start3A_28 = arith.constant 0 : i32
    %dma_start3A_29 = tpu.memref_slice %arg4[%dma_start3A_27, %dma_start3A_28] : memref<1048576x64xf32, #tpu.memory_space<hbm>> -> memref<1048576x64xf32, #tpu.memory_space<hbm>>
    tpu.enqueue_indirect_dma source(%dma_start3A_29 : memref<1048576x64xf32, #tpu.memory_space<hbm>>) target(%arg13 : memref<72x64xf32, #tpu.memory_space<vmem>>) offsets(%dma_start3A_26 : memref<72xi32, #tpu.memory_space<vmem>>) semaphore(%arg22 : memref<!tpu.dma_semaphore, #tpu.memory_space<semaphore_mem>>)
    %dma_start3A_30 = arith.constant 2 : i32
    %dma_start3A_31 = arith.constant 0 : i32
    %dma_start3A_32 = tpu.memref_slice %arg6[%dma_start3A_30, %dma_start3A_31] : memref<128x128xi32, #tpu.memory_space<vmem>> -> memref<1x128xi32, #tpu.memory_space<vmem>>
    %dma_start3A_33 = tpu.memref_squeeze %dma_start3A_32 : memref<1x128xi32, #tpu.memory_space<vmem>> -> memref<128xi32, #tpu.memory_space<vmem>>
    %dma_start3A_34 = arith.constant 0 : i32
    %dma_start3A_35 = arith.constant 0 : i32
    %dma_start3A_36 = tpu.memref_slice %arg4[%dma_start3A_34, %dma_start3A_35] : memref<1048576x64xf32, #tpu.memory_space<hbm>> -> memref<1048576x64xf32, #tpu.memory_space<hbm>>
    tpu.enqueue_indirect_dma source(%dma_start3A_36 : memref<1048576x64xf32, #tpu.memory_space<hbm>>) target(%arg10 : memref<128x64xf32, #tpu.memory_space<vmem>>) offsets(%dma_start3A_33 : memref<128xi32, #tpu.memory_space<vmem>>) semaphore(%arg19 : memref<!tpu.dma_semaphore, #tpu.memory_space<semaphore_mem>>)
    %dma_start3A_37 = arith.constant 2 : i32
    %dma_start3A_38 = arith.constant 0 : i32
    %dma_start3A_39 = tpu.memref_slice %arg7[%dma_start3A_37, %dma_start3A_38] : memref<128x72xi32, #tpu.memory_space<vmem>> -> memref<1x72xi32, #tpu.memory_space<vmem>>
    %dma_start3A_40 = tpu.memref_squeeze %dma_start3A_39 : memref<1x72xi32, #tpu.memory_space<vmem>> -> memref<72xi32, #tpu.memory_space<vmem>>
    %dma_start3A_41 = arith.constant 0 : i32
    %dma_start3A_42 = arith.constant 0 : i32
    %dma_start3A_43 = tpu.memref_slice %arg4[%dma_start3A_41, %dma_start3A_42] : memref<1048576x64xf32, #tpu.memory_space<hbm>> -> memref<1048576x64xf32, #tpu.memory_space<hbm>>
    tpu.enqueue_indirect_dma source(%dma_start3A_43 : memref<1048576x64xf32, #tpu.memory_space<hbm>>) target(%arg14 : memref<72x64xf32, #tpu.memory_space<vmem>>) offsets(%dma_start3A_40 : memref<72xi32, #tpu.memory_space<vmem>>) semaphore(%arg23 : memref<!tpu.dma_semaphore, #tpu.memory_space<semaphore_mem>>)
    %scan3A = arith.constant 0 : i32
    %scan3A_44 = arith.constant 0 : i32
    %scan3A_45 = arith.constant 32 : i32
    %scan3A_46 = arith.addi %scan3A_44, %scan3A_45 : i32
    %scan3A_47 = arith.constant 1 : i32
    scf.for %scan3A_90 = %scan3A_44 to %scan3A_46 step %scan3A_47  : i32 {
      %mul3A_91 = arith.constant 4 : i32
      %mul3A_92 = arith.muli %mul3A_91, %scan3A_90 : i32
      %add3A_93 = arith.constant 0 : i32
      %add3A_94 = arith.addi %mul3A_92, %add3A_93 : i32
      %add3A_95 = arith.constant 4 : i32
      %add3A_96 = arith.addi %add3A_94, %add3A_95 : i32
      %sub3A = arith.constant 1 : i32
      %sub3A_97 = arith.subi %add3A_96, %sub3A : i32
      %min3A = arith.constant 127 : i32
      %min3A_98 = arith.minsi %sub3A_97, %min3A : i32
      %dma_start3A_99 = arith.constant 0 : i32
      %dma_start3A_100 = tpu.memref_slice %arg6[%min3A_98, %dma_start3A_99] : memref<128x128xi32, #tpu.memory_space<vmem>> -> memref<1x128xi32, #tpu.memory_space<vmem>>
      %dma_start3A_101 = tpu.memref_squeeze %dma_start3A_100 : memref<1x128xi32, #tpu.memory_space<vmem>> -> memref<128xi32, #tpu.memory_space<vmem>>
      %dma_start3A_102 = arith.constant 0 : i32
      %dma_start3A_103 = arith.constant 0 : i32
      %dma_start3A_104 = tpu.memref_slice %arg4[%dma_start3A_102, %dma_start3A_103] : memref<1048576x64xf32, #tpu.memory_space<hbm>> -> memref<1048576x64xf32, #tpu.memory_space<hbm>>
      tpu.enqueue_indirect_dma source(%dma_start3A_104 : memref<1048576x64xf32, #tpu.memory_space<hbm>>) target(%arg11 : memref<128x64xf32, #tpu.memory_space<vmem>>) offsets(%dma_start3A_101 : memref<128xi32, #tpu.memory_space<vmem>>) semaphore(%arg20 : memref<!tpu.dma_semaphore, #tpu.memory_space<semaphore_mem>>)
      %dma_start3A_105 = arith.constant 0 : i32
      %dma_start3A_106 = tpu.memref_slice %arg7[%min3A_98, %dma_start3A_105] : memref<128x72xi32, #tpu.memory_space<vmem>> -> memref<1x72xi32, #tpu.memory_space<vmem>>
      %dma_start3A_107 = tpu.memref_squeeze %dma_start3A_106 : memref<1x72xi32, #tpu.memory_space<vmem>> -> memref<72xi32, #tpu.memory_space<vmem>>
      %dma_start3A_108 = arith.constant 0 : i32
      %dma_start3A_109 = arith.constant 0 : i32
      %dma_start3A_110 = tpu.memref_slice %arg4[%dma_start3A_108, %dma_start3A_109] : memref<1048576x64xf32, #tpu.memory_space<hbm>> -> memref<1048576x64xf32, #tpu.memory_space<hbm>>
      tpu.enqueue_indirect_dma source(%dma_start3A_110 : memref<1048576x64xf32, #tpu.memory_space<hbm>>) target(%arg15 : memref<72x64xf32, #tpu.memory_space<vmem>>) offsets(%dma_start3A_107 : memref<72xi32, #tpu.memory_space<vmem>>) semaphore(%arg24 : memref<!tpu.dma_semaphore, #tpu.memory_space<semaphore_mem>>)
      %dma_wait3A_111 = arith.constant 0 : i32
      %dma_wait3A_112 = arith.constant 0 : i32
      %dma_wait3A_113 = tpu.memref_slice %arg6[%dma_wait3A_111, %dma_wait3A_112] : memref<128x128xi32, #tpu.memory_space<vmem>> -> memref<1x128xi32, #tpu.memory_space<vmem>>
      %dma_wait3A_114 = tpu.memref_squeeze %dma_wait3A_113 : memref<1x128xi32, #tpu.memory_space<vmem>> -> memref<128xi32, #tpu.memory_space<vmem>>
      %dma_wait3A_115 = arith.constant 0 : i32
      %dma_wait3A_116 = arith.constant 0 : i32
      %dma_wait3A_117 = tpu.memref_slice %arg4[%dma_wait3A_115, %dma_wait3A_116] : memref<1048576x64xf32, #tpu.memory_space<hbm>> -> memref<1048576x64xf32, #tpu.memory_space<hbm>>
      tpu.wait_indirect_dma semaphore(%arg17 : memref<!tpu.dma_semaphore, #tpu.memory_space<semaphore_mem>>) src(%dma_wait3A_117 : memref<1048576x64xf32, #tpu.memory_space<hbm>>) dst(%arg8 : memref<128x64xf32, #tpu.memory_space<vmem>>)
      %dma_wait3A_118 = arith.constant 0 : i32
      %dma_wait3A_119 = arith.constant 0 : i32
      %dma_wait3A_120 = tpu.memref_slice %arg7[%dma_wait3A_118, %dma_wait3A_119] : memref<128x72xi32, #tpu.memory_space<vmem>> -> memref<1x72xi32, #tpu.memory_space<vmem>>
      %dma_wait3A_121 = tpu.memref_squeeze %dma_wait3A_120 : memref<1x72xi32, #tpu.memory_space<vmem>> -> memref<72xi32, #tpu.memory_space<vmem>>
      %dma_wait3A_122 = arith.constant 0 : i32
      %dma_wait3A_123 = arith.constant 0 : i32
      %dma_wait3A_124 = tpu.memref_slice %arg4[%dma_wait3A_122, %dma_wait3A_123] : memref<1048576x64xf32, #tpu.memory_space<hbm>> -> memref<1048576x64xf32, #tpu.memory_space<hbm>>
      tpu.wait_indirect_dma semaphore(%arg21 : memref<!tpu.dma_semaphore, #tpu.memory_space<semaphore_mem>>) src(%dma_wait3A_124 : memref<1048576x64xf32, #tpu.memory_space<hbm>>) dst(%arg12 : memref<72x64xf32, #tpu.memory_space<vmem>>)
      %broadcast_in_dim3A = arith.constant 0xFF800000 : f32
      %broadcast_in_dim3A_125 = vector.broadcast %broadcast_in_dim3A : f32 to vector<16xf32>
      %broadcast_in_dim3A_126 = arith.constant 0xFF800000 : f32
      %broadcast_in_dim3A_127 = vector.broadcast %broadcast_in_dim3A_126 : f32 to vector<16xf32>
      %broadcast_in_dim3A_128 = arith.constant 0xFF800000 : f32
      %broadcast_in_dim3A_129 = vector.broadcast %broadcast_in_dim3A_128 : f32 to vector<16xf32>
      %broadcast_in_dim3A_130 = arith.constant 0xFF800000 : f32
      %broadcast_in_dim3A_131 = vector.broadcast %broadcast_in_dim3A_130 : f32 to vector<16xf32>
      %scan3A_132 = arith.constant 0 : i32
      %scan3A_133 = arith.constant 128 : i32
      %scan3A_134 = arith.addi %scan3A_132, %scan3A_133 : i32
      %scan3A_135 = arith.constant 8 : i32
      %scan3A_136:4 = scf.for %scan3A_385 = %scan3A_132 to %scan3A_134 step %scan3A_135 iter_args(%scan3A_386 = %broadcast_in_dim3A_125, %scan3A_387 = %broadcast_in_dim3A_127, %scan3A_388 = %broadcast_in_dim3A_129, %scan3A_389 = %broadcast_in_dim3A_131) -> (vector<16xf32>, vector<16xf32>, vector<16xf32>, vector<16xf32>)  : i32 {
        %get3A = arith.index_cast %scan3A_385 : i32 to index
        %get3A_390 = arith.constant 0 : index
        %get3A_391 = tpu.vector_load %arg8[%get3A, %get3A_390] {strides = array<i32>} : memref<128x64xf32, #tpu.memory_space<vmem>>, vector<1x16xf32>,
        %get3A_392 = vector.shape_cast %get3A_391 : vector<1x16xf32> to vector<16xf32>
        %max3A = arith.maximumf %scan3A_386, %get3A_392 : vector<16xf32>
        %get3A_393 = arith.index_cast %scan3A_385 : i32 to index
        %get3A_394 = arith.constant 16 : index
        %get3A_395 = tpu.vector_load %arg8[%get3A_393, %get3A_394] {strides = array<i32>} : memref<128x64xf32, #tpu.memory_space<vmem>>, vector<1x16xf32>,
        %get3A_396 = vector.shape_cast %get3A_395 : vector<1x16xf32> to vector<16xf32>
        %max3A_397 = arith.maximumf %scan3A_387, %get3A_396 : vector<16xf32>
        %get3A_398 = arith.index_cast %scan3A_385 : i32 to index
        %get3A_399 = arith.constant 32 : index
        %get3A_400 = tpu.vector_load %arg8[%get3A_398, %get3A_399] {strides = array<i32>} : memref<128x64xf32, #tpu.memory_space<vmem>>, vector<1x16xf32>,
        %get3A_401 = vector.shape_cast %get3A_400 : vector<1x16xf32> to vector<16xf32>
        %max3A_402 = arith.maximumf %scan3A_388, %get3A_401 : vector<16xf32>
        %get3A_403 = arith.index_cast %scan3A_385 : i32 to index
        %get3A_404 = arith.constant 48 : index
        %get3A_405 = tpu.vector_load %arg8[%get3A_403, %get3A_404] {strides = array<i32>} : memref<128x64xf32, #tpu.memory_space<vmem>>, vector<1x16xf32>,
        %get3A_406 = vector.shape_cast %get3A_405 : vector<1x16xf32> to vector<16xf32>
        %max3A_407 = arith.maximumf %scan3A_389, %get3A_406 : vector<16xf32>
        %scan3A_408 = arith.constant 1 : i32
        %scan3A_409 = arith.addi %scan3A_385, %scan3A_408 : i32
        %get3A_410 = arith.index_cast %scan3A_409 : i32 to index
        %get3A_411 = arith.constant 0 : index
        %get3A_412 = tpu.vector_load %arg8[%get3A_410, %get3A_411] {strides = array<i32>} : memref<128x64xf32, #tpu.memory_space<vmem>>, vector<1x16xf32>,
        %get3A_413 = vector.shape_cast %get3A_412 : vector<1x16xf32> to vector<16xf32>
        %max3A_414 = arith.maximumf %max3A, %get3A_413 : vector<16xf32>
        %get3A_415 = arith.index_cast %scan3A_409 : i32 to index
        %get3A_416 = arith.constant 16 : index
        %get3A_417 = tpu.vector_load %arg8[%get3A_415, %get3A_416] {strides = array<i32>} : memref<128x64xf32, #tpu.memory_space<vmem>>, vector<1x16xf32>,
        %get3A_418 = vector.shape_cast %get3A_417 : vector<1x16xf32> to vector<16xf32>
        %max3A_419 = arith.maximumf %max3A_397, %get3A_418 : vector<16xf32>
        %get3A_420 = arith.index_cast %scan3A_409 : i32 to index
        %get3A_421 = arith.constant 32 : index
        %get3A_422 = tpu.vector_load %arg8[%get3A_420, %get3A_421] {strides = array<i32>} : memref<128x64xf32, #tpu.memory_space<vmem>>, vector<1x16xf32>,
        %get3A_423 = vector.shape_cast %get3A_422 : vector<1x16xf32> to vector<16xf32>
        %max3A_424 = arith.maximumf %max3A_402, %get3A_423 : vector<16xf32>
        %get3A_425 = arith.index_cast %scan3A_409 : i32 to index
        %get3A_426 = arith.constant 48 : index
        %get3A_427 = tpu.vector_load %arg8[%get3A_425, %get3A_426] {strides = array<i32>} : memref<128x64xf32, #tpu.memory_space<vmem>>, vector<1x16xf32>,
        %get3A_428 = vector.shape_cast %get3A_427 : vector<1x16xf32> to vector<16xf32>
        %max3A_429 = arith.maximumf %max3A_407, %get3A_428 : vector<16xf32>
        %scan3A_430 = arith.constant 2 : i32
        %scan3A_431 = arith.addi %scan3A_385, %scan3A_430 : i32
        %get3A_432 = arith.index_cast %scan3A_431 : i32 to index
        %get3A_433 = arith.constant 0 : index
        %get3A_434 = tpu.vector_load %arg8[%get3A_432, %get3A_433] {strides = array<i32>} : memref<128x64xf32, #tpu.memory_space<vmem>>, vector<1x16xf32>,
        %get3A_435 = vector.shape_cast %get3A_434 : vector<1x16xf32> to vector<16xf32>
        %max3A_436 = arith.maximumf %max3A_414, %get3A_435 : vector<16xf32>
        %get3A_437 = arith.index_cast %scan3A_431 : i32 to index
        %get3A_438 = arith.constant 16 : index
        %get3A_439 = tpu.vector_load %arg8[%get3A_437, %get3A_438] {strides = array<i32>} : memref<128x64xf32, #tpu.memory_space<vmem>>, vector<1x16xf32>,
        %get3A_440 = vector.shape_cast %get3A_439 : vector<1x16xf32> to vector<16xf32>
        %max3A_441 = arith.maximumf %max3A_419, %get3A_440 : vector<16xf32>
        %get3A_442 = arith.index_cast %scan3A_431 : i32 to index
        %get3A_443 = arith.constant 32 : index
        %get3A_444 = tpu.vector_load %arg8[%get3A_442, %get3A_443] {strides = array<i32>} : memref<128x64xf32, #tpu.memory_space<vmem>>, vector<1x16xf32>,
        %get3A_445 = vector.shape_cast %get3A_444 : vector<1x16xf32> to vector<16xf32>
        %max3A_446 = arith.maximumf %max3A_424, %get3A_445 : vector<16xf32>
        %get3A_447 = arith.index_cast %scan3A_431 : i32 to index
        %get3A_448 = arith.constant 48 : index
        %get3A_449 = tpu.vector_load %arg8[%get3A_447, %get3A_448] {strides = array<i32>} : memref<128x64xf32, #tpu.memory_space<vmem>>, vector<1x16xf32>,
        %get3A_450 = vector.shape_cast %get3A_449 : vector<1x16xf32> to vector<16xf32>
        %max3A_451 = arith.maximumf %max3A_429, %get3A_450 : vector<16xf32>
        %scan3A_452 = arith.constant 3 : i32
        %scan3A_453 = arith.addi %scan3A_385, %scan3A_452 : i32
        %get3A_454 = arith.index_cast %scan3A_453 : i32 to index
        %get3A_455 = arith.constant 0 : index
        %get3A_456 = tpu.vector_load %arg8[%get3A_454, %get3A_455] {strides = array<i32>} : memref<128x64xf32, #tpu.memory_space<vmem>>, vector<1x16xf32>,
        %get3A_457 = vector.shape_cast %get3A_456 : vector<1x16xf32> to vector<16xf32>
        %max3A_458 = arith.maximumf %max3A_436, %get3A_457 : vector<16xf32>
        %get3A_459 = arith.index_cast %scan3A_453 : i32 to index
        %get3A_460 = arith.constant 16 : index
        %get3A_461 = tpu.vector_load %arg8[%get3A_459, %get3A_460] {strides = array<i32>} : memref<128x64xf32, #tpu.memory_space<vmem>>, vector<1x16xf32>,
        %get3A_462 = vector.shape_cast %get3A_461 : vector<1x16xf32> to vector<16xf32>
        %max3A_463 = arith.maximumf %max3A_441, %get3A_462 : vector<16xf32>
        %get3A_464 = arith.index_cast %scan3A_453 : i32 to index
        %get3A_465 = arith.constant 32 : index
        %get3A_466 = tpu.vector_load %arg8[%get3A_464, %get3A_465] {strides = array<i32>} : memref<128x64xf32, #tpu.memory_space<vmem>>, vector<1x16xf32>,
        %get3A_467 = vector.shape_cast %get3A_466 : vector<1x16xf32> to vector<16xf32>
        %max3A_468 = arith.maximumf %max3A_446, %get3A_467 : vector<16xf32>
        %get3A_469 = arith.index_cast %scan3A_453 : i32 to index
        %get3A_470 = arith.constant 48 : index
        %get3A_471 = tpu.vector_load %arg8[%get3A_469, %get3A_470] {strides = array<i32>} : memref<128x64xf32, #tpu.memory_space<vmem>>, vector<1x16xf32>,
        %get3A_472 = vector.shape_cast %get3A_471 : vector<1x16xf32> to vector<16xf32>
        %max3A_473 = arith.maximumf %max3A_451, %get3A_472 : vector<16xf32>
        %scan3A_474 = arith.constant 4 : i32
        %scan3A_475 = arith.addi %scan3A_385, %scan3A_474 : i32
        %get3A_476 = arith.index_cast %scan3A_475 : i32 to index
        %get3A_477 = arith.constant 0 : index
        %get3A_478 = tpu.vector_load %arg8[%get3A_476, %get3A_477] {strides = array<i32>} : memref<128x64xf32, #tpu.memory_space<vmem>>, vector<1x16xf32>,
        %get3A_479 = vector.shape_cast %get3A_478 : vector<1x16xf32> to vector<16xf32>
        %max3A_480 = arith.maximumf %max3A_458, %get3A_479 : vector<16xf32>
        %get3A_481 = arith.index_cast %scan3A_475 : i32 to index
        %get3A_482 = arith.constant 16 : index
        %get3A_483 = tpu.vector_load %arg8[%get3A_481, %get3A_482] {strides = array<i32>} : memref<128x64xf32, #tpu.memory_space<vmem>>, vector<1x16xf32>,
        %get3A_484 = vector.shape_cast %get3A_483 : vector<1x16xf32> to vector<16xf32>
        %max3A_485 = arith.maximumf %max3A_463, %get3A_484 : vector<16xf32>
        %get3A_486 = arith.index_cast %scan3A_475 : i32 to index
        %get3A_487 = arith.constant 32 : index
        %get3A_488 = tpu.vector_load %arg8[%get3A_486, %get3A_487] {strides = array<i32>} : memref<128x64xf32, #tpu.memory_space<vmem>>, vector<1x16xf32>,
        %get3A_489 = vector.shape_cast %get3A_488 : vector<1x16xf32> to vector<16xf32>
        %max3A_490 = arith.maximumf %max3A_468, %get3A_489 : vector<16xf32>
        %get3A_491 = arith.index_cast %scan3A_475 : i32 to index
        %get3A_492 = arith.constant 48 : index
        %get3A_493 = tpu.vector_load %arg8[%get3A_491, %get3A_492] {strides = array<i32>} : memref<128x64xf32, #tpu.memory_space<vmem>>, vector<1x16xf32>,
        %get3A_494 = vector.shape_cast %get3A_493 : vector<1x16xf32> to vector<16xf32>
        %max3A_495 = arith.maximumf %max3A_473, %get3A_494 : vector<16xf32>
        %scan3A_496 = arith.constant 5 : i32
        %scan3A_497 = arith.addi %scan3A_385, %scan3A_496 : i32
        %get3A_498 = arith.index_cast %scan3A_497 : i32 to index
        %get3A_499 = arith.constant 0 : index
        %get3A_500 = tpu.vector_load %arg8[%get3A_498, %get3A_499] {strides = array<i32>} : memref<128x64xf32, #tpu.memory_space<vmem>>, vector<1x16xf32>,
        %get3A_501 = vector.shape_cast %get3A_500 : vector<1x16xf32> to vector<16xf32>
        %max3A_502 = arith.maximumf %max3A_480, %get3A_501 : vector<16xf32>
        %get3A_503 = arith.index_cast %scan3A_497 : i32 to index
        %get3A_504 = arith.constant 16 : index
        %get3A_505 = tpu.vector_load %arg8[%get3A_503, %get3A_504] {strides = array<i32>} : memref<128x64xf32, #tpu.memory_space<vmem>>, vector<1x16xf32>,
        %get3A_506 = vector.shape_cast %get3A_505 : vector<1x16xf32> to vector<16xf32>
        %max3A_507 = arith.maximumf %max3A_485, %get3A_506 : vector<16xf32>
        %get3A_508 = arith.index_cast %scan3A_497 : i32 to index
        %get3A_509 = arith.constant 32 : index
        %get3A_510 = tpu.vector_load %arg8[%get3A_508, %get3A_509] {strides = array<i32>} : memref<128x64xf32, #tpu.memory_space<vmem>>, vector<1x16xf32>,
        %get3A_511 = vector.shape_cast %get3A_510 : vector<1x16xf32> to vector<16xf32>
        %max3A_512 = arith.maximumf %max3A_490, %get3A_511 : vector<16xf32>
        %get3A_513 = arith.index_cast %scan3A_497 : i32 to index
        %get3A_514 = arith.constant 48 : index
        %get3A_515 = tpu.vector_load %arg8[%get3A_513, %get3A_514] {strides = array<i32>} : memref<128x64xf32, #tpu.memory_space<vmem>>, vector<1x16xf32>,
        %get3A_516 = vector.shape_cast %get3A_515 : vector<1x16xf32> to vector<16xf32>
        %max3A_517 = arith.maximumf %max3A_495, %get3A_516 : vector<16xf32>
        %scan3A_518 = arith.constant 6 : i32
        %scan3A_519 = arith.addi %scan3A_385, %scan3A_518 : i32
        %get3A_520 = arith.index_cast %scan3A_519 : i32 to index
        %get3A_521 = arith.constant 0 : index
        %get3A_522 = tpu.vector_load %arg8[%get3A_520, %get3A_521] {strides = array<i32>} : memref<128x64xf32, #tpu.memory_space<vmem>>, vector<1x16xf32>,
        %get3A_523 = vector.shape_cast %get3A_522 : vector<1x16xf32> to vector<16xf32>
        %max3A_524 = arith.maximumf %max3A_502, %get3A_523 : vector<16xf32>
        %get3A_525 = arith.index_cast %scan3A_519 : i32 to index
        %get3A_526 = arith.constant 16 : index
        %get3A_527 = tpu.vector_load %arg8[%get3A_525, %get3A_526] {strides = array<i32>} : memref<128x64xf32, #tpu.memory_space<vmem>>, vector<1x16xf32>,
        %get3A_528 = vector.shape_cast %get3A_527 : vector<1x16xf32> to vector<16xf32>
        %max3A_529 = arith.maximumf %max3A_507, %get3A_528 : vector<16xf32>
        %get3A_530 = arith.index_cast %scan3A_519 : i32 to index
        %get3A_531 = arith.constant 32 : index
        %get3A_532 = tpu.vector_load %arg8[%get3A_530, %get3A_531] {strides = array<i32>} : memref<128x64xf32, #tpu.memory_space<vmem>>, vector<1x16xf32>,
        %get3A_533 = vector.shape_cast %get3A_532 : vector<1x16xf32> to vector<16xf32>
        %max3A_534 = arith.maximumf %max3A_512, %get3A_533 : vector<16xf32>
        %get3A_535 = arith.index_cast %scan3A_519 : i32 to index
        %get3A_536 = arith.constant 48 : index
        %get3A_537 = tpu.vector_load %arg8[%get3A_535, %get3A_536] {strides = array<i32>} : memref<128x64xf32, #tpu.memory_space<vmem>>, vector<1x16xf32>,
        %get3A_538 = vector.shape_cast %get3A_537 : vector<1x16xf32> to vector<16xf32>
        %max3A_539 = arith.maximumf %max3A_517, %get3A_538 : vector<16xf32>
        %scan3A_540 = arith.constant 7 : i32
        %scan3A_541 = arith.addi %scan3A_385, %scan3A_540 : i32
        %get3A_542 = arith.index_cast %scan3A_541 : i32 to index
        %get3A_543 = arith.constant 0 : index
        %get3A_544 = tpu.vector_load %arg8[%get3A_542, %get3A_543] {strides = array<i32>} : memref<128x64xf32, #tpu.memory_space<vmem>>, vector<1x16xf32>,
        %get3A_545 = vector.shape_cast %get3A_544 : vector<1x16xf32> to vector<16xf32>
        %max3A_546 = arith.maximumf %max3A_524, %get3A_545 : vector<16xf32>
        %get3A_547 = arith.index_cast %scan3A_541 : i32 to index
        %get3A_548 = arith.constant 16 : index
        %get3A_549 = tpu.vector_load %arg8[%get3A_547, %get3A_548] {strides = array<i32>} : memref<128x64xf32, #tpu.memory_space<vmem>>, vector<1x16xf32>,
        %get3A_550 = vector.shape_cast %get3A_549 : vector<1x16xf32> to vector<16xf32>
        %max3A_551 = arith.maximumf %max3A_529, %get3A_550 : vector<16xf32>
        %get3A_552 = arith.index_cast %scan3A_541 : i32 to index
        %get3A_553 = arith.constant 32 : index
        %get3A_554 = tpu.vector_load %arg8[%get3A_552, %get3A_553] {strides = array<i32>} : memref<128x64xf32, #tpu.memory_space<vmem>>, vector<1x16xf32>,
        %get3A_555 = vector.shape_cast %get3A_554 : vector<1x16xf32> to vector<16xf32>
        %max3A_556 = arith.maximumf %max3A_534, %get3A_555 : vector<16xf32>
        %get3A_557 = arith.index_cast %scan3A_541 : i32 to index
        %get3A_558 = arith.constant 48 : index
        %get3A_559 = tpu.vector_load %arg8[%get3A_557, %get3A_558] {strides = array<i32>} : memref<128x64xf32, #tpu.memory_space<vmem>>, vector<1x16xf32>,
        %get3A_560 = vector.shape_cast %get3A_559 : vector<1x16xf32> to vector<16xf32>
        %max3A_561 = arith.maximumf %max3A_539, %get3A_560 : vector<16xf32>
        scf.yield %max3A_546, %max3A_551, %max3A_556, %max3A_561 : vector<16xf32>, vector<16xf32>, vector<16xf32>, vector<16xf32>
      }
      %scan3A_137 = arith.constant 128 : i32
      %scan3A_138 = arith.constant 0 : i32
      %scan3A_139 = arith.constant 72 : i32
      %scan3A_140 = arith.addi %scan3A_138, %scan3A_139 : i32
      %scan3A_141 = arith.constant 8 : i32
      %scan3A_142:4 = scf.for %scan3A_385 = %scan3A_138 to %scan3A_140 step %scan3A_141 iter_args(%scan3A_386 = %scan3A_136#0, %scan3A_387 = %scan3A_136#1, %scan3A_388 = %scan3A_136#2, %scan3A_389 = %scan3A_136#3) -> (vector<16xf32>, vector<16xf32>, vector<16xf32>, vector<16xf32>)  : i32 {
        %get3A = arith.index_cast %scan3A_385 : i32 to index
        %get3A_390 = arith.constant 0 : index
        %get3A_391 = tpu.vector_load %arg12[%get3A, %get3A_390] {strides = array<i32>} : memref<72x64xf32, #tpu.memory_space<vmem>>, vector<1x16xf32>,
        %get3A_392 = vector.shape_cast %get3A_391 : vector<1x16xf32> to vector<16xf32>
        %max3A = arith.maximumf %scan3A_386, %get3A_392 : vector<16xf32>
        %get3A_393 = arith.index_cast %scan3A_385 : i32 to index
        %get3A_394 = arith.constant 16 : index
        %get3A_395 = tpu.vector_load %arg12[%get3A_393, %get3A_394] {strides = array<i32>} : memref<72x64xf32, #tpu.memory_space<vmem>>, vector<1x16xf32>,
        %get3A_396 = vector.shape_cast %get3A_395 : vector<1x16xf32> to vector<16xf32>
        %max3A_397 = arith.maximumf %scan3A_387, %get3A_396 : vector<16xf32>
        %get3A_398 = arith.index_cast %scan3A_385 : i32 to index
        %get3A_399 = arith.constant 32 : index
        %get3A_400 = tpu.vector_load %arg12[%get3A_398, %get3A_399] {strides = array<i32>} : memref<72x64xf32, #tpu.memory_space<vmem>>, vector<1x16xf32>,
        %get3A_401 = vector.shape_cast %get3A_400 : vector<1x16xf32> to vector<16xf32>
        %max3A_402 = arith.maximumf %scan3A_388, %get3A_401 : vector<16xf32>
        %get3A_403 = arith.index_cast %scan3A_385 : i32 to index
        %get3A_404 = arith.constant 48 : index
        %get3A_405 = tpu.vector_load %arg12[%get3A_403, %get3A_404] {strides = array<i32>} : memref<72x64xf32, #tpu.memory_space<vmem>>, vector<1x16xf32>,
        %get3A_406 = vector.shape_cast %get3A_405 : vector<1x16xf32> to vector<16xf32>
        %max3A_407 = arith.maximumf %scan3A_389, %get3A_406 : vector<16xf32>
        %scan3A_408 = arith.constant 1 : i32
        %scan3A_409 = arith.addi %scan3A_385, %scan3A_408 : i32
        %get3A_410 = arith.index_cast %scan3A_409 : i32 to index
        %get3A_411 = arith.constant 0 : index
        %get3A_412 = tpu.vector_load %arg12[%get3A_410, %get3A_411] {strides = array<i32>} : memref<72x64xf32, #tpu.memory_space<vmem>>, vector<1x16xf32>,
        %get3A_413 = vector.shape_cast %get3A_412 : vector<1x16xf32> to vector<16xf32>
        %max3A_414 = arith.maximumf %max3A, %get3A_413 : vector<16xf32>
        %get3A_415 = arith.index_cast %scan3A_409 : i32 to index
        %get3A_416 = arith.constant 16 : index
        %get3A_417 = tpu.vector_load %arg12[%get3A_415, %get3A_416] {strides = array<i32>} : memref<72x64xf32, #tpu.memory_space<vmem>>, vector<1x16xf32>,
        %get3A_418 = vector.shape_cast %get3A_417 : vector<1x16xf32> to vector<16xf32>
        %max3A_419 = arith.maximumf %max3A_397, %get3A_418 : vector<16xf32>
        %get3A_420 = arith.index_cast %scan3A_409 : i32 to index
        %get3A_421 = arith.constant 32 : index
        %get3A_422 = tpu.vector_load %arg12[%get3A_420, %get3A_421] {strides = array<i32>} : memref<72x64xf32, #tpu.memory_space<vmem>>, vector<1x16xf32>,
        %get3A_423 = vector.shape_cast %get3A_422 : vector<1x16xf32> to vector<16xf32>
        %max3A_424 = arith.maximumf %max3A_402, %get3A_423 : vector<16xf32>
        %get3A_425 = arith.index_cast %scan3A_409 : i32 to index
        %get3A_426 = arith.constant 48 : index
        %get3A_427 = tpu.vector_load %arg12[%get3A_425, %get3A_426] {strides = array<i32>} : memref<72x64xf32, #tpu.memory_space<vmem>>, vector<1x16xf32>,
        %get3A_428 = vector.shape_cast %get3A_427 : vector<1x16xf32> to vector<16xf32>
        %max3A_429 = arith.maximumf %max3A_407, %get3A_428 : vector<16xf32>
        %scan3A_430 = arith.constant 2 : i32
        %scan3A_431 = arith.addi %scan3A_385, %scan3A_430 : i32
        %get3A_432 = arith.index_cast %scan3A_431 : i32 to index
        %get3A_433 = arith.constant 0 : index
        %get3A_434 = tpu.vector_load %arg12[%get3A_432, %get3A_433] {strides = array<i32>} : memref<72x64xf32, #tpu.memory_space<vmem>>, vector<1x16xf32>,
        %get3A_435 = vector.shape_cast %get3A_434 : vector<1x16xf32> to vector<16xf32>
        %max3A_436 = arith.maximumf %max3A_414, %get3A_435 : vector<16xf32>
        %get3A_437 = arith.index_cast %scan3A_431 : i32 to index
        %get3A_438 = arith.constant 16 : index
        %get3A_439 = tpu.vector_load %arg12[%get3A_437, %get3A_438] {strides = array<i32>} : memref<72x64xf32, #tpu.memory_space<vmem>>, vector<1x16xf32>,
        %get3A_440 = vector.shape_cast %get3A_439 : vector<1x16xf32> to vector<16xf32>
        %max3A_441 = arith.maximumf %max3A_419, %get3A_440 : vector<16xf32>
        %get3A_442 = arith.index_cast %scan3A_431 : i32 to index
        %get3A_443 = arith.constant 32 : index
        %get3A_444 = tpu.vector_load %arg12[%get3A_442, %get3A_443] {strides = array<i32>} : memref<72x64xf32, #tpu.memory_space<vmem>>, vector<1x16xf32>,
        %get3A_445 = vector.shape_cast %get3A_444 : vector<1x16xf32> to vector<16xf32>
        %max3A_446 = arith.maximumf %max3A_424, %get3A_445 : vector<16xf32>
        %get3A_447 = arith.index_cast %scan3A_431 : i32 to index
        %get3A_448 = arith.constant 48 : index
        %get3A_449 = tpu.vector_load %arg12[%get3A_447, %get3A_448] {strides = array<i32>} : memref<72x64xf32, #tpu.memory_space<vmem>>, vector<1x16xf32>,
        %get3A_450 = vector.shape_cast %get3A_449 : vector<1x16xf32> to vector<16xf32>
        %max3A_451 = arith.maximumf %max3A_429, %get3A_450 : vector<16xf32>
        %scan3A_452 = arith.constant 3 : i32
        %scan3A_453 = arith.addi %scan3A_385, %scan3A_452 : i32
        %get3A_454 = arith.index_cast %scan3A_453 : i32 to index
        %get3A_455 = arith.constant 0 : index
        %get3A_456 = tpu.vector_load %arg12[%get3A_454, %get3A_455] {strides = array<i32>} : memref<72x64xf32, #tpu.memory_space<vmem>>, vector<1x16xf32>,
        %get3A_457 = vector.shape_cast %get3A_456 : vector<1x16xf32> to vector<16xf32>
        %max3A_458 = arith.maximumf %max3A_436, %get3A_457 : vector<16xf32>
        %get3A_459 = arith.index_cast %scan3A_453 : i32 to index
        %get3A_460 = arith.constant 16 : index
        %get3A_461 = tpu.vector_load %arg12[%get3A_459, %get3A_460] {strides = array<i32>} : memref<72x64xf32, #tpu.memory_space<vmem>>, vector<1x16xf32>,
        %get3A_462 = vector.shape_cast %get3A_461 : vector<1x16xf32> to vector<16xf32>
        %max3A_463 = arith.maximumf %max3A_441, %get3A_462 : vector<16xf32>
        %get3A_464 = arith.index_cast %scan3A_453 : i32 to index
        %get3A_465 = arith.constant 32 : index
        %get3A_466 = tpu.vector_load %arg12[%get3A_464, %get3A_465] {strides = array<i32>} : memref<72x64xf32, #tpu.memory_space<vmem>>, vector<1x16xf32>,
        %get3A_467 = vector.shape_cast %get3A_466 : vector<1x16xf32> to vector<16xf32>
        %max3A_468 = arith.maximumf %max3A_446, %get3A_467 : vector<16xf32>
        %get3A_469 = arith.index_cast %scan3A_453 : i32 to index
        %get3A_470 = arith.constant 48 : index
        %get3A_471 = tpu.vector_load %arg12[%get3A_469, %get3A_470] {strides = array<i32>} : memref<72x64xf32, #tpu.memory_space<vmem>>, vector<1x16xf32>,
        %get3A_472 = vector.shape_cast %get3A_471 : vector<1x16xf32> to vector<16xf32>
        %max3A_473 = arith.maximumf %max3A_451, %get3A_472 : vector<16xf32>
        %scan3A_474 = arith.constant 4 : i32
        %scan3A_475 = arith.addi %scan3A_385, %scan3A_474 : i32
        %get3A_476 = arith.index_cast %scan3A_475 : i32 to index
        %get3A_477 = arith.constant 0 : index
        %get3A_478 = tpu.vector_load %arg12[%get3A_476, %get3A_477] {strides = array<i32>} : memref<72x64xf32, #tpu.memory_space<vmem>>, vector<1x16xf32>,
        %get3A_479 = vector.shape_cast %get3A_478 : vector<1x16xf32> to vector<16xf32>
        %max3A_480 = arith.maximumf %max3A_458, %get3A_479 : vector<16xf32>
        %get3A_481 = arith.index_cast %scan3A_475 : i32 to index
        %get3A_482 = arith.constant 16 : index
        %get3A_483 = tpu.vector_load %arg12[%get3A_481, %get3A_482] {strides = array<i32>} : memref<72x64xf32, #tpu.memory_space<vmem>>, vector<1x16xf32>,
        %get3A_484 = vector.shape_cast %get3A_483 : vector<1x16xf32> to vector<16xf32>
        %max3A_485 = arith.maximumf %max3A_463, %get3A_484 : vector<16xf32>
        %get3A_486 = arith.index_cast %scan3A_475 : i32 to index
        %get3A_487 = arith.constant 32 : index
        %get3A_488 = tpu.vector_load %arg12[%get3A_486, %get3A_487] {strides = array<i32>} : memref<72x64xf32, #tpu.memory_space<vmem>>, vector<1x16xf32>,
        %get3A_489 = vector.shape_cast %get3A_488 : vector<1x16xf32> to vector<16xf32>
        %max3A_490 = arith.maximumf %max3A_468, %get3A_489 : vector<16xf32>
        %get3A_491 = arith.index_cast %scan3A_475 : i32 to index
        %get3A_492 = arith.constant 48 : index
        %get3A_493 = tpu.vector_load %arg12[%get3A_491, %get3A_492] {strides = array<i32>} : memref<72x64xf32, #tpu.memory_space<vmem>>, vector<1x16xf32>,
        %get3A_494 = vector.shape_cast %get3A_493 : vector<1x16xf32> to vector<16xf32>
        %max3A_495 = arith.maximumf %max3A_473, %get3A_494 : vector<16xf32>
        %scan3A_496 = arith.constant 5 : i32
        %scan3A_497 = arith.addi %scan3A_385, %scan3A_496 : i32
        %get3A_498 = arith.index_cast %scan3A_497 : i32 to index
        %get3A_499 = arith.constant 0 : index
        %get3A_500 = tpu.vector_load %arg12[%get3A_498, %get3A_499] {strides = array<i32>} : memref<72x64xf32, #tpu.memory_space<vmem>>, vector<1x16xf32>,
        %get3A_501 = vector.shape_cast %get3A_500 : vector<1x16xf32> to vector<16xf32>
        %max3A_502 = arith.maximumf %max3A_480, %get3A_501 : vector<16xf32>
        %get3A_503 = arith.index_cast %scan3A_497 : i32 to index
        %get3A_504 = arith.constant 16 : index
        %get3A_505 = tpu.vector_load %arg12[%get3A_503, %get3A_504] {strides = array<i32>} : memref<72x64xf32, #tpu.memory_space<vmem>>, vector<1x16xf32>,
        %get3A_506 = vector.shape_cast %get3A_505 : vector<1x16xf32> to vector<16xf32>
        %max3A_507 = arith.maximumf %max3A_485, %get3A_506 : vector<16xf32>
        %get3A_508 = arith.index_cast %scan3A_497 : i32 to index
        %get3A_509 = arith.constant 32 : index
        %get3A_510 = tpu.vector_load %arg12[%get3A_508, %get3A_509] {strides = array<i32>} : memref<72x64xf32, #tpu.memory_space<vmem>>, vector<1x16xf32>,
        %get3A_511 = vector.shape_cast %get3A_510 : vector<1x16xf32> to vector<16xf32>
        %max3A_512 = arith.maximumf %max3A_490, %get3A_511 : vector<16xf32>
        %get3A_513 = arith.index_cast %scan3A_497 : i32 to index
        %get3A_514 = arith.constant 48 : index
        %get3A_515 = tpu.vector_load %arg12[%get3A_513, %get3A_514] {strides = array<i32>} : memref<72x64xf32, #tpu.memory_space<vmem>>, vector<1x16xf32>,
        %get3A_516 = vector.shape_cast %get3A_515 : vector<1x16xf32> to vector<16xf32>
        %max3A_517 = arith.maximumf %max3A_495, %get3A_516 : vector<16xf32>
        %scan3A_518 = arith.constant 6 : i32
        %scan3A_519 = arith.addi %scan3A_385, %scan3A_518 : i32
        %get3A_520 = arith.index_cast %scan3A_519 : i32 to index
        %get3A_521 = arith.constant 0 : index
        %get3A_522 = tpu.vector_load %arg12[%get3A_520, %get3A_521] {strides = array<i32>} : memref<72x64xf32, #tpu.memory_space<vmem>>, vector<1x16xf32>,
        %get3A_523 = vector.shape_cast %get3A_522 : vector<1x16xf32> to vector<16xf32>
        %max3A_524 = arith.maximumf %max3A_502, %get3A_523 : vector<16xf32>
        %get3A_525 = arith.index_cast %scan3A_519 : i32 to index
        %get3A_526 = arith.constant 16 : index
        %get3A_527 = tpu.vector_load %arg12[%get3A_525, %get3A_526] {strides = array<i32>} : memref<72x64xf32, #tpu.memory_space<vmem>>, vector<1x16xf32>,
        %get3A_528 = vector.shape_cast %get3A_527 : vector<1x16xf32> to vector<16xf32>
        %max3A_529 = arith.maximumf %max3A_507, %get3A_528 : vector<16xf32>
        %get3A_530 = arith.index_cast %scan3A_519 : i32 to index
        %get3A_531 = arith.constant 32 : index
        %get3A_532 = tpu.vector_load %arg12[%get3A_530, %get3A_531] {strides = array<i32>} : memref<72x64xf32, #tpu.memory_space<vmem>>, vector<1x16xf32>,
        %get3A_533 = vector.shape_cast %get3A_532 : vector<1x16xf32> to vector<16xf32>
        %max3A_534 = arith.maximumf %max3A_512, %get3A_533 : vector<16xf32>
        %get3A_535 = arith.index_cast %scan3A_519 : i32 to index
        %get3A_536 = arith.constant 48 : index
        %get3A_537 = tpu.vector_load %arg12[%get3A_535, %get3A_536] {strides = array<i32>} : memref<72x64xf32, #tpu.memory_space<vmem>>, vector<1x16xf32>,
        %get3A_538 = vector.shape_cast %get3A_537 : vector<1x16xf32> to vector<16xf32>
        %max3A_539 = arith.maximumf %max3A_517, %get3A_538 : vector<16xf32>
        %scan3A_540 = arith.constant 7 : i32
        %scan3A_541 = arith.addi %scan3A_385, %scan3A_540 : i32
        %get3A_542 = arith.index_cast %scan3A_541 : i32 to index
        %get3A_543 = arith.constant 0 : index
        %get3A_544 = tpu.vector_load %arg12[%get3A_542, %get3A_543] {strides = array<i32>} : memref<72x64xf32, #tpu.memory_space<vmem>>, vector<1x16xf32>,
        %get3A_545 = vector.shape_cast %get3A_544 : vector<1x16xf32> to vector<16xf32>
        %max3A_546 = arith.maximumf %max3A_524, %get3A_545 : vector<16xf32>
        %get3A_547 = arith.index_cast %scan3A_541 : i32 to index
        %get3A_548 = arith.constant 16 : index
        %get3A_549 = tpu.vector_load %arg12[%get3A_547, %get3A_548] {strides = array<i32>} : memref<72x64xf32, #tpu.memory_space<vmem>>, vector<1x16xf32>,
        %get3A_550 = vector.shape_cast %get3A_549 : vector<1x16xf32> to vector<16xf32>
        %max3A_551 = arith.maximumf %max3A_529, %get3A_550 : vector<16xf32>
        %get3A_552 = arith.index_cast %scan3A_541 : i32 to index
        %get3A_553 = arith.constant 32 : index
        %get3A_554 = tpu.vector_load %arg12[%get3A_552, %get3A_553] {strides = array<i32>} : memref<72x64xf32, #tpu.memory_space<vmem>>, vector<1x16xf32>,
        %get3A_555 = vector.shape_cast %get3A_554 : vector<1x16xf32> to vector<16xf32>
        %max3A_556 = arith.maximumf %max3A_534, %get3A_555 : vector<16xf32>
        %get3A_557 = arith.index_cast %scan3A_541 : i32 to index
        %get3A_558 = arith.constant 48 : index
        %get3A_559 = tpu.vector_load %arg12[%get3A_557, %get3A_558] {strides = array<i32>} : memref<72x64xf32, #tpu.memory_space<vmem>>, vector<1x16xf32>,
        %get3A_560 = vector.shape_cast %get3A_559 : vector<1x16xf32> to vector<16xf32>
        %max3A_561 = arith.maximumf %max3A_539, %get3A_560 : vector<16xf32>
        scf.yield %max3A_546, %max3A_551, %max3A_556, %max3A_561 : vector<16xf32>, vector<16xf32>, vector<16xf32>, vector<16xf32>
      }
      %scan3A_143 = arith.constant 72 : i32
      %swap3A = arith.index_cast %add3A_94 : i32 to index
      %swap3A_144 = arith.constant 0 : index
      %swap3A_145 = tpu.vector_load %arg16[%swap3A, %swap3A_144] {strides = array<i32>} : memref<128x64xf32, #tpu.memory_space<vmem>>, vector<1x16xf32>,
      %swap3A_146 = vector.shape_cast %swap3A_145 : vector<1x16xf32> to vector<16xf32>
      %swap3A_147 = vector.shape_cast %scan3A_142#0 : vector<16xf32> to vector<1x16xf32>
      tpu.vector_store %arg16[%swap3A, %swap3A_144], %swap3A_147 {strides = array<i32>} : memref<128x64xf32, #tpu.memory_space<vmem>>, vector<1x16xf32>,
      %swap3A_148 = arith.index_cast %add3A_94 : i32 to index
      %swap3A_149 = arith.constant 16 : index
      %swap3A_150 = tpu.vector_load %arg16[%swap3A_148, %swap3A_149] {strides = array<i32>} : memref<128x64xf32, #tpu.memory_space<vmem>>, vector<1x16xf32>,
      %swap3A_151 = vector.shape_cast %swap3A_150 : vector<1x16xf32> to vector<16xf32>
      %swap3A_152 = vector.shape_cast %scan3A_142#1 : vector<16xf32> to vector<1x16xf32>
      tpu.vector_store %arg16[%swap3A_148, %swap3A_149], %swap3A_152 {strides = array<i32>} : memref<128x64xf32, #tpu.memory_space<vmem>>, vector<1x16xf32>,
      %swap3A_153 = arith.index_cast %add3A_94 : i32 to index
      %swap3A_154 = arith.constant 32 : index
      %swap3A_155 = tpu.vector_load %arg16[%swap3A_153, %swap3A_154] {strides = array<i32>} : memref<128x64xf32, #tpu.memory_space<vmem>>, vector<1x16xf32>,
      %swap3A_156 = vector.shape_cast %swap3A_155 : vector<1x16xf32> to vector<16xf32>
      %swap3A_157 = vector.shape_cast %scan3A_142#2 : vector<16xf32> to vector<1x16xf32>
      tpu.vector_store %arg16[%swap3A_153, %swap3A_154], %swap3A_157 {strides = array<i32>} : memref<128x64xf32, #tpu.memory_space<vmem>>, vector<1x16xf32>,
      %swap3A_158 = arith.index_cast %add3A_94 : i32 to index
      %swap3A_159 = arith.constant 48 : index
      %swap3A_160 = tpu.vector_load %arg16[%swap3A_158, %swap3A_159] {strides = array<i32>} : memref<128x64xf32, #tpu.memory_space<vmem>>, vector<1x16xf32>,
      %swap3A_161 = vector.shape_cast %swap3A_160 : vector<1x16xf32> to vector<16xf32>
      %swap3A_162 = vector.shape_cast %scan3A_142#3 : vector<16xf32> to vector<1x16xf32>
      tpu.vector_store %arg16[%swap3A_158, %swap3A_159], %swap3A_162 {strides = array<i32>} : memref<128x64xf32, #tpu.memory_space<vmem>>, vector<1x16xf32>,
      %add3A_163 = arith.constant 1 : i32
      %add3A_164 = arith.addi %mul3A_92, %add3A_163 : i32
      %add3A_165 = arith.constant 4 : i32
      %add3A_166 = arith.addi %add3A_164, %add3A_165 : i32
      %sub3A_167 = arith.constant 1 : i32
      %sub3A_168 = arith.subi %add3A_166, %sub3A_167 : i32
      %min3A_169 = arith.constant 127 : i32
      %min3A_170 = arith.minsi %sub3A_168, %min3A_169 : i32
      %dma_start3A_171 = arith.constant 0 : i32
      %dma_start3A_172 = tpu.memref_slice %arg6[%min3A_170, %dma_start3A_171] : memref<128x128xi32, #tpu.memory_space<vmem>> -> memref<1x128xi32, #tpu.memory_space<vmem>>
      %dma_start3A_173 = tpu.memref_squeeze %dma_start3A_172 : memref<1x128xi32, #tpu.memory_space<vmem>> -> memref<128xi32, #tpu.memory_space<vmem>>
      %dma_start3A_174 = arith.constant 0 : i32
      %dma_start3A_175 = arith.constant 0 : i32
      %dma_start3A_176 = tpu.memref_slice %arg4[%dma_start3A_174, %dma_start3A_175] : memref<1048576x64xf32, #tpu.memory_space<hbm>> -> memref<1048576x64xf32, #tpu.memory_space<hbm>>
      tpu.enqueue_indirect_dma source(%dma_start3A_176 : memref<1048576x64xf32, #tpu.memory_space<hbm>>) target(%arg8 : memref<128x64xf32, #tpu.memory_space<vmem>>) offsets(%dma_start3A_173 : memref<128xi32, #tpu.memory_space<vmem>>) semaphore(%arg17 : memref<!tpu.dma_semaphore, #tpu.memory_space<semaphore_mem>>)
      %dma_start3A_177 = arith.constant 0 : i32
      %dma_start3A_178 = tpu.memref_slice %arg7[%min3A_170, %dma_start3A_177] : memref<128x72xi32, #tpu.memory_space<vmem>> -> memref<1x72xi32, #tpu.memory_space<vmem>>
      %dma_start3A_179 = tpu.memref_squeeze %dma_start3A_178 : memref<1x72xi32, #tpu.memory_space<vmem>> -> memref<72xi32, #tpu.memory_space<vmem>>
      %dma_start3A_180 = arith.constant 0 : i32
      %dma_start3A_181 = arith.constant 0 : i32
      %dma_start3A_182 = tpu.memref_slice %arg4[%dma_start3A_180, %dma_start3A_181] : memref<1048576x64xf32, #tpu.memory_space<hbm>> -> memref<1048576x64xf32, #tpu.memory_space<hbm>>
      tpu.enqueue_indirect_dma source(%dma_start3A_182 : memref<1048576x64xf32, #tpu.memory_space<hbm>>) target(%arg12 : memref<72x64xf32, #tpu.memory_space<vmem>>) offsets(%dma_start3A_179 : memref<72xi32, #tpu.memory_space<vmem>>) semaphore(%arg21 : memref<!tpu.dma_semaphore, #tpu.memory_space<semaphore_mem>>)
      %dma_wait3A_183 = arith.constant 0 : i32
      %dma_wait3A_184 = arith.constant 0 : i32
      %dma_wait3A_185 = tpu.memref_slice %arg6[%dma_wait3A_183, %dma_wait3A_184] : memref<128x128xi32, #tpu.memory_space<vmem>> -> memref<1x128xi32, #tpu.memory_space<vmem>>
      %dma_wait3A_186 = tpu.memref_squeeze %dma_wait3A_185 : memref<1x128xi32, #tpu.memory_space<vmem>> -> memref<128xi32, #tpu.memory_space<vmem>>
      %dma_wait3A_187 = arith.constant 0 : i32
      %dma_wait3A_188 = arith.constant 0 : i32
      %dma_wait3A_189 = tpu.memref_slice %arg4[%dma_wait3A_187, %dma_wait3A_188] : memref<1048576x64xf32, #tpu.memory_space<hbm>> -> memref<1048576x64xf32, #tpu.memory_space<hbm>>
      tpu.wait_indirect_dma semaphore(%arg18 : memref<!tpu.dma_semaphore, #tpu.memory_space<semaphore_mem>>) src(%dma_wait3A_189 : memref<1048576x64xf32, #tpu.memory_space<hbm>>) dst(%arg9 : memref<128x64xf32, #tpu.memory_space<vmem>>)
      %dma_wait3A_190 = arith.constant 0 : i32
      %dma_wait3A_191 = arith.constant 0 : i32
      %dma_wait3A_192 = tpu.memref_slice %arg7[%dma_wait3A_190, %dma_wait3A_191] : memref<128x72xi32, #tpu.memory_space<vmem>> -> memref<1x72xi32, #tpu.memory_space<vmem>>
      %dma_wait3A_193 = tpu.memref_squeeze %dma_wait3A_192 : memref<1x72xi32, #tpu.memory_space<vmem>> -> memref<72xi32, #tpu.memory_space<vmem>>
      %dma_wait3A_194 = arith.constant 0 : i32
      %dma_wait3A_195 = arith.constant 0 : i32
      %dma_wait3A_196 = tpu.memref_slice %arg4[%dma_wait3A_194, %dma_wait3A_195] : memref<1048576x64xf32, #tpu.memory_space<hbm>> -> memref<1048576x64xf32, #tpu.memory_space<hbm>>
      tpu.wait_indirect_dma semaphore(%arg22 : memref<!tpu.dma_semaphore, #tpu.memory_space<semaphore_mem>>) src(%dma_wait3A_196 : memref<1048576x64xf32, #tpu.memory_space<hbm>>) dst(%arg13 : memref<72x64xf32, #tpu.memory_space<vmem>>)
      %broadcast_in_dim3A_197 = arith.constant 0xFF800000 : f32
      %broadcast_in_dim3A_198 = vector.broadcast %broadcast_in_dim3A_197 : f32 to vector<16xf32>
      %broadcast_in_dim3A_199 = arith.constant 0xFF800000 : f32
      %broadcast_in_dim3A_200 = vector.broadcast %broadcast_in_dim3A_199 : f32 to vector<16xf32>
      %broadcast_in_dim3A_201 = arith.constant 0xFF800000 : f32
      %broadcast_in_dim3A_202 = vector.broadcast %broadcast_in_dim3A_201 : f32 to vector<16xf32>
      %broadcast_in_dim3A_203 = arith.constant 0xFF800000 : f32
      %broadcast_in_dim3A_204 = vector.broadcast %broadcast_in_dim3A_203 : f32 to vector<16xf32>
      %scan3A_205 = arith.constant 0 : i32
      %scan3A_206 = arith.constant 128 : i32
      %scan3A_207 = arith.addi %scan3A_205, %scan3A_206 : i32
      %scan3A_208 = arith.constant 8 : i32
      %scan3A_209:4 = scf.for %scan3A_385 = %scan3A_205 to %scan3A_207 step %scan3A_208 iter_args(%scan3A_386 = %broadcast_in_dim3A_198, %scan3A_387 = %broadcast_in_dim3A_200, %scan3A_388 = %broadcast_in_dim3A_202, %scan3A_389 = %broadcast_in_dim3A_204) -> (vector<16xf32>, vector<16xf32>, vector<16xf32>, vector<16xf32>)  : i32 {
        %get3A = arith.index_cast %scan3A_385 : i32 to index
        %get3A_390 = arith.constant 0 : index
        %get3A_391 = tpu.vector_load %arg9[%get3A, %get3A_390] {strides = array<i32>} : memref<128x64xf32, #tpu.memory_space<vmem>>, vector<1x16xf32>,
        %get3A_392 = vector.shape_cast %get3A_391 : vector<1x16xf32> to vector<16xf32>
        %max3A = arith.maximumf %scan3A_386, %get3A_392 : vector<16xf32>
        %get3A_393 = arith.index_cast %scan3A_385 : i32 to index
        %get3A_394 = arith.constant 16 : index
        %get3A_395 = tpu.vector_load %arg9[%get3A_393, %get3A_394] {strides = array<i32>} : memref<128x64xf32, #tpu.memory_space<vmem>>, vector<1x16xf32>,
        %get3A_396 = vector.shape_cast %get3A_395 : vector<1x16xf32> to vector<16xf32>
        %max3A_397 = arith.maximumf %scan3A_387, %get3A_396 : vector<16xf32>
        %get3A_398 = arith.index_cast %scan3A_385 : i32 to index
        %get3A_399 = arith.constant 32 : index
        %get3A_400 = tpu.vector_load %arg9[%get3A_398, %get3A_399] {strides = array<i32>} : memref<128x64xf32, #tpu.memory_space<vmem>>, vector<1x16xf32>,
        %get3A_401 = vector.shape_cast %get3A_400 : vector<1x16xf32> to vector<16xf32>
        %max3A_402 = arith.maximumf %scan3A_388, %get3A_401 : vector<16xf32>
        %get3A_403 = arith.index_cast %scan3A_385 : i32 to index
        %get3A_404 = arith.constant 48 : index
        %get3A_405 = tpu.vector_load %arg9[%get3A_403, %get3A_404] {strides = array<i32>} : memref<128x64xf32, #tpu.memory_space<vmem>>, vector<1x16xf32>,
        %get3A_406 = vector.shape_cast %get3A_405 : vector<1x16xf32> to vector<16xf32>
        %max3A_407 = arith.maximumf %scan3A_389, %get3A_406 : vector<16xf32>
        %scan3A_408 = arith.constant 1 : i32
        %scan3A_409 = arith.addi %scan3A_385, %scan3A_408 : i32
        %get3A_410 = arith.index_cast %scan3A_409 : i32 to index
        %get3A_411 = arith.constant 0 : index
        %get3A_412 = tpu.vector_load %arg9[%get3A_410, %get3A_411] {strides = array<i32>} : memref<128x64xf32, #tpu.memory_space<vmem>>, vector<1x16xf32>,
        %get3A_413 = vector.shape_cast %get3A_412 : vector<1x16xf32> to vector<16xf32>
        %max3A_414 = arith.maximumf %max3A, %get3A_413 : vector<16xf32>
        %get3A_415 = arith.index_cast %scan3A_409 : i32 to index
        %get3A_416 = arith.constant 16 : index
        %get3A_417 = tpu.vector_load %arg9[%get3A_415, %get3A_416] {strides = array<i32>} : memref<128x64xf32, #tpu.memory_space<vmem>>, vector<1x16xf32>,
        %get3A_418 = vector.shape_cast %get3A_417 : vector<1x16xf32> to vector<16xf32>
        %max3A_419 = arith.maximumf %max3A_397, %get3A_418 : vector<16xf32>
        %get3A_420 = arith.index_cast %scan3A_409 : i32 to index
        %get3A_421 = arith.constant 32 : index
        %get3A_422 = tpu.vector_load %arg9[%get3A_420, %get3A_421] {strides = array<i32>} : memref<128x64xf32, #tpu.memory_space<vmem>>, vector<1x16xf32>,
        %get3A_423 = vector.shape_cast %get3A_422 : vector<1x16xf32> to vector<16xf32>
        %max3A_424 = arith.maximumf %max3A_402, %get3A_423 : vector<16xf32>
        %get3A_425 = arith.index_cast %scan3A_409 : i32 to index
        %get3A_426 = arith.constant 48 : index
        %get3A_427 = tpu.vector_load %arg9[%get3A_425, %get3A_426] {strides = array<i32>} : memref<128x64xf32, #tpu.memory_space<vmem>>, vector<1x16xf32>,
        %get3A_428 = vector.shape_cast %get3A_427 : vector<1x16xf32> to vector<16xf32>
        %max3A_429 = arith.maximumf %max3A_407, %get3A_428 : vector<16xf32>
        %scan3A_430 = arith.constant 2 : i32
        %scan3A_431 = arith.addi %scan3A_385, %scan3A_430 : i32
        %get3A_432 = arith.index_cast %scan3A_431 : i32 to index
        %get3A_433 = arith.constant 0 : index
        %get3A_434 = tpu.vector_load %arg9[%get3A_432, %get3A_433] {strides = array<i32>} : memref<128x64xf32, #tpu.memory_space<vmem>>, vector<1x16xf32>,
        %get3A_435 = vector.shape_cast %get3A_434 : vector<1x16xf32> to vector<16xf32>
        %max3A_436 = arith.maximumf %max3A_414, %get3A_435 : vector<16xf32>
        %get3A_437 = arith.index_cast %scan3A_431 : i32 to index
        %get3A_438 = arith.constant 16 : index
        %get3A_439 = tpu.vector_load %arg9[%get3A_437, %get3A_438] {strides = array<i32>} : memref<128x64xf32, #tpu.memory_space<vmem>>, vector<1x16xf32>,
        %get3A_440 = vector.shape_cast %get3A_439 : vector<1x16xf32> to vector<16xf32>
        %max3A_441 = arith.maximumf %max3A_419, %get3A_440 : vector<16xf32>
        %get3A_442 = arith.index_cast %scan3A_431 : i32 to index
        %get3A_443 = arith.constant 32 : index
        %get3A_444 = tpu.vector_load %arg9[%get3A_442, %get3A_443] {strides = array<i32>} : memref<128x64xf32, #tpu.memory_space<vmem>>, vector<1x16xf32>,
        %get3A_445 = vector.shape_cast %get3A_444 : vector<1x16xf32> to vector<16xf32>
        %max3A_446 = arith.maximumf %max3A_424, %get3A_445 : vector<16xf32>
        %get3A_447 = arith.index_cast %scan3A_431 : i32 to index
        %get3A_448 = arith.constant 48 : index
        %get3A_449 = tpu.vector_load %arg9[%get3A_447, %get3A_448] {strides = array<i32>} : memref<128x64xf32, #tpu.memory_space<vmem>>, vector<1x16xf32>,
        %get3A_450 = vector.shape_cast %get3A_449 : vector<1x16xf32> to vector<16xf32>
        %max3A_451 = arith.maximumf %max3A_429, %get3A_450 : vector<16xf32>
        %scan3A_452 = arith.constant 3 : i32
        %scan3A_453 = arith.addi %scan3A_385, %scan3A_452 : i32
        %get3A_454 = arith.index_cast %scan3A_453 : i32 to index
        %get3A_455 = arith.constant 0 : index
        %get3A_456 = tpu.vector_load %arg9[%get3A_454, %get3A_455] {strides = array<i32>} : memref<128x64xf32, #tpu.memory_space<vmem>>, vector<1x16xf32>,
        %get3A_457 = vector.shape_cast %get3A_456 : vector<1x16xf32> to vector<16xf32>
        %max3A_458 = arith.maximumf %max3A_436, %get3A_457 : vector<16xf32>
        %get3A_459 = arith.index_cast %scan3A_453 : i32 to index
        %get3A_460 = arith.constant 16 : index
        %get3A_461 = tpu.vector_load %arg9[%get3A_459, %get3A_460] {strides = array<i32>} : memref<128x64xf32, #tpu.memory_space<vmem>>, vector<1x16xf32>,
        %get3A_462 = vector.shape_cast %get3A_461 : vector<1x16xf32> to vector<16xf32>
        %max3A_463 = arith.maximumf %max3A_441, %get3A_462 : vector<16xf32>
        %get3A_464 = arith.index_cast %scan3A_453 : i32 to index
        %get3A_465 = arith.constant 32 : index
        %get3A_466 = tpu.vector_load %arg9[%get3A_464, %get3A_465] {strides = array<i32>} : memref<128x64xf32, #tpu.memory_space<vmem>>, vector<1x16xf32>,
        %get3A_467 = vector.shape_cast %get3A_466 : vector<1x16xf32> to vector<16xf32>
        %max3A_468 = arith.maximumf %max3A_446, %get3A_467 : vector<16xf32>
        %get3A_469 = arith.index_cast %scan3A_453 : i32 to index
        %get3A_470 = arith.constant 48 : index
        %get3A_471 = tpu.vector_load %arg9[%get3A_469, %get3A_470] {strides = array<i32>} : memref<128x64xf32, #tpu.memory_space<vmem>>, vector<1x16xf32>,
        %get3A_472 = vector.shape_cast %get3A_471 : vector<1x16xf32> to vector<16xf32>
        %max3A_473 = arith.maximumf %max3A_451, %get3A_472 : vector<16xf32>
        %scan3A_474 = arith.constant 4 : i32
        %scan3A_475 = arith.addi %scan3A_385, %scan3A_474 : i32
        %get3A_476 = arith.index_cast %scan3A_475 : i32 to index
        %get3A_477 = arith.constant 0 : index
        %get3A_478 = tpu.vector_load %arg9[%get3A_476, %get3A_477] {strides = array<i32>} : memref<128x64xf32, #tpu.memory_space<vmem>>, vector<1x16xf32>,
        %get3A_479 = vector.shape_cast %get3A_478 : vector<1x16xf32> to vector<16xf32>
        %max3A_480 = arith.maximumf %max3A_458, %get3A_479 : vector<16xf32>
        %get3A_481 = arith.index_cast %scan3A_475 : i32 to index
        %get3A_482 = arith.constant 16 : index
        %get3A_483 = tpu.vector_load %arg9[%get3A_481, %get3A_482] {strides = array<i32>} : memref<128x64xf32, #tpu.memory_space<vmem>>, vector<1x16xf32>,
        %get3A_484 = vector.shape_cast %get3A_483 : vector<1x16xf32> to vector<16xf32>
        %max3A_485 = arith.maximumf %max3A_463, %get3A_484 : vector<16xf32>
        %get3A_486 = arith.index_cast %scan3A_475 : i32 to index
        %get3A_487 = arith.constant 32 : index
        %get3A_488 = tpu.vector_load %arg9[%get3A_486, %get3A_487] {strides = array<i32>} : memref<128x64xf32, #tpu.memory_space<vmem>>, vector<1x16xf32>,
        %get3A_489 = vector.shape_cast %get3A_488 : vector<1x16xf32> to vector<16xf32>
        %max3A_490 = arith.maximumf %max3A_468, %get3A_489 : vector<16xf32>
        %get3A_491 = arith.index_cast %scan3A_475 : i32 to index
        %get3A_492 = arith.constant 48 : index
        %get3A_493 = tpu.vector_load %arg9[%get3A_491, %get3A_492] {strides = array<i32>} : memref<128x64xf32, #tpu.memory_space<vmem>>, vector<1x16xf32>,
        %get3A_494 = vector.shape_cast %get3A_493 : vector<1x16xf32> to vector<16xf32>
        %max3A_495 = arith.maximumf %max3A_473, %get3A_494 : vector<16xf32>
        %scan3A_496 = arith.constant 5 : i32
        %scan3A_497 = arith.addi %scan3A_385, %scan3A_496 : i32
        %get3A_498 = arith.index_cast %scan3A_497 : i32 to index
        %get3A_499 = arith.constant 0 : index
        %get3A_500 = tpu.vector_load %arg9[%get3A_498, %get3A_499] {strides = array<i32>} : memref<128x64xf32, #tpu.memory_space<vmem>>, vector<1x16xf32>,
        %get3A_501 = vector.shape_cast %get3A_500 : vector<1x16xf32> to vector<16xf32>
        %max3A_502 = arith.maximumf %max3A_480, %get3A_501 : vector<16xf32>
        %get3A_503 = arith.index_cast %scan3A_497 : i32 to index
        %get3A_504 = arith.constant 16 : index
        %get3A_505 = tpu.vector_load %arg9[%get3A_503, %get3A_504] {strides = array<i32>} : memref<128x64xf32, #tpu.memory_space<vmem>>, vector<1x16xf32>,
        %get3A_506 = vector.shape_cast %get3A_505 : vector<1x16xf32> to vector<16xf32>
        %max3A_507 = arith.maximumf %max3A_485, %get3A_506 : vector<16xf32>
        %get3A_508 = arith.index_cast %scan3A_497 : i32 to index
        %get3A_509 = arith.constant 32 : index
        %get3A_510 = tpu.vector_load %arg9[%get3A_508, %get3A_509] {strides = array<i32>} : memref<128x64xf32, #tpu.memory_space<vmem>>, vector<1x16xf32>,
        %get3A_511 = vector.shape_cast %get3A_510 : vector<1x16xf32> to vector<16xf32>
        %max3A_512 = arith.maximumf %max3A_490, %get3A_511 : vector<16xf32>
        %get3A_513 = arith.index_cast %scan3A_497 : i32 to index
        %get3A_514 = arith.constant 48 : index
        %get3A_515 = tpu.vector_load %arg9[%get3A_513, %get3A_514] {strides = array<i32>} : memref<128x64xf32, #tpu.memory_space<vmem>>, vector<1x16xf32>,
        %get3A_516 = vector.shape_cast %get3A_515 : vector<1x16xf32> to vector<16xf32>
        %max3A_517 = arith.maximumf %max3A_495, %get3A_516 : vector<16xf32>
        %scan3A_518 = arith.constant 6 : i32
        %scan3A_519 = arith.addi %scan3A_385, %scan3A_518 : i32
        %get3A_520 = arith.index_cast %scan3A_519 : i32 to index
        %get3A_521 = arith.constant 0 : index
        %get3A_522 = tpu.vector_load %arg9[%get3A_520, %get3A_521] {strides = array<i32>} : memref<128x64xf32, #tpu.memory_space<vmem>>, vector<1x16xf32>,
        %get3A_523 = vector.shape_cast %get3A_522 : vector<1x16xf32> to vector<16xf32>
        %max3A_524 = arith.maximumf %max3A_502, %get3A_523 : vector<16xf32>
        %get3A_525 = arith.index_cast %scan3A_519 : i32 to index
        %get3A_526 = arith.constant 16 : index
        %get3A_527 = tpu.vector_load %arg9[%get3A_525, %get3A_526] {strides = array<i32>} : memref<128x64xf32, #tpu.memory_space<vmem>>, vector<1x16xf32>,
        %get3A_528 = vector.shape_cast %get3A_527 : vector<1x16xf32> to vector<16xf32>
        %max3A_529 = arith.maximumf %max3A_507, %get3A_528 : vector<16xf32>
        %get3A_530 = arith.index_cast %scan3A_519 : i32 to index
        %get3A_531 = arith.constant 32 : index
        %get3A_532 = tpu.vector_load %arg9[%get3A_530, %get3A_531] {strides = array<i32>} : memref<128x64xf32, #tpu.memory_space<vmem>>, vector<1x16xf32>,
        %get3A_533 = vector.shape_cast %get3A_532 : vector<1x16xf32> to vector<16xf32>
        %max3A_534 = arith.maximumf %max3A_512, %get3A_533 : vector<16xf32>
        %get3A_535 = arith.index_cast %scan3A_519 : i32 to index
        %get3A_536 = arith.constant 48 : index
        %get3A_537 = tpu.vector_load %arg9[%get3A_535, %get3A_536] {strides = array<i32>} : memref<128x64xf32, #tpu.memory_space<vmem>>, vector<1x16xf32>,
        %get3A_538 = vector.shape_cast %get3A_537 : vector<1x16xf32> to vector<16xf32>
        %max3A_539 = arith.maximumf %max3A_517, %get3A_538 : vector<16xf32>
        %scan3A_540 = arith.constant 7 : i32
        %scan3A_541 = arith.addi %scan3A_385, %scan3A_540 : i32
        %get3A_542 = arith.index_cast %scan3A_541 : i32 to index
        %get3A_543 = arith.constant 0 : index
        %get3A_544 = tpu.vector_load %arg9[%get3A_542, %get3A_543] {strides = array<i32>} : memref<128x64xf32, #tpu.memory_space<vmem>>, vector<1x16xf32>,
        %get3A_545 = vector.shape_cast %get3A_544 : vector<1x16xf32> to vector<16xf32>
        %max3A_546 = arith.maximumf %max3A_524, %get3A_545 : vector<16xf32>
        %get3A_547 = arith.index_cast %scan3A_541 : i32 to index
        %get3A_548 = arith.constant 16 : index
        %get3A_549 = tpu.vector_load %arg9[%get3A_547, %get3A_548] {strides = array<i32>} : memref<128x64xf32, #tpu.memory_space<vmem>>, vector<1x16xf32>,
        %get3A_550 = vector.shape_cast %get3A_549 : vector<1x16xf32> to vector<16xf32>
        %max3A_551 = arith.maximumf %max3A_529, %get3A_550 : vector<16xf32>
        %get3A_552 = arith.index_cast %scan3A_541 : i32 to index
        %get3A_553 = arith.constant 32 : index
        %get3A_554 = tpu.vector_load %arg9[%get3A_552, %get3A_553] {strides = array<i32>} : memref<128x64xf32, #tpu.memory_space<vmem>>, vector<1x16xf32>,
        %get3A_555 = vector.shape_cast %get3A_554 : vector<1x16xf32> to vector<16xf32>
        %max3A_556 = arith.maximumf %max3A_534, %get3A_555 : vector<16xf32>
        %get3A_557 = arith.index_cast %scan3A_541 : i32 to index
        %get3A_558 = arith.constant 48 : index
        %get3A_559 = tpu.vector_load %arg9[%get3A_557, %get3A_558] {strides = array<i32>} : memref<128x64xf32, #tpu.memory_space<vmem>>, vector<1x16xf32>,
        %get3A_560 = vector.shape_cast %get3A_559 : vector<1x16xf32> to vector<16xf32>
        %max3A_561 = arith.maximumf %max3A_539, %get3A_560 : vector<16xf32>
        scf.yield %max3A_546, %max3A_551, %max3A_556, %max3A_561 : vector<16xf32>, vector<16xf32>, vector<16xf32>, vector<16xf32>
      }
      %scan3A_210 = arith.constant 128 : i32
      %scan3A_211 = arith.constant 0 : i32
      %scan3A_212 = arith.constant 72 : i32
      %scan3A_213 = arith.addi %scan3A_211, %scan3A_212 : i32
      %scan3A_214 = arith.constant 8 : i32
      %scan3A_215:4 = scf.for %scan3A_385 = %scan3A_211 to %scan3A_213 step %scan3A_214 iter_args(%scan3A_386 = %scan3A_209#0, %scan3A_387 = %scan3A_209#1, %scan3A_388 = %scan3A_209#2, %scan3A_389 = %scan3A_209#3) -> (vector<16xf32>, vector<16xf32>, vector<16xf32>, vector<16xf32>)  : i32 {
        %get3A = arith.index_cast %scan3A_385 : i32 to index
        %get3A_390 = arith.constant 0 : index
        %get3A_391 = tpu.vector_load %arg13[%get3A, %get3A_390] {strides = array<i32>} : memref<72x64xf32, #tpu.memory_space<vmem>>, vector<1x16xf32>,
        %get3A_392 = vector.shape_cast %get3A_391 : vector<1x16xf32> to vector<16xf32>
        %max3A = arith.maximumf %scan3A_386, %get3A_392 : vector<16xf32>
        %get3A_393 = arith.index_cast %scan3A_385 : i32 to index
        %get3A_394 = arith.constant 16 : index
        %get3A_395 = tpu.vector_load %arg13[%get3A_393, %get3A_394] {strides = array<i32>} : memref<72x64xf32, #tpu.memory_space<vmem>>, vector<1x16xf32>,
        %get3A_396 = vector.shape_cast %get3A_395 : vector<1x16xf32> to vector<16xf32>
        %max3A_397 = arith.maximumf %scan3A_387, %get3A_396 : vector<16xf32>
        %get3A_398 = arith.index_cast %scan3A_385 : i32 to index
        %get3A_399 = arith.constant 32 : index
        %get3A_400 = tpu.vector_load %arg13[%get3A_398, %get3A_399] {strides = array<i32>} : memref<72x64xf32, #tpu.memory_space<vmem>>, vector<1x16xf32>,
        %get3A_401 = vector.shape_cast %get3A_400 : vector<1x16xf32> to vector<16xf32>
        %max3A_402 = arith.maximumf %scan3A_388, %get3A_401 : vector<16xf32>
        %get3A_403 = arith.index_cast %scan3A_385 : i32 to index
        %get3A_404 = arith.constant 48 : index
        %get3A_405 = tpu.vector_load %arg13[%get3A_403, %get3A_404] {strides = array<i32>} : memref<72x64xf32, #tpu.memory_space<vmem>>, vector<1x16xf32>,
        %get3A_406 = vector.shape_cast %get3A_405 : vector<1x16xf32> to vector<16xf32>
        %max3A_407 = arith.maximumf %scan3A_389, %get3A_406 : vector<16xf32>
        %scan3A_408 = arith.constant 1 : i32
        %scan3A_409 = arith.addi %scan3A_385, %scan3A_408 : i32
        %get3A_410 = arith.index_cast %scan3A_409 : i32 to index
        %get3A_411 = arith.constant 0 : index
        %get3A_412 = tpu.vector_load %arg13[%get3A_410, %get3A_411] {strides = array<i32>} : memref<72x64xf32, #tpu.memory_space<vmem>>, vector<1x16xf32>,
        %get3A_413 = vector.shape_cast %get3A_412 : vector<1x16xf32> to vector<16xf32>
        %max3A_414 = arith.maximumf %max3A, %get3A_413 : vector<16xf32>
        %get3A_415 = arith.index_cast %scan3A_409 : i32 to index
        %get3A_416 = arith.constant 16 : index
        %get3A_417 = tpu.vector_load %arg13[%get3A_415, %get3A_416] {strides = array<i32>} : memref<72x64xf32, #tpu.memory_space<vmem>>, vector<1x16xf32>,
        %get3A_418 = vector.shape_cast %get3A_417 : vector<1x16xf32> to vector<16xf32>
        %max3A_419 = arith.maximumf %max3A_397, %get3A_418 : vector<16xf32>
        %get3A_420 = arith.index_cast %scan3A_409 : i32 to index
        %get3A_421 = arith.constant 32 : index
        %get3A_422 = tpu.vector_load %arg13[%get3A_420, %get3A_421] {strides = array<i32>} : memref<72x64xf32, #tpu.memory_space<vmem>>, vector<1x16xf32>,
        %get3A_423 = vector.shape_cast %get3A_422 : vector<1x16xf32> to vector<16xf32>
        %max3A_424 = arith.maximumf %max3A_402, %get3A_423 : vector<16xf32>
        %get3A_425 = arith.index_cast %scan3A_409 : i32 to index
        %get3A_426 = arith.constant 48 : index
        %get3A_427 = tpu.vector_load %arg13[%get3A_425, %get3A_426] {strides = array<i32>} : memref<72x64xf32, #tpu.memory_space<vmem>>, vector<1x16xf32>,
        %get3A_428 = vector.shape_cast %get3A_427 : vector<1x16xf32> to vector<16xf32>
        %max3A_429 = arith.maximumf %max3A_407, %get3A_428 : vector<16xf32>
        %scan3A_430 = arith.constant 2 : i32
        %scan3A_431 = arith.addi %scan3A_385, %scan3A_430 : i32
        %get3A_432 = arith.index_cast %scan3A_431 : i32 to index
        %get3A_433 = arith.constant 0 : index
        %get3A_434 = tpu.vector_load %arg13[%get3A_432, %get3A_433] {strides = array<i32>} : memref<72x64xf32, #tpu.memory_space<vmem>>, vector<1x16xf32>,
        %get3A_435 = vector.shape_cast %get3A_434 : vector<1x16xf32> to vector<16xf32>
        %max3A_436 = arith.maximumf %max3A_414, %get3A_435 : vector<16xf32>
        %get3A_437 = arith.index_cast %scan3A_431 : i32 to index
        %get3A_438 = arith.constant 16 : index
        %get3A_439 = tpu.vector_load %arg13[%get3A_437, %get3A_438] {strides = array<i32>} : memref<72x64xf32, #tpu.memory_space<vmem>>, vector<1x16xf32>,
        %get3A_440 = vector.shape_cast %get3A_439 : vector<1x16xf32> to vector<16xf32>
        %max3A_441 = arith.maximumf %max3A_419, %get3A_440 : vector<16xf32>
        %get3A_442 = arith.index_cast %scan3A_431 : i32 to index
        %get3A_443 = arith.constant 32 : index
        %get3A_444 = tpu.vector_load %arg13[%get3A_442, %get3A_443] {strides = array<i32>} : memref<72x64xf32, #tpu.memory_space<vmem>>, vector<1x16xf32>,
        %get3A_445 = vector.shape_cast %get3A_444 : vector<1x16xf32> to vector<16xf32>
        %max3A_446 = arith.maximumf %max3A_424, %get3A_445 : vector<16xf32>
        %get3A_447 = arith.index_cast %scan3A_431 : i32 to index
        %get3A_448 = arith.constant 48 : index
        %get3A_449 = tpu.vector_load %arg13[%get3A_447, %get3A_448] {strides = array<i32>} : memref<72x64xf32, #tpu.memory_space<vmem>>, vector<1x16xf32>,
        %get3A_450 = vector.shape_cast %get3A_449 : vector<1x16xf32> to vector<16xf32>
        %max3A_451 = arith.maximumf %max3A_429, %get3A_450 : vector<16xf32>
        %scan3A_452 = arith.constant 3 : i32
        %scan3A_453 = arith.addi %scan3A_385, %scan3A_452 : i32
        %get3A_454 = arith.index_cast %scan3A_453 : i32 to index
        %get3A_455 = arith.constant 0 : index
        %get3A_456 = tpu.vector_load %arg13[%get3A_454, %get3A_455] {strides = array<i32>} : memref<72x64xf32, #tpu.memory_space<vmem>>, vector<1x16xf32>,
        %get3A_457 = vector.shape_cast %get3A_456 : vector<1x16xf32> to vector<16xf32>
        %max3A_458 = arith.maximumf %max3A_436, %get3A_457 : vector<16xf32>
        %get3A_459 = arith.index_cast %scan3A_453 : i32 to index
        %get3A_460 = arith.constant 16 : index
        %get3A_461 = tpu.vector_load %arg13[%get3A_459, %get3A_460] {strides = array<i32>} : memref<72x64xf32, #tpu.memory_space<vmem>>, vector<1x16xf32>,
        %get3A_462 = vector.shape_cast %get3A_461 : vector<1x16xf32> to vector<16xf32>
        %max3A_463 = arith.maximumf %max3A_441, %get3A_462 : vector<16xf32>
        %get3A_464 = arith.index_cast %scan3A_453 : i32 to index
        %get3A_465 = arith.constant 32 : index
        %get3A_466 = tpu.vector_load %arg13[%get3A_464, %get3A_465] {strides = array<i32>} : memref<72x64xf32, #tpu.memory_space<vmem>>, vector<1x16xf32>,
        %get3A_467 = vector.shape_cast %get3A_466 : vector<1x16xf32> to vector<16xf32>
        %max3A_468 = arith.maximumf %max3A_446, %get3A_467 : vector<16xf32>
        %get3A_469 = arith.index_cast %scan3A_453 : i32 to index
        %get3A_470 = arith.constant 48 : index
        %get3A_471 = tpu.vector_load %arg13[%get3A_469, %get3A_470] {strides = array<i32>} : memref<72x64xf32, #tpu.memory_space<vmem>>, vector<1x16xf32>,
        %get3A_472 = vector.shape_cast %get3A_471 : vector<1x16xf32> to vector<16xf32>
        %max3A_473 = arith.maximumf %max3A_451, %get3A_472 : vector<16xf32>
        %scan3A_474 = arith.constant 4 : i32
        %scan3A_475 = arith.addi %scan3A_385, %scan3A_474 : i32
        %get3A_476 = arith.index_cast %scan3A_475 : i32 to index
        %get3A_477 = arith.constant 0 : index
        %get3A_478 = tpu.vector_load %arg13[%get3A_476, %get3A_477] {strides = array<i32>} : memref<72x64xf32, #tpu.memory_space<vmem>>, vector<1x16xf32>,
        %get3A_479 = vector.shape_cast %get3A_478 : vector<1x16xf32> to vector<16xf32>
        %max3A_480 = arith.maximumf %max3A_458, %get3A_479 : vector<16xf32>
        %get3A_481 = arith.index_cast %scan3A_475 : i32 to index
        %get3A_482 = arith.constant 16 : index
        %get3A_483 = tpu.vector_load %arg13[%get3A_481, %get3A_482] {strides = array<i32>} : memref<72x64xf32, #tpu.memory_space<vmem>>, vector<1x16xf32>,
        %get3A_484 = vector.shape_cast %get3A_483 : vector<1x16xf32> to vector<16xf32>
        %max3A_485 = arith.maximumf %max3A_463, %get3A_484 : vector<16xf32>
        %get3A_486 = arith.index_cast %scan3A_475 : i32 to index
        %get3A_487 = arith.constant 32 : index
        %get3A_488 = tpu.vector_load %arg13[%get3A_486, %get3A_487] {strides = array<i32>} : memref<72x64xf32, #tpu.memory_space<vmem>>, vector<1x16xf32>,
        %get3A_489 = vector.shape_cast %get3A_488 : vector<1x16xf32> to vector<16xf32>
        %max3A_490 = arith.maximumf %max3A_468, %get3A_489 : vector<16xf32>
        %get3A_491 = arith.index_cast %scan3A_475 : i32 to index
        %get3A_492 = arith.constant 48 : index
        %get3A_493 = tpu.vector_load %arg13[%get3A_491, %get3A_492] {strides = array<i32>} : memref<72x64xf32, #tpu.memory_space<vmem>>, vector<1x16xf32>,
        %get3A_494 = vector.shape_cast %get3A_493 : vector<1x16xf32> to vector<16xf32>
        %max3A_495 = arith.maximumf %max3A_473, %get3A_494 : vector<16xf32>
        %scan3A_496 = arith.constant 5 : i32
        %scan3A_497 = arith.addi %scan3A_385, %scan3A_496 : i32
        %get3A_498 = arith.index_cast %scan3A_497 : i32 to index
        %get3A_499 = arith.constant 0 : index
        %get3A_500 = tpu.vector_load %arg13[%get3A_498, %get3A_499] {strides = array<i32>} : memref<72x64xf32, #tpu.memory_space<vmem>>, vector<1x16xf32>,
        %get3A_501 = vector.shape_cast %get3A_500 : vector<1x16xf32> to vector<16xf32>
        %max3A_502 = arith.maximumf %max3A_480, %get3A_501 : vector<16xf32>
        %get3A_503 = arith.index_cast %scan3A_497 : i32 to index
        %get3A_504 = arith.constant 16 : index
        %get3A_505 = tpu.vector_load %arg13[%get3A_503, %get3A_504] {strides = array<i32>} : memref<72x64xf32, #tpu.memory_space<vmem>>, vector<1x16xf32>,
        %get3A_506 = vector.shape_cast %get3A_505 : vector<1x16xf32> to vector<16xf32>
        %max3A_507 = arith.maximumf %max3A_485, %get3A_506 : vector<16xf32>
        %get3A_508 = arith.index_cast %scan3A_497 : i32 to index
        %get3A_509 = arith.constant 32 : index
        %get3A_510 = tpu.vector_load %arg13[%get3A_508, %get3A_509] {strides = array<i32>} : memref<72x64xf32, #tpu.memory_space<vmem>>, vector<1x16xf32>,
        %get3A_511 = vector.shape_cast %get3A_510 : vector<1x16xf32> to vector<16xf32>
        %max3A_512 = arith.maximumf %max3A_490, %get3A_511 : vector<16xf32>
        %get3A_513 = arith.index_cast %scan3A_497 : i32 to index
        %get3A_514 = arith.constant 48 : index
        %get3A_515 = tpu.vector_load %arg13[%get3A_513, %get3A_514] {strides = array<i32>} : memref<72x64xf32, #tpu.memory_space<vmem>>, vector<1x16xf32>,
        %get3A_516 = vector.shape_cast %get3A_515 : vector<1x16xf32> to vector<16xf32>
        %max3A_517 = arith.maximumf %max3A_495, %get3A_516 : vector<16xf32>
        %scan3A_518 = arith.constant 6 : i32
        %scan3A_519 = arith.addi %scan3A_385, %scan3A_518 : i32
        %get3A_520 = arith.index_cast %scan3A_519 : i32 to index
        %get3A_521 = arith.constant 0 : index
        %get3A_522 = tpu.vector_load %arg13[%get3A_520, %get3A_521] {strides = array<i32>} : memref<72x64xf32, #tpu.memory_space<vmem>>, vector<1x16xf32>,
        %get3A_523 = vector.shape_cast %get3A_522 : vector<1x16xf32> to vector<16xf32>
        %max3A_524 = arith.maximumf %max3A_502, %get3A_523 : vector<16xf32>
        %get3A_525 = arith.index_cast %scan3A_519 : i32 to index
        %get3A_526 = arith.constant 16 : index
        %get3A_527 = tpu.vector_load %arg13[%get3A_525, %get3A_526] {strides = array<i32>} : memref<72x64xf32, #tpu.memory_space<vmem>>, vector<1x16xf32>,
        %get3A_528 = vector.shape_cast %get3A_527 : vector<1x16xf32> to vector<16xf32>
        %max3A_529 = arith.maximumf %max3A_507, %get3A_528 : vector<16xf32>
        %get3A_530 = arith.index_cast %scan3A_519 : i32 to index
        %get3A_531 = arith.constant 32 : index
        %get3A_532 = tpu.vector_load %arg13[%get3A_530, %get3A_531] {strides = array<i32>} : memref<72x64xf32, #tpu.memory_space<vmem>>, vector<1x16xf32>,
        %get3A_533 = vector.shape_cast %get3A_532 : vector<1x16xf32> to vector<16xf32>
        %max3A_534 = arith.maximumf %max3A_512, %get3A_533 : vector<16xf32>
        %get3A_535 = arith.index_cast %scan3A_519 : i32 to index
        %get3A_536 = arith.constant 48 : index
        %get3A_537 = tpu.vector_load %arg13[%get3A_535, %get3A_536] {strides = array<i32>} : memref<72x64xf32, #tpu.memory_space<vmem>>, vector<1x16xf32>,
        %get3A_538 = vector.shape_cast %get3A_537 : vector<1x16xf32> to vector<16xf32>
        %max3A_539 = arith.maximumf %max3A_517, %get3A_538 : vector<16xf32>
        %scan3A_540 = arith.constant 7 : i32
        %scan3A_541 = arith.addi %scan3A_385, %scan3A_540 : i32
        %get3A_542 = arith.index_cast %scan3A_541 : i32 to index
        %get3A_543 = arith.constant 0 : index
        %get3A_544 = tpu.vector_load %arg13[%get3A_542, %get3A_543] {strides = array<i32>} : memref<72x64xf32, #tpu.memory_space<vmem>>, vector<1x16xf32>,
        %get3A_545 = vector.shape_cast %get3A_544 : vector<1x16xf32> to vector<16xf32>
        %max3A_546 = arith.maximumf %max3A_524, %get3A_545 : vector<16xf32>
        %get3A_547 = arith.index_cast %scan3A_541 : i32 to index
        %get3A_548 = arith.constant 16 : index
        %get3A_549 = tpu.vector_load %arg13[%get3A_547, %get3A_548] {strides = array<i32>} : memref<72x64xf32, #tpu.memory_space<vmem>>, vector<1x16xf32>,
        %get3A_550 = vector.shape_cast %get3A_549 : vector<1x16xf32> to vector<16xf32>
        %max3A_551 = arith.maximumf %max3A_529, %get3A_550 : vector<16xf32>
        %get3A_552 = arith.index_cast %scan3A_541 : i32 to index
        %get3A_553 = arith.constant 32 : index
        %get3A_554 = tpu.vector_load %arg13[%get3A_552, %get3A_553] {strides = array<i32>} : memref<72x64xf32, #tpu.memory_space<vmem>>, vector<1x16xf32>,
        %get3A_555 = vector.shape_cast %get3A_554 : vector<1x16xf32> to vector<16xf32>
        %max3A_556 = arith.maximumf %max3A_534, %get3A_555 : vector<16xf32>
        %get3A_557 = arith.index_cast %scan3A_541 : i32 to index
        %get3A_558 = arith.constant 48 : index
        %get3A_559 = tpu.vector_load %arg13[%get3A_557, %get3A_558] {strides = array<i32>} : memref<72x64xf32, #tpu.memory_space<vmem>>, vector<1x16xf32>,
        %get3A_560 = vector.shape_cast %get3A_559 : vector<1x16xf32> to vector<16xf32>
        %max3A_561 = arith.maximumf %max3A_539, %get3A_560 : vector<16xf32>
        scf.yield %max3A_546, %max3A_551, %max3A_556, %max3A_561 : vector<16xf32>, vector<16xf32>, vector<16xf32>, vector<16xf32>
      }
      %scan3A_216 = arith.constant 72 : i32
      %swap3A_217 = arith.index_cast %add3A_164 : i32 to index
      %swap3A_218 = arith.constant 0 : index
      %swap3A_219 = tpu.vector_load %arg16[%swap3A_217, %swap3A_218] {strides = array<i32>} : memref<128x64xf32, #tpu.memory_space<vmem>>, vector<1x16xf32>,
      %swap3A_220 = vector.shape_cast %swap3A_219 : vector<1x16xf32> to vector<16xf32>
      %swap3A_221 = vector.shape_cast %scan3A_215#0 : vector<16xf32> to vector<1x16xf32>
      tpu.vector_store %arg16[%swap3A_217, %swap3A_218], %swap3A_221 {strides = array<i32>} : memref<128x64xf32, #tpu.memory_space<vmem>>, vector<1x16xf32>,
      %swap3A_222 = arith.index_cast %add3A_164 : i32 to index
      %swap3A_223 = arith.constant 16 : index
      %swap3A_224 = tpu.vector_load %arg16[%swap3A_222, %swap3A_223] {strides = array<i32>} : memref<128x64xf32, #tpu.memory_space<vmem>>, vector<1x16xf32>,
      %swap3A_225 = vector.shape_cast %swap3A_224 : vector<1x16xf32> to vector<16xf32>
      %swap3A_226 = vector.shape_cast %scan3A_215#1 : vector<16xf32> to vector<1x16xf32>
      tpu.vector_store %arg16[%swap3A_222, %swap3A_223], %swap3A_226 {strides = array<i32>} : memref<128x64xf32, #tpu.memory_space<vmem>>, vector<1x16xf32>,
      %swap3A_227 = arith.index_cast %add3A_164 : i32 to index
      %swap3A_228 = arith.constant 32 : index
      %swap3A_229 = tpu.vector_load %arg16[%swap3A_227, %swap3A_228] {strides = array<i32>} : memref<128x64xf32, #tpu.memory_space<vmem>>, vector<1x16xf32>,
      %swap3A_230 = vector.shape_cast %swap3A_229 : vector<1x16xf32> to vector<16xf32>
      %swap3A_231 = vector.shape_cast %scan3A_215#2 : vector<16xf32> to vector<1x16xf32>
      tpu.vector_store %arg16[%swap3A_227, %swap3A_228], %swap3A_231 {strides = array<i32>} : memref<128x64xf32, #tpu.memory_space<vmem>>, vector<1x16xf32>,
      %swap3A_232 = arith.index_cast %add3A_164 : i32 to index
      %swap3A_233 = arith.constant 48 : index
      %swap3A_234 = tpu.vector_load %arg16[%swap3A_232, %swap3A_233] {strides = array<i32>} : memref<128x64xf32, #tpu.memory_space<vmem>>, vector<1x16xf32>,
      %swap3A_235 = vector.shape_cast %swap3A_234 : vector<1x16xf32> to vector<16xf32>
      %swap3A_236 = vector.shape_cast %scan3A_215#3 : vector<16xf32> to vector<1x16xf32>
      tpu.vector_store %arg16[%swap3A_232, %swap3A_233], %swap3A_236 {strides = array<i32>} : memref<128x64xf32, #tpu.memory_space<vmem>>, vector<1x16xf32>,
      %add3A_237 = arith.constant 2 : i32
      %add3A_238 = arith.addi %mul3A_92, %add3A_237 : i32
      %add3A_239 = arith.constant 4 : i32
      %add3A_240 = arith.addi %add3A_238, %add3A_239 : i32
      %sub3A_241 = arith.constant 1 : i32
      %sub3A_242 = arith.subi %add3A_240, %sub3A_241 : i32
      %min3A_243 = arith.constant 127 : i32
      %min3A_244 = arith.minsi %sub3A_242, %min3A_243 : i32
      %dma_start3A_245 = arith.constant 0 : i32
      %dma_start3A_246 = tpu.memref_slice %arg6[%min3A_244, %dma_start3A_245] : memref<128x128xi32, #tpu.memory_space<vmem>> -> memref<1x128xi32, #tpu.memory_space<vmem>>
      %dma_start3A_247 = tpu.memref_squeeze %dma_start3A_246 : memref<1x128xi32, #tpu.memory_space<vmem>> -> memref<128xi32, #tpu.memory_space<vmem>>
      %dma_start3A_248 = arith.constant 0 : i32
      %dma_start3A_249 = arith.constant 0 : i32
      %dma_start3A_250 = tpu.memref_slice %arg4[%dma_start3A_248, %dma_start3A_249] : memref<1048576x64xf32, #tpu.memory_space<hbm>> -> memref<1048576x64xf32, #tpu.memory_space<hbm>>
      tpu.enqueue_indirect_dma source(%dma_start3A_250 : memref<1048576x64xf32, #tpu.memory_space<hbm>>) target(%arg9 : memref<128x64xf32, #tpu.memory_space<vmem>>) offsets(%dma_start3A_247 : memref<128xi32, #tpu.memory_space<vmem>>) semaphore(%arg18 : memref<!tpu.dma_semaphore, #tpu.memory_space<semaphore_mem>>)
      %dma_start3A_251 = arith.constant 0 : i32
      %dma_start3A_252 = tpu.memref_slice %arg7[%min3A_244, %dma_start3A_251] : memref<128x72xi32, #tpu.memory_space<vmem>> -> memref<1x72xi32, #tpu.memory_space<vmem>>
      %dma_start3A_253 = tpu.memref_squeeze %dma_start3A_252 : memref<1x72xi32, #tpu.memory_space<vmem>> -> memref<72xi32, #tpu.memory_space<vmem>>
      %dma_start3A_254 = arith.constant 0 : i32
      %dma_start3A_255 = arith.constant 0 : i32
      %dma_start3A_256 = tpu.memref_slice %arg4[%dma_start3A_254, %dma_start3A_255] : memref<1048576x64xf32, #tpu.memory_space<hbm>> -> memref<1048576x64xf32, #tpu.memory_space<hbm>>
      tpu.enqueue_indirect_dma source(%dma_start3A_256 : memref<1048576x64xf32, #tpu.memory_space<hbm>>) target(%arg13 : memref<72x64xf32, #tpu.memory_space<vmem>>) offsets(%dma_start3A_253 : memref<72xi32, #tpu.memory_space<vmem>>) semaphore(%arg22 : memref<!tpu.dma_semaphore, #tpu.memory_space<semaphore_mem>>)
      %dma_wait3A_257 = arith.constant 0 : i32
      %dma_wait3A_258 = arith.constant 0 : i32
      %dma_wait3A_259 = tpu.memref_slice %arg6[%dma_wait3A_257, %dma_wait3A_258] : memref<128x128xi32, #tpu.memory_space<vmem>> -> memref<1x128xi32, #tpu.memory_space<vmem>>
      %dma_wait3A_260 = tpu.memref_squeeze %dma_wait3A_259 : memref<1x128xi32, #tpu.memory_space<vmem>> -> memref<128xi32, #tpu.memory_space<vmem>>
      %dma_wait3A_261 = arith.constant 0 : i32
      %dma_wait3A_262 = arith.constant 0 : i32
      %dma_wait3A_263 = tpu.memref_slice %arg4[%dma_wait3A_261, %dma_wait3A_262] : memref<1048576x64xf32, #tpu.memory_space<hbm>> -> memref<1048576x64xf32, #tpu.memory_space<hbm>>
      tpu.wait_indirect_dma semaphore(%arg19 : memref<!tpu.dma_semaphore, #tpu.memory_space<semaphore_mem>>) src(%dma_wait3A_263 : memref<1048576x64xf32, #tpu.memory_space<hbm>>) dst(%arg10 : memref<128x64xf32, #tpu.memory_space<vmem>>)
      %dma_wait3A_264 = arith.constant 0 : i32
      %dma_wait3A_265 = arith.constant 0 : i32
      %dma_wait3A_266 = tpu.memref_slice %arg7[%dma_wait3A_264, %dma_wait3A_265] : memref<128x72xi32, #tpu.memory_space<vmem>> -> memref<1x72xi32, #tpu.memory_space<vmem>>
      %dma_wait3A_267 = tpu.memref_squeeze %dma_wait3A_266 : memref<1x72xi32, #tpu.memory_space<vmem>> -> memref<72xi32, #tpu.memory_space<vmem>>
      %dma_wait3A_268 = arith.constant 0 : i32
      %dma_wait3A_269 = arith.constant 0 : i32
      %dma_wait3A_270 = tpu.memref_slice %arg4[%dma_wait3A_268, %dma_wait3A_269] : memref<1048576x64xf32, #tpu.memory_space<hbm>> -> memref<1048576x64xf32, #tpu.memory_space<hbm>>
      tpu.wait_indirect_dma semaphore(%arg23 : memref<!tpu.dma_semaphore, #tpu.memory_space<semaphore_mem>>) src(%dma_wait3A_270 : memref<1048576x64xf32, #tpu.memory_space<hbm>>) dst(%arg14 : memref<72x64xf32, #tpu.memory_space<vmem>>)
      %broadcast_in_dim3A_271 = arith.constant 0xFF800000 : f32
      %broadcast_in_dim3A_272 = vector.broadcast %broadcast_in_dim3A_271 : f32 to vector<16xf32>
      %broadcast_in_dim3A_273 = arith.constant 0xFF800000 : f32
      %broadcast_in_dim3A_274 = vector.broadcast %broadcast_in_dim3A_273 : f32 to vector<16xf32>
      %broadcast_in_dim3A_275 = arith.constant 0xFF800000 : f32
      %broadcast_in_dim3A_276 = vector.broadcast %broadcast_in_dim3A_275 : f32 to vector<16xf32>
      %broadcast_in_dim3A_277 = arith.constant 0xFF800000 : f32
      %broadcast_in_dim3A_278 = vector.broadcast %broadcast_in_dim3A_277 : f32 to vector<16xf32>
      %scan3A_279 = arith.constant 0 : i32
      %scan3A_280 = arith.constant 128 : i32
      %scan3A_281 = arith.addi %scan3A_279, %scan3A_280 : i32
      %scan3A_282 = arith.constant 8 : i32
      %scan3A_283:4 = scf.for %scan3A_385 = %scan3A_279 to %scan3A_281 step %scan3A_282 iter_args(%scan3A_386 = %broadcast_in_dim3A_272, %scan3A_387 = %broadcast_in_dim3A_274, %scan3A_388 = %broadcast_in_dim3A_276, %scan3A_389 = %broadcast_in_dim3A_278) -> (vector<16xf32>, vector<16xf32>, vector<16xf32>, vector<16xf32>)  : i32 {
        %get3A = arith.index_cast %scan3A_385 : i32 to index
        %get3A_390 = arith.constant 0 : index
        %get3A_391 = tpu.vector_load %arg10[%get3A, %get3A_390] {strides = array<i32>} : memref<128x64xf32, #tpu.memory_space<vmem>>, vector<1x16xf32>,
        %get3A_392 = vector.shape_cast %get3A_391 : vector<1x16xf32> to vector<16xf32>
        %max3A = arith.maximumf %scan3A_386, %get3A_392 : vector<16xf32>
        %get3A_393 = arith.index_cast %scan3A_385 : i32 to index
        %get3A_394 = arith.constant 16 : index
        %get3A_395 = tpu.vector_load %arg10[%get3A_393, %get3A_394] {strides = array<i32>} : memref<128x64xf32, #tpu.memory_space<vmem>>, vector<1x16xf32>,
        %get3A_396 = vector.shape_cast %get3A_395 : vector<1x16xf32> to vector<16xf32>
        %max3A_397 = arith.maximumf %scan3A_387, %get3A_396 : vector<16xf32>
        %get3A_398 = arith.index_cast %scan3A_385 : i32 to index
        %get3A_399 = arith.constant 32 : index
        %get3A_400 = tpu.vector_load %arg10[%get3A_398, %get3A_399] {strides = array<i32>} : memref<128x64xf32, #tpu.memory_space<vmem>>, vector<1x16xf32>,
        %get3A_401 = vector.shape_cast %get3A_400 : vector<1x16xf32> to vector<16xf32>
        %max3A_402 = arith.maximumf %scan3A_388, %get3A_401 : vector<16xf32>
        %get3A_403 = arith.index_cast %scan3A_385 : i32 to index
        %get3A_404 = arith.constant 48 : index
        %get3A_405 = tpu.vector_load %arg10[%get3A_403, %get3A_404] {strides = array<i32>} : memref<128x64xf32, #tpu.memory_space<vmem>>, vector<1x16xf32>,
        %get3A_406 = vector.shape_cast %get3A_405 : vector<1x16xf32> to vector<16xf32>
        %max3A_407 = arith.maximumf %scan3A_389, %get3A_406 : vector<16xf32>
        %scan3A_408 = arith.constant 1 : i32
        %scan3A_409 = arith.addi %scan3A_385, %scan3A_408 : i32
        %get3A_410 = arith.index_cast %scan3A_409 : i32 to index
        %get3A_411 = arith.constant 0 : index
        %get3A_412 = tpu.vector_load %arg10[%get3A_410, %get3A_411] {strides = array<i32>} : memref<128x64xf32, #tpu.memory_space<vmem>>, vector<1x16xf32>,
        %get3A_413 = vector.shape_cast %get3A_412 : vector<1x16xf32> to vector<16xf32>
        %max3A_414 = arith.maximumf %max3A, %get3A_413 : vector<16xf32>
        %get3A_415 = arith.index_cast %scan3A_409 : i32 to index
        %get3A_416 = arith.constant 16 : index
        %get3A_417 = tpu.vector_load %arg10[%get3A_415, %get3A_416] {strides = array<i32>} : memref<128x64xf32, #tpu.memory_space<vmem>>, vector<1x16xf32>,
        %get3A_418 = vector.shape_cast %get3A_417 : vector<1x16xf32> to vector<16xf32>
        %max3A_419 = arith.maximumf %max3A_397, %get3A_418 : vector<16xf32>
        %get3A_420 = arith.index_cast %scan3A_409 : i32 to index
        %get3A_421 = arith.constant 32 : index
        %get3A_422 = tpu.vector_load %arg10[%get3A_420, %get3A_421] {strides = array<i32>} : memref<128x64xf32, #tpu.memory_space<vmem>>, vector<1x16xf32>,
        %get3A_423 = vector.shape_cast %get3A_422 : vector<1x16xf32> to vector<16xf32>
        %max3A_424 = arith.maximumf %max3A_402, %get3A_423 : vector<16xf32>
        %get3A_425 = arith.index_cast %scan3A_409 : i32 to index
        %get3A_426 = arith.constant 48 : index
        %get3A_427 = tpu.vector_load %arg10[%get3A_425, %get3A_426] {strides = array<i32>} : memref<128x64xf32, #tpu.memory_space<vmem>>, vector<1x16xf32>,
        %get3A_428 = vector.shape_cast %get3A_427 : vector<1x16xf32> to vector<16xf32>
        %max3A_429 = arith.maximumf %max3A_407, %get3A_428 : vector<16xf32>
        %scan3A_430 = arith.constant 2 : i32
        %scan3A_431 = arith.addi %scan3A_385, %scan3A_430 : i32
        %get3A_432 = arith.index_cast %scan3A_431 : i32 to index
        %get3A_433 = arith.constant 0 : index
        %get3A_434 = tpu.vector_load %arg10[%get3A_432, %get3A_433] {strides = array<i32>} : memref<128x64xf32, #tpu.memory_space<vmem>>, vector<1x16xf32>,
        %get3A_435 = vector.shape_cast %get3A_434 : vector<1x16xf32> to vector<16xf32>
        %max3A_436 = arith.maximumf %max3A_414, %get3A_435 : vector<16xf32>
        %get3A_437 = arith.index_cast %scan3A_431 : i32 to index
        %get3A_438 = arith.constant 16 : index
        %get3A_439 = tpu.vector_load %arg10[%get3A_437, %get3A_438] {strides = array<i32>} : memref<128x64xf32, #tpu.memory_space<vmem>>, vector<1x16xf32>,
        %get3A_440 = vector.shape_cast %get3A_439 : vector<1x16xf32> to vector<16xf32>
        %max3A_441 = arith.maximumf %max3A_419, %get3A_440 : vector<16xf32>
        %get3A_442 = arith.index_cast %scan3A_431 : i32 to index
        %get3A_443 = arith.constant 32 : index
        %get3A_444 = tpu.vector_load %arg10[%get3A_442, %get3A_443] {strides = array<i32>} : memref<128x64xf32, #tpu.memory_space<vmem>>, vector<1x16xf32>,
        %get3A_445 = vector.shape_cast %get3A_444 : vector<1x16xf32> to vector<16xf32>
        %max3A_446 = arith.maximumf %max3A_424, %get3A_445 : vector<16xf32>
        %get3A_447 = arith.index_cast %scan3A_431 : i32 to index
        %get3A_448 = arith.constant 48 : index
        %get3A_449 = tpu.vector_load %arg10[%get3A_447, %get3A_448] {strides = array<i32>} : memref<128x64xf32, #tpu.memory_space<vmem>>, vector<1x16xf32>,
        %get3A_450 = vector.shape_cast %get3A_449 : vector<1x16xf32> to vector<16xf32>
        %max3A_451 = arith.maximumf %max3A_429, %get3A_450 : vector<16xf32>
        %scan3A_452 = arith.constant 3 : i32
        %scan3A_453 = arith.addi %scan3A_385, %scan3A_452 : i32
        %get3A_454 = arith.index_cast %scan3A_453 : i32 to index
        %get3A_455 = arith.constant 0 : index
        %get3A_456 = tpu.vector_load %arg10[%get3A_454, %get3A_455] {strides = array<i32>} : memref<128x64xf32, #tpu.memory_space<vmem>>, vector<1x16xf32>,
        %get3A_457 = vector.shape_cast %get3A_456 : vector<1x16xf32> to vector<16xf32>
        %max3A_458 = arith.maximumf %max3A_436, %get3A_457 : vector<16xf32>
        %get3A_459 = arith.index_cast %scan3A_453 : i32 to index
        %get3A_460 = arith.constant 16 : index
        %get3A_461 = tpu.vector_load %arg10[%get3A_459, %get3A_460] {strides = array<i32>} : memref<128x64xf32, #tpu.memory_space<vmem>>, vector<1x16xf32>,
        %get3A_462 = vector.shape_cast %get3A_461 : vector<1x16xf32> to vector<16xf32>
        %max3A_463 = arith.maximumf %max3A_441, %get3A_462 : vector<16xf32>
        %get3A_464 = arith.index_cast %scan3A_453 : i32 to index
        %get3A_465 = arith.constant 32 : index
        %get3A_466 = tpu.vector_load %arg10[%get3A_464, %get3A_465] {strides = array<i32>} : memref<128x64xf32, #tpu.memory_space<vmem>>, vector<1x16xf32>,
        %get3A_467 = vector.shape_cast %get3A_466 : vector<1x16xf32> to vector<16xf32>
        %max3A_468 = arith.maximumf %max3A_446, %get3A_467 : vector<16xf32>
        %get3A_469 = arith.index_cast %scan3A_453 : i32 to index
        %get3A_470 = arith.constant 48 : index
        %get3A_471 = tpu.vector_load %arg10[%get3A_469, %get3A_470] {strides = array<i32>} : memref<128x64xf32, #tpu.memory_space<vmem>>, vector<1x16xf32>,
        %get3A_472 = vector.shape_cast %get3A_471 : vector<1x16xf32> to vector<16xf32>
        %max3A_473 = arith.maximumf %max3A_451, %get3A_472 : vector<16xf32>
        %scan3A_474 = arith.constant 4 : i32
        %scan3A_475 = arith.addi %scan3A_385, %scan3A_474 : i32
        %get3A_476 = arith.index_cast %scan3A_475 : i32 to index
        %get3A_477 = arith.constant 0 : index
        %get3A_478 = tpu.vector_load %arg10[%get3A_476, %get3A_477] {strides = array<i32>} : memref<128x64xf32, #tpu.memory_space<vmem>>, vector<1x16xf32>,
        %get3A_479 = vector.shape_cast %get3A_478 : vector<1x16xf32> to vector<16xf32>
        %max3A_480 = arith.maximumf %max3A_458, %get3A_479 : vector<16xf32>
        %get3A_481 = arith.index_cast %scan3A_475 : i32 to index
        %get3A_482 = arith.constant 16 : index
        %get3A_483 = tpu.vector_load %arg10[%get3A_481, %get3A_482] {strides = array<i32>} : memref<128x64xf32, #tpu.memory_space<vmem>>, vector<1x16xf32>,
        %get3A_484 = vector.shape_cast %get3A_483 : vector<1x16xf32> to vector<16xf32>
        %max3A_485 = arith.maximumf %max3A_463, %get3A_484 : vector<16xf32>
        %get3A_486 = arith.index_cast %scan3A_475 : i32 to index
        %get3A_487 = arith.constant 32 : index
        %get3A_488 = tpu.vector_load %arg10[%get3A_486, %get3A_487] {strides = array<i32>} : memref<128x64xf32, #tpu.memory_space<vmem>>, vector<1x16xf32>,
        %get3A_489 = vector.shape_cast %get3A_488 : vector<1x16xf32> to vector<16xf32>
        %max3A_490 = arith.maximumf %max3A_468, %get3A_489 : vector<16xf32>
        %get3A_491 = arith.index_cast %scan3A_475 : i32 to index
        %get3A_492 = arith.constant 48 : index
        %get3A_493 = tpu.vector_load %arg10[%get3A_491, %get3A_492] {strides = array<i32>} : memref<128x64xf32, #tpu.memory_space<vmem>>, vector<1x16xf32>,
        %get3A_494 = vector.shape_cast %get3A_493 : vector<1x16xf32> to vector<16xf32>
        %max3A_495 = arith.maximumf %max3A_473, %get3A_494 : vector<16xf32>
        %scan3A_496 = arith.constant 5 : i32
        %scan3A_497 = arith.addi %scan3A_385, %scan3A_496 : i32
        %get3A_498 = arith.index_cast %scan3A_497 : i32 to index
        %get3A_499 = arith.constant 0 : index
        %get3A_500 = tpu.vector_load %arg10[%get3A_498, %get3A_499] {strides = array<i32>} : memref<128x64xf32, #tpu.memory_space<vmem>>, vector<1x16xf32>,
        %get3A_501 = vector.shape_cast %get3A_500 : vector<1x16xf32> to vector<16xf32>
        %max3A_502 = arith.maximumf %max3A_480, %get3A_501 : vector<16xf32>
        %get3A_503 = arith.index_cast %scan3A_497 : i32 to index
        %get3A_504 = arith.constant 16 : index
        %get3A_505 = tpu.vector_load %arg10[%get3A_503, %get3A_504] {strides = array<i32>} : memref<128x64xf32, #tpu.memory_space<vmem>>, vector<1x16xf32>,
        %get3A_506 = vector.shape_cast %get3A_505 : vector<1x16xf32> to vector<16xf32>
        %max3A_507 = arith.maximumf %max3A_485, %get3A_506 : vector<16xf32>
        %get3A_508 = arith.index_cast %scan3A_497 : i32 to index
        %get3A_509 = arith.constant 32 : index
        %get3A_510 = tpu.vector_load %arg10[%get3A_508, %get3A_509] {strides = array<i32>} : memref<128x64xf32, #tpu.memory_space<vmem>>, vector<1x16xf32>,
        %get3A_511 = vector.shape_cast %get3A_510 : vector<1x16xf32> to vector<16xf32>
        %max3A_512 = arith.maximumf %max3A_490, %get3A_511 : vector<16xf32>
        %get3A_513 = arith.index_cast %scan3A_497 : i32 to index
        %get3A_514 = arith.constant 48 : index
        %get3A_515 = tpu.vector_load %arg10[%get3A_513, %get3A_514] {strides = array<i32>} : memref<128x64xf32, #tpu.memory_space<vmem>>, vector<1x16xf32>,
        %get3A_516 = vector.shape_cast %get3A_515 : vector<1x16xf32> to vector<16xf32>
        %max3A_517 = arith.maximumf %max3A_495, %get3A_516 : vector<16xf32>
        %scan3A_518 = arith.constant 6 : i32
        %scan3A_519 = arith.addi %scan3A_385, %scan3A_518 : i32
        %get3A_520 = arith.index_cast %scan3A_519 : i32 to index
        %get3A_521 = arith.constant 0 : index
        %get3A_522 = tpu.vector_load %arg10[%get3A_520, %get3A_521] {strides = array<i32>} : memref<128x64xf32, #tpu.memory_space<vmem>>, vector<1x16xf32>,
        %get3A_523 = vector.shape_cast %get3A_522 : vector<1x16xf32> to vector<16xf32>
        %max3A_524 = arith.maximumf %max3A_502, %get3A_523 : vector<16xf32>
        %get3A_525 = arith.index_cast %scan3A_519 : i32 to index
        %get3A_526 = arith.constant 16 : index
        %get3A_527 = tpu.vector_load %arg10[%get3A_525, %get3A_526] {strides = array<i32>} : memref<128x64xf32, #tpu.memory_space<vmem>>, vector<1x16xf32>,
        %get3A_528 = vector.shape_cast %get3A_527 : vector<1x16xf32> to vector<16xf32>
        %max3A_529 = arith.maximumf %max3A_507, %get3A_528 : vector<16xf32>
        %get3A_530 = arith.index_cast %scan3A_519 : i32 to index
        %get3A_531 = arith.constant 32 : index
        %get3A_532 = tpu.vector_load %arg10[%get3A_530, %get3A_531] {strides = array<i32>} : memref<128x64xf32, #tpu.memory_space<vmem>>, vector<1x16xf32>,
        %get3A_533 = vector.shape_cast %get3A_532 : vector<1x16xf32> to vector<16xf32>
        %max3A_534 = arith.maximumf %max3A_512, %get3A_533 : vector<16xf32>
        %get3A_535 = arith.index_cast %scan3A_519 : i32 to index
        %get3A_536 = arith.constant 48 : index
        %get3A_537 = tpu.vector_load %arg10[%get3A_535, %get3A_536] {strides = array<i32>} : memref<128x64xf32, #tpu.memory_space<vmem>>, vector<1x16xf32>,
        %get3A_538 = vector.shape_cast %get3A_537 : vector<1x16xf32> to vector<16xf32>
        %max3A_539 = arith.maximumf %max3A_517, %get3A_538 : vector<16xf32>
        %scan3A_540 = arith.constant 7 : i32
        %scan3A_541 = arith.addi %scan3A_385, %scan3A_540 : i32
        %get3A_542 = arith.index_cast %scan3A_541 : i32 to index
        %get3A_543 = arith.constant 0 : index
        %get3A_544 = tpu.vector_load %arg10[%get3A_542, %get3A_543] {strides = array<i32>} : memref<128x64xf32, #tpu.memory_space<vmem>>, vector<1x16xf32>,
        %get3A_545 = vector.shape_cast %get3A_544 : vector<1x16xf32> to vector<16xf32>
        %max3A_546 = arith.maximumf %max3A_524, %get3A_545 : vector<16xf32>
        %get3A_547 = arith.index_cast %scan3A_541 : i32 to index
        %get3A_548 = arith.constant 16 : index
        %get3A_549 = tpu.vector_load %arg10[%get3A_547, %get3A_548] {strides = array<i32>} : memref<128x64xf32, #tpu.memory_space<vmem>>, vector<1x16xf32>,
        %get3A_550 = vector.shape_cast %get3A_549 : vector<1x16xf32> to vector<16xf32>
        %max3A_551 = arith.maximumf %max3A_529, %get3A_550 : vector<16xf32>
        %get3A_552 = arith.index_cast %scan3A_541 : i32 to index
        %get3A_553 = arith.constant 32 : index
        %get3A_554 = tpu.vector_load %arg10[%get3A_552, %get3A_553] {strides = array<i32>} : memref<128x64xf32, #tpu.memory_space<vmem>>, vector<1x16xf32>,
        %get3A_555 = vector.shape_cast %get3A_554 : vector<1x16xf32> to vector<16xf32>
        %max3A_556 = arith.maximumf %max3A_534, %get3A_555 : vector<16xf32>
        %get3A_557 = arith.index_cast %scan3A_541 : i32 to index
        %get3A_558 = arith.constant 48 : index
        %get3A_559 = tpu.vector_load %arg10[%get3A_557, %get3A_558] {strides = array<i32>} : memref<128x64xf32, #tpu.memory_space<vmem>>, vector<1x16xf32>,
        %get3A_560 = vector.shape_cast %get3A_559 : vector<1x16xf32> to vector<16xf32>
        %max3A_561 = arith.maximumf %max3A_539, %get3A_560 : vector<16xf32>
        scf.yield %max3A_546, %max3A_551, %max3A_556, %max3A_561 : vector<16xf32>, vector<16xf32>, vector<16xf32>, vector<16xf32>
      }
      %scan3A_284 = arith.constant 128 : i32
      %scan3A_285 = arith.constant 0 : i32
      %scan3A_286 = arith.constant 72 : i32
      %scan3A_287 = arith.addi %scan3A_285, %scan3A_286 : i32
      %scan3A_288 = arith.constant 8 : i32
      %scan3A_289:4 = scf.for %scan3A_385 = %scan3A_285 to %scan3A_287 step %scan3A_288 iter_args(%scan3A_386 = %scan3A_283#0, %scan3A_387 = %scan3A_283#1, %scan3A_388 = %scan3A_283#2, %scan3A_389 = %scan3A_283#3) -> (vector<16xf32>, vector<16xf32>, vector<16xf32>, vector<16xf32>)  : i32 {
        %get3A = arith.index_cast %scan3A_385 : i32 to index
        %get3A_390 = arith.constant 0 : index
        %get3A_391 = tpu.vector_load %arg14[%get3A, %get3A_390] {strides = array<i32>} : memref<72x64xf32, #tpu.memory_space<vmem>>, vector<1x16xf32>,
        %get3A_392 = vector.shape_cast %get3A_391 : vector<1x16xf32> to vector<16xf32>
        %max3A = arith.maximumf %scan3A_386, %get3A_392 : vector<16xf32>
        %get3A_393 = arith.index_cast %scan3A_385 : i32 to index
        %get3A_394 = arith.constant 16 : index
        %get3A_395 = tpu.vector_load %arg14[%get3A_393, %get3A_394] {strides = array<i32>} : memref<72x64xf32, #tpu.memory_space<vmem>>, vector<1x16xf32>,
        %get3A_396 = vector.shape_cast %get3A_395 : vector<1x16xf32> to vector<16xf32>
        %max3A_397 = arith.maximumf %scan3A_387, %get3A_396 : vector<16xf32>
        %get3A_398 = arith.index_cast %scan3A_385 : i32 to index
        %get3A_399 = arith.constant 32 : index
        %get3A_400 = tpu.vector_load %arg14[%get3A_398, %get3A_399] {strides = array<i32>} : memref<72x64xf32, #tpu.memory_space<vmem>>, vector<1x16xf32>,
        %get3A_401 = vector.shape_cast %get3A_400 : vector<1x16xf32> to vector<16xf32>
        %max3A_402 = arith.maximumf %scan3A_388, %get3A_401 : vector<16xf32>
        %get3A_403 = arith.index_cast %scan3A_385 : i32 to index
        %get3A_404 = arith.constant 48 : index
        %get3A_405 = tpu.vector_load %arg14[%get3A_403, %get3A_404] {strides = array<i32>} : memref<72x64xf32, #tpu.memory_space<vmem>>, vector<1x16xf32>,
        %get3A_406 = vector.shape_cast %get3A_405 : vector<1x16xf32> to vector<16xf32>
        %max3A_407 = arith.maximumf %scan3A_389, %get3A_406 : vector<16xf32>
        %scan3A_408 = arith.constant 1 : i32
        %scan3A_409 = arith.addi %scan3A_385, %scan3A_408 : i32
        %get3A_410 = arith.index_cast %scan3A_409 : i32 to index
        %get3A_411 = arith.constant 0 : index
        %get3A_412 = tpu.vector_load %arg14[%get3A_410, %get3A_411] {strides = array<i32>} : memref<72x64xf32, #tpu.memory_space<vmem>>, vector<1x16xf32>,
        %get3A_413 = vector.shape_cast %get3A_412 : vector<1x16xf32> to vector<16xf32>
        %max3A_414 = arith.maximumf %max3A, %get3A_413 : vector<16xf32>
        %get3A_415 = arith.index_cast %scan3A_409 : i32 to index
        %get3A_416 = arith.constant 16 : index
        %get3A_417 = tpu.vector_load %arg14[%get3A_415, %get3A_416] {strides = array<i32>} : memref<72x64xf32, #tpu.memory_space<vmem>>, vector<1x16xf32>,
        %get3A_418 = vector.shape_cast %get3A_417 : vector<1x16xf32> to vector<16xf32>
        %max3A_419 = arith.maximumf %max3A_397, %get3A_418 : vector<16xf32>
        %get3A_420 = arith.index_cast %scan3A_409 : i32 to index
        %get3A_421 = arith.constant 32 : index
        %get3A_422 = tpu.vector_load %arg14[%get3A_420, %get3A_421] {strides = array<i32>} : memref<72x64xf32, #tpu.memory_space<vmem>>, vector<1x16xf32>,
        %get3A_423 = vector.shape_cast %get3A_422 : vector<1x16xf32> to vector<16xf32>
        %max3A_424 = arith.maximumf %max3A_402, %get3A_423 : vector<16xf32>
        %get3A_425 = arith.index_cast %scan3A_409 : i32 to index
        %get3A_426 = arith.constant 48 : index
        %get3A_427 = tpu.vector_load %arg14[%get3A_425, %get3A_426] {strides = array<i32>} : memref<72x64xf32, #tpu.memory_space<vmem>>, vector<1x16xf32>,
        %get3A_428 = vector.shape_cast %get3A_427 : vector<1x16xf32> to vector<16xf32>
        %max3A_429 = arith.maximumf %max3A_407, %get3A_428 : vector<16xf32>
        %scan3A_430 = arith.constant 2 : i32
        %scan3A_431 = arith.addi %scan3A_385, %scan3A_430 : i32
        %get3A_432 = arith.index_cast %scan3A_431 : i32 to index
        %get3A_433 = arith.constant 0 : index
        %get3A_434 = tpu.vector_load %arg14[%get3A_432, %get3A_433] {strides = array<i32>} : memref<72x64xf32, #tpu.memory_space<vmem>>, vector<1x16xf32>,
        %get3A_435 = vector.shape_cast %get3A_434 : vector<1x16xf32> to vector<16xf32>
        %max3A_436 = arith.maximumf %max3A_414, %get3A_435 : vector<16xf32>
        %get3A_437 = arith.index_cast %scan3A_431 : i32 to index
        %get3A_438 = arith.constant 16 : index
        %get3A_439 = tpu.vector_load %arg14[%get3A_437, %get3A_438] {strides = array<i32>} : memref<72x64xf32, #tpu.memory_space<vmem>>, vector<1x16xf32>,
        %get3A_440 = vector.shape_cast %get3A_439 : vector<1x16xf32> to vector<16xf32>
        %max3A_441 = arith.maximumf %max3A_419, %get3A_440 : vector<16xf32>
        %get3A_442 = arith.index_cast %scan3A_431 : i32 to index
        %get3A_443 = arith.constant 32 : index
        %get3A_444 = tpu.vector_load %arg14[%get3A_442, %get3A_443] {strides = array<i32>} : memref<72x64xf32, #tpu.memory_space<vmem>>, vector<1x16xf32>,
        %get3A_445 = vector.shape_cast %get3A_444 : vector<1x16xf32> to vector<16xf32>
        %max3A_446 = arith.maximumf %max3A_424, %get3A_445 : vector<16xf32>
        %get3A_447 = arith.index_cast %scan3A_431 : i32 to index
        %get3A_448 = arith.constant 48 : index
        %get3A_449 = tpu.vector_load %arg14[%get3A_447, %get3A_448] {strides = array<i32>} : memref<72x64xf32, #tpu.memory_space<vmem>>, vector<1x16xf32>,
        %get3A_450 = vector.shape_cast %get3A_449 : vector<1x16xf32> to vector<16xf32>
        %max3A_451 = arith.maximumf %max3A_429, %get3A_450 : vector<16xf32>
        %scan3A_452 = arith.constant 3 : i32
        %scan3A_453 = arith.addi %scan3A_385, %scan3A_452 : i32
        %get3A_454 = arith.index_cast %scan3A_453 : i32 to index
        %get3A_455 = arith.constant 0 : index
        %get3A_456 = tpu.vector_load %arg14[%get3A_454, %get3A_455] {strides = array<i32>} : memref<72x64xf32, #tpu.memory_space<vmem>>, vector<1x16xf32>,
        %get3A_457 = vector.shape_cast %get3A_456 : vector<1x16xf32> to vector<16xf32>
        %max3A_458 = arith.maximumf %max3A_436, %get3A_457 : vector<16xf32>
        %get3A_459 = arith.index_cast %scan3A_453 : i32 to index
        %get3A_460 = arith.constant 16 : index
        %get3A_461 = tpu.vector_load %arg14[%get3A_459, %get3A_460] {strides = array<i32>} : memref<72x64xf32, #tpu.memory_space<vmem>>, vector<1x16xf32>,
        %get3A_462 = vector.shape_cast %get3A_461 : vector<1x16xf32> to vector<16xf32>
        %max3A_463 = arith.maximumf %max3A_441, %get3A_462 : vector<16xf32>
        %get3A_464 = arith.index_cast %scan3A_453 : i32 to index
        %get3A_465 = arith.constant 32 : index
        %get3A_466 = tpu.vector_load %arg14[%get3A_464, %get3A_465] {strides = array<i32>} : memref<72x64xf32, #tpu.memory_space<vmem>>, vector<1x16xf32>,
        %get3A_467 = vector.shape_cast %get3A_466 : vector<1x16xf32> to vector<16xf32>
        %max3A_468 = arith.maximumf %max3A_446, %get3A_467 : vector<16xf32>
        %get3A_469 = arith.index_cast %scan3A_453 : i32 to index
        %get3A_470 = arith.constant 48 : index
        %get3A_471 = tpu.vector_load %arg14[%get3A_469, %get3A_470] {strides = array<i32>} : memref<72x64xf32, #tpu.memory_space<vmem>>, vector<1x16xf32>,
        %get3A_472 = vector.shape_cast %get3A_471 : vector<1x16xf32> to vector<16xf32>
        %max3A_473 = arith.maximumf %max3A_451, %get3A_472 : vector<16xf32>
        %scan3A_474 = arith.constant 4 : i32
        %scan3A_475 = arith.addi %scan3A_385, %scan3A_474 : i32
        %get3A_476 = arith.index_cast %scan3A_475 : i32 to index
        %get3A_477 = arith.constant 0 : index
        %get3A_478 = tpu.vector_load %arg14[%get3A_476, %get3A_477] {strides = array<i32>} : memref<72x64xf32, #tpu.memory_space<vmem>>, vector<1x16xf32>,
        %get3A_479 = vector.shape_cast %get3A_478 : vector<1x16xf32> to vector<16xf32>
        %max3A_480 = arith.maximumf %max3A_458, %get3A_479 : vector<16xf32>
        %get3A_481 = arith.index_cast %scan3A_475 : i32 to index
        %get3A_482 = arith.constant 16 : index
        %get3A_483 = tpu.vector_load %arg14[%get3A_481, %get3A_482] {strides = array<i32>} : memref<72x64xf32, #tpu.memory_space<vmem>>, vector<1x16xf32>,
        %get3A_484 = vector.shape_cast %get3A_483 : vector<1x16xf32> to vector<16xf32>
        %max3A_485 = arith.maximumf %max3A_463, %get3A_484 : vector<16xf32>
        %get3A_486 = arith.index_cast %scan3A_475 : i32 to index
        %get3A_487 = arith.constant 32 : index
        %get3A_488 = tpu.vector_load %arg14[%get3A_486, %get3A_487] {strides = array<i32>} : memref<72x64xf32, #tpu.memory_space<vmem>>, vector<1x16xf32>,
        %get3A_489 = vector.shape_cast %get3A_488 : vector<1x16xf32> to vector<16xf32>
        %max3A_490 = arith.maximumf %max3A_468, %get3A_489 : vector<16xf32>
        %get3A_491 = arith.index_cast %scan3A_475 : i32 to index
        %get3A_492 = arith.constant 48 : index
        %get3A_493 = tpu.vector_load %arg14[%get3A_491, %get3A_492] {strides = array<i32>} : memref<72x64xf32, #tpu.memory_space<vmem>>, vector<1x16xf32>,
        %get3A_494 = vector.shape_cast %get3A_493 : vector<1x16xf32> to vector<16xf32>
        %max3A_495 = arith.maximumf %max3A_473, %get3A_494 : vector<16xf32>
        %scan3A_496 = arith.constant 5 : i32
        %scan3A_497 = arith.addi %scan3A_385, %scan3A_496 : i32
        %get3A_498 = arith.index_cast %scan3A_497 : i32 to index
        %get3A_499 = arith.constant 0 : index
        %get3A_500 = tpu.vector_load %arg14[%get3A_498, %get3A_499] {strides = array<i32>} : memref<72x64xf32, #tpu.memory_space<vmem>>, vector<1x16xf32>,
        %get3A_501 = vector.shape_cast %get3A_500 : vector<1x16xf32> to vector<16xf32>
        %max3A_502 = arith.maximumf %max3A_480, %get3A_501 : vector<16xf32>
        %get3A_503 = arith.index_cast %scan3A_497 : i32 to index
        %get3A_504 = arith.constant 16 : index
        %get3A_505 = tpu.vector_load %arg14[%get3A_503, %get3A_504] {strides = array<i32>} : memref<72x64xf32, #tpu.memory_space<vmem>>, vector<1x16xf32>,
        %get3A_506 = vector.shape_cast %get3A_505 : vector<1x16xf32> to vector<16xf32>
        %max3A_507 = arith.maximumf %max3A_485, %get3A_506 : vector<16xf32>
        %get3A_508 = arith.index_cast %scan3A_497 : i32 to index
        %get3A_509 = arith.constant 32 : index
        %get3A_510 = tpu.vector_load %arg14[%get3A_508, %get3A_509] {strides = array<i32>} : memref<72x64xf32, #tpu.memory_space<vmem>>, vector<1x16xf32>,
        %get3A_511 = vector.shape_cast %get3A_510 : vector<1x16xf32> to vector<16xf32>
        %max3A_512 = arith.maximumf %max3A_490, %get3A_511 : vector<16xf32>
        %get3A_513 = arith.index_cast %scan3A_497 : i32 to index
        %get3A_514 = arith.constant 48 : index
        %get3A_515 = tpu.vector_load %arg14[%get3A_513, %get3A_514] {strides = array<i32>} : memref<72x64xf32, #tpu.memory_space<vmem>>, vector<1x16xf32>,
        %get3A_516 = vector.shape_cast %get3A_515 : vector<1x16xf32> to vector<16xf32>
        %max3A_517 = arith.maximumf %max3A_495, %get3A_516 : vector<16xf32>
        %scan3A_518 = arith.constant 6 : i32
        %scan3A_519 = arith.addi %scan3A_385, %scan3A_518 : i32
        %get3A_520 = arith.index_cast %scan3A_519 : i32 to index
        %get3A_521 = arith.constant 0 : index
        %get3A_522 = tpu.vector_load %arg14[%get3A_520, %get3A_521] {strides = array<i32>} : memref<72x64xf32, #tpu.memory_space<vmem>>, vector<1x16xf32>,
        %get3A_523 = vector.shape_cast %get3A_522 : vector<1x16xf32> to vector<16xf32>
        %max3A_524 = arith.maximumf %max3A_502, %get3A_523 : vector<16xf32>
        %get3A_525 = arith.index_cast %scan3A_519 : i32 to index
        %get3A_526 = arith.constant 16 : index
        %get3A_527 = tpu.vector_load %arg14[%get3A_525, %get3A_526] {strides = array<i32>} : memref<72x64xf32, #tpu.memory_space<vmem>>, vector<1x16xf32>,
        %get3A_528 = vector.shape_cast %get3A_527 : vector<1x16xf32> to vector<16xf32>
        %max3A_529 = arith.maximumf %max3A_507, %get3A_528 : vector<16xf32>
        %get3A_530 = arith.index_cast %scan3A_519 : i32 to index
        %get3A_531 = arith.constant 32 : index
        %get3A_532 = tpu.vector_load %arg14[%get3A_530, %get3A_531] {strides = array<i32>} : memref<72x64xf32, #tpu.memory_space<vmem>>, vector<1x16xf32>,
        %get3A_533 = vector.shape_cast %get3A_532 : vector<1x16xf32> to vector<16xf32>
        %max3A_534 = arith.maximumf %max3A_512, %get3A_533 : vector<16xf32>
        %get3A_535 = arith.index_cast %scan3A_519 : i32 to index
        %get3A_536 = arith.constant 48 : index
        %get3A_537 = tpu.vector_load %arg14[%get3A_535, %get3A_536] {strides = array<i32>} : memref<72x64xf32, #tpu.memory_space<vmem>>, vector<1x16xf32>,
        %get3A_538 = vector.shape_cast %get3A_537 : vector<1x16xf32> to vector<16xf32>
        %max3A_539 = arith.maximumf %max3A_517, %get3A_538 : vector<16xf32>
        %scan3A_540 = arith.constant 7 : i32
        %scan3A_541 = arith.addi %scan3A_385, %scan3A_540 : i32
        %get3A_542 = arith.index_cast %scan3A_541 : i32 to index
        %get3A_543 = arith.constant 0 : index
        %get3A_544 = tpu.vector_load %arg14[%get3A_542, %get3A_543] {strides = array<i32>} : memref<72x64xf32, #tpu.memory_space<vmem>>, vector<1x16xf32>,
        %get3A_545 = vector.shape_cast %get3A_544 : vector<1x16xf32> to vector<16xf32>
        %max3A_546 = arith.maximumf %max3A_524, %get3A_545 : vector<16xf32>
        %get3A_547 = arith.index_cast %scan3A_541 : i32 to index
        %get3A_548 = arith.constant 16 : index
        %get3A_549 = tpu.vector_load %arg14[%get3A_547, %get3A_548] {strides = array<i32>} : memref<72x64xf32, #tpu.memory_space<vmem>>, vector<1x16xf32>,
        %get3A_550 = vector.shape_cast %get3A_549 : vector<1x16xf32> to vector<16xf32>
        %max3A_551 = arith.maximumf %max3A_529, %get3A_550 : vector<16xf32>
        %get3A_552 = arith.index_cast %scan3A_541 : i32 to index
        %get3A_553 = arith.constant 32 : index
        %get3A_554 = tpu.vector_load %arg14[%get3A_552, %get3A_553] {strides = array<i32>} : memref<72x64xf32, #tpu.memory_space<vmem>>, vector<1x16xf32>,
        %get3A_555 = vector.shape_cast %get3A_554 : vector<1x16xf32> to vector<16xf32>
        %max3A_556 = arith.maximumf %max3A_534, %get3A_555 : vector<16xf32>
        %get3A_557 = arith.index_cast %scan3A_541 : i32 to index
        %get3A_558 = arith.constant 48 : index
        %get3A_559 = tpu.vector_load %arg14[%get3A_557, %get3A_558] {strides = array<i32>} : memref<72x64xf32, #tpu.memory_space<vmem>>, vector<1x16xf32>,
        %get3A_560 = vector.shape_cast %get3A_559 : vector<1x16xf32> to vector<16xf32>
        %max3A_561 = arith.maximumf %max3A_539, %get3A_560 : vector<16xf32>
        scf.yield %max3A_546, %max3A_551, %max3A_556, %max3A_561 : vector<16xf32>, vector<16xf32>, vector<16xf32>, vector<16xf32>
      }
      %scan3A_290 = arith.constant 72 : i32
      %swap3A_291 = arith.index_cast %add3A_238 : i32 to index
      %swap3A_292 = arith.constant 0 : index
      %swap3A_293 = tpu.vector_load %arg16[%swap3A_291, %swap3A_292] {strides = array<i32>} : memref<128x64xf32, #tpu.memory_space<vmem>>, vector<1x16xf32>,
      %swap3A_294 = vector.shape_cast %swap3A_293 : vector<1x16xf32> to vector<16xf32>
      %swap3A_295 = vector.shape_cast %scan3A_289#0 : vector<16xf32> to vector<1x16xf32>
      tpu.vector_store %arg16[%swap3A_291, %swap3A_292], %swap3A_295 {strides = array<i32>} : memref<128x64xf32, #tpu.memory_space<vmem>>, vector<1x16xf32>,
      %swap3A_296 = arith.index_cast %add3A_238 : i32 to index
      %swap3A_297 = arith.constant 16 : index
      %swap3A_298 = tpu.vector_load %arg16[%swap3A_296, %swap3A_297] {strides = array<i32>} : memref<128x64xf32, #tpu.memory_space<vmem>>, vector<1x16xf32>,
      %swap3A_299 = vector.shape_cast %swap3A_298 : vector<1x16xf32> to vector<16xf32>
      %swap3A_300 = vector.shape_cast %scan3A_289#1 : vector<16xf32> to vector<1x16xf32>
      tpu.vector_store %arg16[%swap3A_296, %swap3A_297], %swap3A_300 {strides = array<i32>} : memref<128x64xf32, #tpu.memory_space<vmem>>, vector<1x16xf32>,
      %swap3A_301 = arith.index_cast %add3A_238 : i32 to index
      %swap3A_302 = arith.constant 32 : index
      %swap3A_303 = tpu.vector_load %arg16[%swap3A_301, %swap3A_302] {strides = array<i32>} : memref<128x64xf32, #tpu.memory_space<vmem>>, vector<1x16xf32>,
      %swap3A_304 = vector.shape_cast %swap3A_303 : vector<1x16xf32> to vector<16xf32>
      %swap3A_305 = vector.shape_cast %scan3A_289#2 : vector<16xf32> to vector<1x16xf32>
      tpu.vector_store %arg16[%swap3A_301, %swap3A_302], %swap3A_305 {strides = array<i32>} : memref<128x64xf32, #tpu.memory_space<vmem>>, vector<1x16xf32>,
      %swap3A_306 = arith.index_cast %add3A_238 : i32 to index
      %swap3A_307 = arith.constant 48 : index
      %swap3A_308 = tpu.vector_load %arg16[%swap3A_306, %swap3A_307] {strides = array<i32>} : memref<128x64xf32, #tpu.memory_space<vmem>>, vector<1x16xf32>,
      %swap3A_309 = vector.shape_cast %swap3A_308 : vector<1x16xf32> to vector<16xf32>
      %swap3A_310 = vector.shape_cast %scan3A_289#3 : vector<16xf32> to vector<1x16xf32>
      tpu.vector_store %arg16[%swap3A_306, %swap3A_307], %swap3A_310 {strides = array<i32>} : memref<128x64xf32, #tpu.memory_space<vmem>>, vector<1x16xf32>,
      %add3A_311 = arith.constant 3 : i32
      %add3A_312 = arith.addi %mul3A_92, %add3A_311 : i32
      %add3A_313 = arith.constant 4 : i32
      %add3A_314 = arith.addi %add3A_312, %add3A_313 : i32
      %sub3A_315 = arith.constant 1 : i32
      %sub3A_316 = arith.subi %add3A_314, %sub3A_315 : i32
      %min3A_317 = arith.constant 127 : i32
      %min3A_318 = arith.minsi %sub3A_316, %min3A_317 : i32
      %dma_start3A_319 = arith.constant 0 : i32
      %dma_start3A_320 = tpu.memref_slice %arg6[%min3A_318, %dma_start3A_319] : memref<128x128xi32, #tpu.memory_space<vmem>> -> memref<1x128xi32, #tpu.memory_space<vmem>>
      %dma_start3A_321 = tpu.memref_squeeze %dma_start3A_320 : memref<1x128xi32, #tpu.memory_space<vmem>> -> memref<128xi32, #tpu.memory_space<vmem>>
      %dma_start3A_322 = arith.constant 0 : i32
      %dma_start3A_323 = arith.constant 0 : i32
      %dma_start3A_324 = tpu.memref_slice %arg4[%dma_start3A_322, %dma_start3A_323] : memref<1048576x64xf32, #tpu.memory_space<hbm>> -> memref<1048576x64xf32, #tpu.memory_space<hbm>>
      tpu.enqueue_indirect_dma source(%dma_start3A_324 : memref<1048576x64xf32, #tpu.memory_space<hbm>>) target(%arg10 : memref<128x64xf32, #tpu.memory_space<vmem>>) offsets(%dma_start3A_321 : memref<128xi32, #tpu.memory_space<vmem>>) semaphore(%arg19 : memref<!tpu.dma_semaphore, #tpu.memory_space<semaphore_mem>>)
      %dma_start3A_325 = arith.constant 0 : i32
      %dma_start3A_326 = tpu.memref_slice %arg7[%min3A_318, %dma_start3A_325] : memref<128x72xi32, #tpu.memory_space<vmem>> -> memref<1x72xi32, #tpu.memory_space<vmem>>
      %dma_start3A_327 = tpu.memref_squeeze %dma_start3A_326 : memref<1x72xi32, #tpu.memory_space<vmem>> -> memref<72xi32, #tpu.memory_space<vmem>>
      %dma_start3A_328 = arith.constant 0 : i32
      %dma_start3A_329 = arith.constant 0 : i32
      %dma_start3A_330 = tpu.memref_slice %arg4[%dma_start3A_328, %dma_start3A_329] : memref<1048576x64xf32, #tpu.memory_space<hbm>> -> memref<1048576x64xf32, #tpu.memory_space<hbm>>
      tpu.enqueue_indirect_dma source(%dma_start3A_330 : memref<1048576x64xf32, #tpu.memory_space<hbm>>) target(%arg14 : memref<72x64xf32, #tpu.memory_space<vmem>>) offsets(%dma_start3A_327 : memref<72xi32, #tpu.memory_space<vmem>>) semaphore(%arg23 : memref<!tpu.dma_semaphore, #tpu.memory_space<semaphore_mem>>)
      %dma_wait3A_331 = arith.constant 0 : i32
      %dma_wait3A_332 = arith.constant 0 : i32
      %dma_wait3A_333 = tpu.memref_slice %arg6[%dma_wait3A_331, %dma_wait3A_332] : memref<128x128xi32, #tpu.memory_space<vmem>> -> memref<1x128xi32, #tpu.memory_space<vmem>>
      %dma_wait3A_334 = tpu.memref_squeeze %dma_wait3A_333 : memref<1x128xi32, #tpu.memory_space<vmem>> -> memref<128xi32, #tpu.memory_space<vmem>>
      %dma_wait3A_335 = arith.constant 0 : i32
      %dma_wait3A_336 = arith.constant 0 : i32
      %dma_wait3A_337 = tpu.memref_slice %arg4[%dma_wait3A_335, %dma_wait3A_336] : memref<1048576x64xf32, #tpu.memory_space<hbm>> -> memref<1048576x64xf32, #tpu.memory_space<hbm>>
      tpu.wait_indirect_dma semaphore(%arg20 : memref<!tpu.dma_semaphore, #tpu.memory_space<semaphore_mem>>) src(%dma_wait3A_337 : memref<1048576x64xf32, #tpu.memory_space<hbm>>) dst(%arg11 : memref<128x64xf32, #tpu.memory_space<vmem>>)
      %dma_wait3A_338 = arith.constant 0 : i32
      %dma_wait3A_339 = arith.constant 0 : i32
      %dma_wait3A_340 = tpu.memref_slice %arg7[%dma_wait3A_338, %dma_wait3A_339] : memref<128x72xi32, #tpu.memory_space<vmem>> -> memref<1x72xi32, #tpu.memory_space<vmem>>
      %dma_wait3A_341 = tpu.memref_squeeze %dma_wait3A_340 : memref<1x72xi32, #tpu.memory_space<vmem>> -> memref<72xi32, #tpu.memory_space<vmem>>
      %dma_wait3A_342 = arith.constant 0 : i32
      %dma_wait3A_343 = arith.constant 0 : i32
      %dma_wait3A_344 = tpu.memref_slice %arg4[%dma_wait3A_342, %dma_wait3A_343] : memref<1048576x64xf32, #tpu.memory_space<hbm>> -> memref<1048576x64xf32, #tpu.memory_space<hbm>>
      tpu.wait_indirect_dma semaphore(%arg24 : memref<!tpu.dma_semaphore, #tpu.memory_space<semaphore_mem>>) src(%dma_wait3A_344 : memref<1048576x64xf32, #tpu.memory_space<hbm>>) dst(%arg15 : memref<72x64xf32, #tpu.memory_space<vmem>>)
      %broadcast_in_dim3A_345 = arith.constant 0xFF800000 : f32
      %broadcast_in_dim3A_346 = vector.broadcast %broadcast_in_dim3A_345 : f32 to vector<16xf32>
      %broadcast_in_dim3A_347 = arith.constant 0xFF800000 : f32
      %broadcast_in_dim3A_348 = vector.broadcast %broadcast_in_dim3A_347 : f32 to vector<16xf32>
      %broadcast_in_dim3A_349 = arith.constant 0xFF800000 : f32
      %broadcast_in_dim3A_350 = vector.broadcast %broadcast_in_dim3A_349 : f32 to vector<16xf32>
      %broadcast_in_dim3A_351 = arith.constant 0xFF800000 : f32
      %broadcast_in_dim3A_352 = vector.broadcast %broadcast_in_dim3A_351 : f32 to vector<16xf32>
      %scan3A_353 = arith.constant 0 : i32
      %scan3A_354 = arith.constant 128 : i32
      %scan3A_355 = arith.addi %scan3A_353, %scan3A_354 : i32
      %scan3A_356 = arith.constant 8 : i32
      %scan3A_357:4 = scf.for %scan3A_385 = %scan3A_353 to %scan3A_355 step %scan3A_356 iter_args(%scan3A_386 = %broadcast_in_dim3A_346, %scan3A_387 = %broadcast_in_dim3A_348, %scan3A_388 = %broadcast_in_dim3A_350, %scan3A_389 = %broadcast_in_dim3A_352) -> (vector<16xf32>, vector<16xf32>, vector<16xf32>, vector<16xf32>)  : i32 {
        %get3A = arith.index_cast %scan3A_385 : i32 to index
        %get3A_390 = arith.constant 0 : index
        %get3A_391 = tpu.vector_load %arg11[%get3A, %get3A_390] {strides = array<i32>} : memref<128x64xf32, #tpu.memory_space<vmem>>, vector<1x16xf32>,
        %get3A_392 = vector.shape_cast %get3A_391 : vector<1x16xf32> to vector<16xf32>
        %max3A = arith.maximumf %scan3A_386, %get3A_392 : vector<16xf32>
        %get3A_393 = arith.index_cast %scan3A_385 : i32 to index
        %get3A_394 = arith.constant 16 : index
        %get3A_395 = tpu.vector_load %arg11[%get3A_393, %get3A_394] {strides = array<i32>} : memref<128x64xf32, #tpu.memory_space<vmem>>, vector<1x16xf32>,
        %get3A_396 = vector.shape_cast %get3A_395 : vector<1x16xf32> to vector<16xf32>
        %max3A_397 = arith.maximumf %scan3A_387, %get3A_396 : vector<16xf32>
        %get3A_398 = arith.index_cast %scan3A_385 : i32 to index
        %get3A_399 = arith.constant 32 : index
        %get3A_400 = tpu.vector_load %arg11[%get3A_398, %get3A_399] {strides = array<i32>} : memref<128x64xf32, #tpu.memory_space<vmem>>, vector<1x16xf32>,
        %get3A_401 = vector.shape_cast %get3A_400 : vector<1x16xf32> to vector<16xf32>
        %max3A_402 = arith.maximumf %scan3A_388, %get3A_401 : vector<16xf32>
        %get3A_403 = arith.index_cast %scan3A_385 : i32 to index
        %get3A_404 = arith.constant 48 : index
        %get3A_405 = tpu.vector_load %arg11[%get3A_403, %get3A_404] {strides = array<i32>} : memref<128x64xf32, #tpu.memory_space<vmem>>, vector<1x16xf32>,
        %get3A_406 = vector.shape_cast %get3A_405 : vector<1x16xf32> to vector<16xf32>
        %max3A_407 = arith.maximumf %scan3A_389, %get3A_406 : vector<16xf32>
        %scan3A_408 = arith.constant 1 : i32
        %scan3A_409 = arith.addi %scan3A_385, %scan3A_408 : i32
        %get3A_410 = arith.index_cast %scan3A_409 : i32 to index
        %get3A_411 = arith.constant 0 : index
        %get3A_412 = tpu.vector_load %arg11[%get3A_410, %get3A_411] {strides = array<i32>} : memref<128x64xf32, #tpu.memory_space<vmem>>, vector<1x16xf32>,
        %get3A_413 = vector.shape_cast %get3A_412 : vector<1x16xf32> to vector<16xf32>
        %max3A_414 = arith.maximumf %max3A, %get3A_413 : vector<16xf32>
        %get3A_415 = arith.index_cast %scan3A_409 : i32 to index
        %get3A_416 = arith.constant 16 : index
        %get3A_417 = tpu.vector_load %arg11[%get3A_415, %get3A_416] {strides = array<i32>} : memref<128x64xf32, #tpu.memory_space<vmem>>, vector<1x16xf32>,
        %get3A_418 = vector.shape_cast %get3A_417 : vector<1x16xf32> to vector<16xf32>
        %max3A_419 = arith.maximumf %max3A_397, %get3A_418 : vector<16xf32>
        %get3A_420 = arith.index_cast %scan3A_409 : i32 to index
        %get3A_421 = arith.constant 32 : index
        %get3A_422 = tpu.vector_load %arg11[%get3A_420, %get3A_421] {strides = array<i32>} : memref<128x64xf32, #tpu.memory_space<vmem>>, vector<1x16xf32>,
        %get3A_423 = vector.shape_cast %get3A_422 : vector<1x16xf32> to vector<16xf32>
        %max3A_424 = arith.maximumf %max3A_402, %get3A_423 : vector<16xf32>
        %get3A_425 = arith.index_cast %scan3A_409 : i32 to index
        %get3A_426 = arith.constant 48 : index
        %get3A_427 = tpu.vector_load %arg11[%get3A_425, %get3A_426] {strides = array<i32>} : memref<128x64xf32, #tpu.memory_space<vmem>>, vector<1x16xf32>,
        %get3A_428 = vector.shape_cast %get3A_427 : vector<1x16xf32> to vector<16xf32>
        %max3A_429 = arith.maximumf %max3A_407, %get3A_428 : vector<16xf32>
        %scan3A_430 = arith.constant 2 : i32
        %scan3A_431 = arith.addi %scan3A_385, %scan3A_430 : i32
        %get3A_432 = arith.index_cast %scan3A_431 : i32 to index
        %get3A_433 = arith.constant 0 : index
        %get3A_434 = tpu.vector_load %arg11[%get3A_432, %get3A_433] {strides = array<i32>} : memref<128x64xf32, #tpu.memory_space<vmem>>, vector<1x16xf32>,
        %get3A_435 = vector.shape_cast %get3A_434 : vector<1x16xf32> to vector<16xf32>
        %max3A_436 = arith.maximumf %max3A_414, %get3A_435 : vector<16xf32>
        %get3A_437 = arith.index_cast %scan3A_431 : i32 to index
        %get3A_438 = arith.constant 16 : index
        %get3A_439 = tpu.vector_load %arg11[%get3A_437, %get3A_438] {strides = array<i32>} : memref<128x64xf32, #tpu.memory_space<vmem>>, vector<1x16xf32>,
        %get3A_440 = vector.shape_cast %get3A_439 : vector<1x16xf32> to vector<16xf32>
        %max3A_441 = arith.maximumf %max3A_419, %get3A_440 : vector<16xf32>
        %get3A_442 = arith.index_cast %scan3A_431 : i32 to index
        %get3A_443 = arith.constant 32 : index
        %get3A_444 = tpu.vector_load %arg11[%get3A_442, %get3A_443] {strides = array<i32>} : memref<128x64xf32, #tpu.memory_space<vmem>>, vector<1x16xf32>,
        %get3A_445 = vector.shape_cast %get3A_444 : vector<1x16xf32> to vector<16xf32>
        %max3A_446 = arith.maximumf %max3A_424, %get3A_445 : vector<16xf32>
        %get3A_447 = arith.index_cast %scan3A_431 : i32 to index
        %get3A_448 = arith.constant 48 : index
        %get3A_449 = tpu.vector_load %arg11[%get3A_447, %get3A_448] {strides = array<i32>} : memref<128x64xf32, #tpu.memory_space<vmem>>, vector<1x16xf32>,
        %get3A_450 = vector.shape_cast %get3A_449 : vector<1x16xf32> to vector<16xf32>
        %max3A_451 = arith.maximumf %max3A_429, %get3A_450 : vector<16xf32>
        %scan3A_452 = arith.constant 3 : i32
        %scan3A_453 = arith.addi %scan3A_385, %scan3A_452 : i32
        %get3A_454 = arith.index_cast %scan3A_453 : i32 to index
        %get3A_455 = arith.constant 0 : index
        %get3A_456 = tpu.vector_load %arg11[%get3A_454, %get3A_455] {strides = array<i32>} : memref<128x64xf32, #tpu.memory_space<vmem>>, vector<1x16xf32>,
        %get3A_457 = vector.shape_cast %get3A_456 : vector<1x16xf32> to vector<16xf32>
        %max3A_458 = arith.maximumf %max3A_436, %get3A_457 : vector<16xf32>
        %get3A_459 = arith.index_cast %scan3A_453 : i32 to index
        %get3A_460 = arith.constant 16 : index
        %get3A_461 = tpu.vector_load %arg11[%get3A_459, %get3A_460] {strides = array<i32>} : memref<128x64xf32, #tpu.memory_space<vmem>>, vector<1x16xf32>,
        %get3A_462 = vector.shape_cast %get3A_461 : vector<1x16xf32> to vector<16xf32>
        %max3A_463 = arith.maximumf %max3A_441, %get3A_462 : vector<16xf32>
        %get3A_464 = arith.index_cast %scan3A_453 : i32 to index
        %get3A_465 = arith.constant 32 : index
        %get3A_466 = tpu.vector_load %arg11[%get3A_464, %get3A_465] {strides = array<i32>} : memref<128x64xf32, #tpu.memory_space<vmem>>, vector<1x16xf32>,
        %get3A_467 = vector.shape_cast %get3A_466 : vector<1x16xf32> to vector<16xf32>
        %max3A_468 = arith.maximumf %max3A_446, %get3A_467 : vector<16xf32>
        %get3A_469 = arith.index_cast %scan3A_453 : i32 to index
        %get3A_470 = arith.constant 48 : index
        %get3A_471 = tpu.vector_load %arg11[%get3A_469, %get3A_470] {strides = array<i32>} : memref<128x64xf32, #tpu.memory_space<vmem>>, vector<1x16xf32>,
        %get3A_472 = vector.shape_cast %get3A_471 : vector<1x16xf32> to vector<16xf32>
        %max3A_473 = arith.maximumf %max3A_451, %get3A_472 : vector<16xf32>
        %scan3A_474 = arith.constant 4 : i32
        %scan3A_475 = arith.addi %scan3A_385, %scan3A_474 : i32
        %get3A_476 = arith.index_cast %scan3A_475 : i32 to index
        %get3A_477 = arith.constant 0 : index
        %get3A_478 = tpu.vector_load %arg11[%get3A_476, %get3A_477] {strides = array<i32>} : memref<128x64xf32, #tpu.memory_space<vmem>>, vector<1x16xf32>,
        %get3A_479 = vector.shape_cast %get3A_478 : vector<1x16xf32> to vector<16xf32>
        %max3A_480 = arith.maximumf %max3A_458, %get3A_479 : vector<16xf32>
        %get3A_481 = arith.index_cast %scan3A_475 : i32 to index
        %get3A_482 = arith.constant 16 : index
        %get3A_483 = tpu.vector_load %arg11[%get3A_481, %get3A_482] {strides = array<i32>} : memref<128x64xf32, #tpu.memory_space<vmem>>, vector<1x16xf32>,
        %get3A_484 = vector.shape_cast %get3A_483 : vector<1x16xf32> to vector<16xf32>
        %max3A_485 = arith.maximumf %max3A_463, %get3A_484 : vector<16xf32>
        %get3A_486 = arith.index_cast %scan3A_475 : i32 to index
        %get3A_487 = arith.constant 32 : index
        %get3A_488 = tpu.vector_load %arg11[%get3A_486, %get3A_487] {strides = array<i32>} : memref<128x64xf32, #tpu.memory_space<vmem>>, vector<1x16xf32>,
        %get3A_489 = vector.shape_cast %get3A_488 : vector<1x16xf32> to vector<16xf32>
        %max3A_490 = arith.maximumf %max3A_468, %get3A_489 : vector<16xf32>
        %get3A_491 = arith.index_cast %scan3A_475 : i32 to index
        %get3A_492 = arith.constant 48 : index
        %get3A_493 = tpu.vector_load %arg11[%get3A_491, %get3A_492] {strides = array<i32>} : memref<128x64xf32, #tpu.memory_space<vmem>>, vector<1x16xf32>,
        %get3A_494 = vector.shape_cast %get3A_493 : vector<1x16xf32> to vector<16xf32>
        %max3A_495 = arith.maximumf %max3A_473, %get3A_494 : vector<16xf32>
        %scan3A_496 = arith.constant 5 : i32
        %scan3A_497 = arith.addi %scan3A_385, %scan3A_496 : i32
        %get3A_498 = arith.index_cast %scan3A_497 : i32 to index
        %get3A_499 = arith.constant 0 : index
        %get3A_500 = tpu.vector_load %arg11[%get3A_498, %get3A_499] {strides = array<i32>} : memref<128x64xf32, #tpu.memory_space<vmem>>, vector<1x16xf32>,
        %get3A_501 = vector.shape_cast %get3A_500 : vector<1x16xf32> to vector<16xf32>
        %max3A_502 = arith.maximumf %max3A_480, %get3A_501 : vector<16xf32>
        %get3A_503 = arith.index_cast %scan3A_497 : i32 to index
        %get3A_504 = arith.constant 16 : index
        %get3A_505 = tpu.vector_load %arg11[%get3A_503, %get3A_504] {strides = array<i32>} : memref<128x64xf32, #tpu.memory_space<vmem>>, vector<1x16xf32>,
        %get3A_506 = vector.shape_cast %get3A_505 : vector<1x16xf32> to vector<16xf32>
        %max3A_507 = arith.maximumf %max3A_485, %get3A_506 : vector<16xf32>
        %get3A_508 = arith.index_cast %scan3A_497 : i32 to index
        %get3A_509 = arith.constant 32 : index
        %get3A_510 = tpu.vector_load %arg11[%get3A_508, %get3A_509] {strides = array<i32>} : memref<128x64xf32, #tpu.memory_space<vmem>>, vector<1x16xf32>,
        %get3A_511 = vector.shape_cast %get3A_510 : vector<1x16xf32> to vector<16xf32>
        %max3A_512 = arith.maximumf %max3A_490, %get3A_511 : vector<16xf32>
        %get3A_513 = arith.index_cast %scan3A_497 : i32 to index
        %get3A_514 = arith.constant 48 : index
        %get3A_515 = tpu.vector_load %arg11[%get3A_513, %get3A_514] {strides = array<i32>} : memref<128x64xf32, #tpu.memory_space<vmem>>, vector<1x16xf32>,
        %get3A_516 = vector.shape_cast %get3A_515 : vector<1x16xf32> to vector<16xf32>
        %max3A_517 = arith.maximumf %max3A_495, %get3A_516 : vector<16xf32>
        %scan3A_518 = arith.constant 6 : i32
        %scan3A_519 = arith.addi %scan3A_385, %scan3A_518 : i32
        %get3A_520 = arith.index_cast %scan3A_519 : i32 to index
        %get3A_521 = arith.constant 0 : index
        %get3A_522 = tpu.vector_load %arg11[%get3A_520, %get3A_521] {strides = array<i32>} : memref<128x64xf32, #tpu.memory_space<vmem>>, vector<1x16xf32>,
        %get3A_523 = vector.shape_cast %get3A_522 : vector<1x16xf32> to vector<16xf32>
        %max3A_524 = arith.maximumf %max3A_502, %get3A_523 : vector<16xf32>
        %get3A_525 = arith.index_cast %scan3A_519 : i32 to index
        %get3A_526 = arith.constant 16 : index
        %get3A_527 = tpu.vector_load %arg11[%get3A_525, %get3A_526] {strides = array<i32>} : memref<128x64xf32, #tpu.memory_space<vmem>>, vector<1x16xf32>,
        %get3A_528 = vector.shape_cast %get3A_527 : vector<1x16xf32> to vector<16xf32>
        %max3A_529 = arith.maximumf %max3A_507, %get3A_528 : vector<16xf32>
        %get3A_530 = arith.index_cast %scan3A_519 : i32 to index
        %get3A_531 = arith.constant 32 : index
        %get3A_532 = tpu.vector_load %arg11[%get3A_530, %get3A_531] {strides = array<i32>} : memref<128x64xf32, #tpu.memory_space<vmem>>, vector<1x16xf32>,
        %get3A_533 = vector.shape_cast %get3A_532 : vector<1x16xf32> to vector<16xf32>
        %max3A_534 = arith.maximumf %max3A_512, %get3A_533 : vector<16xf32>
        %get3A_535 = arith.index_cast %scan3A_519 : i32 to index
        %get3A_536 = arith.constant 48 : index
        %get3A_537 = tpu.vector_load %arg11[%get3A_535, %get3A_536] {strides = array<i32>} : memref<128x64xf32, #tpu.memory_space<vmem>>, vector<1x16xf32>,
        %get3A_538 = vector.shape_cast %get3A_537 : vector<1x16xf32> to vector<16xf32>
        %max3A_539 = arith.maximumf %max3A_517, %get3A_538 : vector<16xf32>
        %scan3A_540 = arith.constant 7 : i32
        %scan3A_541 = arith.addi %scan3A_385, %scan3A_540 : i32
        %get3A_542 = arith.index_cast %scan3A_541 : i32 to index
        %get3A_543 = arith.constant 0 : index
        %get3A_544 = tpu.vector_load %arg11[%get3A_542, %get3A_543] {strides = array<i32>} : memref<128x64xf32, #tpu.memory_space<vmem>>, vector<1x16xf32>,
        %get3A_545 = vector.shape_cast %get3A_544 : vector<1x16xf32> to vector<16xf32>
        %max3A_546 = arith.maximumf %max3A_524, %get3A_545 : vector<16xf32>
        %get3A_547 = arith.index_cast %scan3A_541 : i32 to index
        %get3A_548 = arith.constant 16 : index
        %get3A_549 = tpu.vector_load %arg11[%get3A_547, %get3A_548] {strides = array<i32>} : memref<128x64xf32, #tpu.memory_space<vmem>>, vector<1x16xf32>,
        %get3A_550 = vector.shape_cast %get3A_549 : vector<1x16xf32> to vector<16xf32>
        %max3A_551 = arith.maximumf %max3A_529, %get3A_550 : vector<16xf32>
        %get3A_552 = arith.index_cast %scan3A_541 : i32 to index
        %get3A_553 = arith.constant 32 : index
        %get3A_554 = tpu.vector_load %arg11[%get3A_552, %get3A_553] {strides = array<i32>} : memref<128x64xf32, #tpu.memory_space<vmem>>, vector<1x16xf32>,
        %get3A_555 = vector.shape_cast %get3A_554 : vector<1x16xf32> to vector<16xf32>
        %max3A_556 = arith.maximumf %max3A_534, %get3A_555 : vector<16xf32>
        %get3A_557 = arith.index_cast %scan3A_541 : i32 to index
        %get3A_558 = arith.constant 48 : index
        %get3A_559 = tpu.vector_load %arg11[%get3A_557, %get3A_558] {strides = array<i32>} : memref<128x64xf32, #tpu.memory_space<vmem>>, vector<1x16xf32>,
        %get3A_560 = vector.shape_cast %get3A_559 : vector<1x16xf32> to vector<16xf32>
        %max3A_561 = arith.maximumf %max3A_539, %get3A_560 : vector<16xf32>
        scf.yield %max3A_546, %max3A_551, %max3A_556, %max3A_561 : vector<16xf32>, vector<16xf32>, vector<16xf32>, vector<16xf32>
      }
      %scan3A_358 = arith.constant 128 : i32
      %scan3A_359 = arith.constant 0 : i32
      %scan3A_360 = arith.constant 72 : i32
      %scan3A_361 = arith.addi %scan3A_359, %scan3A_360 : i32
      %scan3A_362 = arith.constant 8 : i32
      %scan3A_363:4 = scf.for %scan3A_385 = %scan3A_359 to %scan3A_361 step %scan3A_362 iter_args(%scan3A_386 = %scan3A_357#0, %scan3A_387 = %scan3A_357#1, %scan3A_388 = %scan3A_357#2, %scan3A_389 = %scan3A_357#3) -> (vector<16xf32>, vector<16xf32>, vector<16xf32>, vector<16xf32>)  : i32 {
        %get3A = arith.index_cast %scan3A_385 : i32 to index
        %get3A_390 = arith.constant 0 : index
        %get3A_391 = tpu.vector_load %arg15[%get3A, %get3A_390] {strides = array<i32>} : memref<72x64xf32, #tpu.memory_space<vmem>>, vector<1x16xf32>,
        %get3A_392 = vector.shape_cast %get3A_391 : vector<1x16xf32> to vector<16xf32>
        %max3A = arith.maximumf %scan3A_386, %get3A_392 : vector<16xf32>
        %get3A_393 = arith.index_cast %scan3A_385 : i32 to index
        %get3A_394 = arith.constant 16 : index
        %get3A_395 = tpu.vector_load %arg15[%get3A_393, %get3A_394] {strides = array<i32>} : memref<72x64xf32, #tpu.memory_space<vmem>>, vector<1x16xf32>,
        %get3A_396 = vector.shape_cast %get3A_395 : vector<1x16xf32> to vector<16xf32>
        %max3A_397 = arith.maximumf %scan3A_387, %get3A_396 : vector<16xf32>
        %get3A_398 = arith.index_cast %scan3A_385 : i32 to index
        %get3A_399 = arith.constant 32 : index
        %get3A_400 = tpu.vector_load %arg15[%get3A_398, %get3A_399] {strides = array<i32>} : memref<72x64xf32, #tpu.memory_space<vmem>>, vector<1x16xf32>,
        %get3A_401 = vector.shape_cast %get3A_400 : vector<1x16xf32> to vector<16xf32>
        %max3A_402 = arith.maximumf %scan3A_388, %get3A_401 : vector<16xf32>
        %get3A_403 = arith.index_cast %scan3A_385 : i32 to index
        %get3A_404 = arith.constant 48 : index
        %get3A_405 = tpu.vector_load %arg15[%get3A_403, %get3A_404] {strides = array<i32>} : memref<72x64xf32, #tpu.memory_space<vmem>>, vector<1x16xf32>,
        %get3A_406 = vector.shape_cast %get3A_405 : vector<1x16xf32> to vector<16xf32>
        %max3A_407 = arith.maximumf %scan3A_389, %get3A_406 : vector<16xf32>
        %scan3A_408 = arith.constant 1 : i32
        %scan3A_409 = arith.addi %scan3A_385, %scan3A_408 : i32
        %get3A_410 = arith.index_cast %scan3A_409 : i32 to index
        %get3A_411 = arith.constant 0 : index
        %get3A_412 = tpu.vector_load %arg15[%get3A_410, %get3A_411] {strides = array<i32>} : memref<72x64xf32, #tpu.memory_space<vmem>>, vector<1x16xf32>,
        %get3A_413 = vector.shape_cast %get3A_412 : vector<1x16xf32> to vector<16xf32>
        %max3A_414 = arith.maximumf %max3A, %get3A_413 : vector<16xf32>
        %get3A_415 = arith.index_cast %scan3A_409 : i32 to index
        %get3A_416 = arith.constant 16 : index
        %get3A_417 = tpu.vector_load %arg15[%get3A_415, %get3A_416] {strides = array<i32>} : memref<72x64xf32, #tpu.memory_space<vmem>>, vector<1x16xf32>,
        %get3A_418 = vector.shape_cast %get3A_417 : vector<1x16xf32> to vector<16xf32>
        %max3A_419 = arith.maximumf %max3A_397, %get3A_418 : vector<16xf32>
        %get3A_420 = arith.index_cast %scan3A_409 : i32 to index
        %get3A_421 = arith.constant 32 : index
        %get3A_422 = tpu.vector_load %arg15[%get3A_420, %get3A_421] {strides = array<i32>} : memref<72x64xf32, #tpu.memory_space<vmem>>, vector<1x16xf32>,
        %get3A_423 = vector.shape_cast %get3A_422 : vector<1x16xf32> to vector<16xf32>
        %max3A_424 = arith.maximumf %max3A_402, %get3A_423 : vector<16xf32>
        %get3A_425 = arith.index_cast %scan3A_409 : i32 to index
        %get3A_426 = arith.constant 48 : index
        %get3A_427 = tpu.vector_load %arg15[%get3A_425, %get3A_426] {strides = array<i32>} : memref<72x64xf32, #tpu.memory_space<vmem>>, vector<1x16xf32>,
        %get3A_428 = vector.shape_cast %get3A_427 : vector<1x16xf32> to vector<16xf32>
        %max3A_429 = arith.maximumf %max3A_407, %get3A_428 : vector<16xf32>
        %scan3A_430 = arith.constant 2 : i32
        %scan3A_431 = arith.addi %scan3A_385, %scan3A_430 : i32
        %get3A_432 = arith.index_cast %scan3A_431 : i32 to index
        %get3A_433 = arith.constant 0 : index
        %get3A_434 = tpu.vector_load %arg15[%get3A_432, %get3A_433] {strides = array<i32>} : memref<72x64xf32, #tpu.memory_space<vmem>>, vector<1x16xf32>,
        %get3A_435 = vector.shape_cast %get3A_434 : vector<1x16xf32> to vector<16xf32>
        %max3A_436 = arith.maximumf %max3A_414, %get3A_435 : vector<16xf32>
        %get3A_437 = arith.index_cast %scan3A_431 : i32 to index
        %get3A_438 = arith.constant 16 : index
        %get3A_439 = tpu.vector_load %arg15[%get3A_437, %get3A_438] {strides = array<i32>} : memref<72x64xf32, #tpu.memory_space<vmem>>, vector<1x16xf32>,
        %get3A_440 = vector.shape_cast %get3A_439 : vector<1x16xf32> to vector<16xf32>
        %max3A_441 = arith.maximumf %max3A_419, %get3A_440 : vector<16xf32>
        %get3A_442 = arith.index_cast %scan3A_431 : i32 to index
        %get3A_443 = arith.constant 32 : index
        %get3A_444 = tpu.vector_load %arg15[%get3A_442, %get3A_443] {strides = array<i32>} : memref<72x64xf32, #tpu.memory_space<vmem>>, vector<1x16xf32>,
        %get3A_445 = vector.shape_cast %get3A_444 : vector<1x16xf32> to vector<16xf32>
        %max3A_446 = arith.maximumf %max3A_424, %get3A_445 : vector<16xf32>
        %get3A_447 = arith.index_cast %scan3A_431 : i32 to index
        %get3A_448 = arith.constant 48 : index
        %get3A_449 = tpu.vector_load %arg15[%get3A_447, %get3A_448] {strides = array<i32>} : memref<72x64xf32, #tpu.memory_space<vmem>>, vector<1x16xf32>,
        %get3A_450 = vector.shape_cast %get3A_449 : vector<1x16xf32> to vector<16xf32>
        %max3A_451 = arith.maximumf %max3A_429, %get3A_450 : vector<16xf32>
        %scan3A_452 = arith.constant 3 : i32
        %scan3A_453 = arith.addi %scan3A_385, %scan3A_452 : i32
        %get3A_454 = arith.index_cast %scan3A_453 : i32 to index
        %get3A_455 = arith.constant 0 : index
        %get3A_456 = tpu.vector_load %arg15[%get3A_454, %get3A_455] {strides = array<i32>} : memref<72x64xf32, #tpu.memory_space<vmem>>, vector<1x16xf32>,
        %get3A_457 = vector.shape_cast %get3A_456 : vector<1x16xf32> to vector<16xf32>
        %max3A_458 = arith.maximumf %max3A_436, %get3A_457 : vector<16xf32>
        %get3A_459 = arith.index_cast %scan3A_453 : i32 to index
        %get3A_460 = arith.constant 16 : index
        %get3A_461 = tpu.vector_load %arg15[%get3A_459, %get3A_460] {strides = array<i32>} : memref<72x64xf32, #tpu.memory_space<vmem>>, vector<1x16xf32>,
        %get3A_462 = vector.shape_cast %get3A_461 : vector<1x16xf32> to vector<16xf32>
        %max3A_463 = arith.maximumf %max3A_441, %get3A_462 : vector<16xf32>
        %get3A_464 = arith.index_cast %scan3A_453 : i32 to index
        %get3A_465 = arith.constant 32 : index
        %get3A_466 = tpu.vector_load %arg15[%get3A_464, %get3A_465] {strides = array<i32>} : memref<72x64xf32, #tpu.memory_space<vmem>>, vector<1x16xf32>,
        %get3A_467 = vector.shape_cast %get3A_466 : vector<1x16xf32> to vector<16xf32>
        %max3A_468 = arith.maximumf %max3A_446, %get3A_467 : vector<16xf32>
        %get3A_469 = arith.index_cast %scan3A_453 : i32 to index
        %get3A_470 = arith.constant 48 : index
        %get3A_471 = tpu.vector_load %arg15[%get3A_469, %get3A_470] {strides = array<i32>} : memref<72x64xf32, #tpu.memory_space<vmem>>, vector<1x16xf32>,
        %get3A_472 = vector.shape_cast %get3A_471 : vector<1x16xf32> to vector<16xf32>
        %max3A_473 = arith.maximumf %max3A_451, %get3A_472 : vector<16xf32>
        %scan3A_474 = arith.constant 4 : i32
        %scan3A_475 = arith.addi %scan3A_385, %scan3A_474 : i32
        %get3A_476 = arith.index_cast %scan3A_475 : i32 to index
        %get3A_477 = arith.constant 0 : index
        %get3A_478 = tpu.vector_load %arg15[%get3A_476, %get3A_477] {strides = array<i32>} : memref<72x64xf32, #tpu.memory_space<vmem>>, vector<1x16xf32>,
        %get3A_479 = vector.shape_cast %get3A_478 : vector<1x16xf32> to vector<16xf32>
        %max3A_480 = arith.maximumf %max3A_458, %get3A_479 : vector<16xf32>
        %get3A_481 = arith.index_cast %scan3A_475 : i32 to index
        %get3A_482 = arith.constant 16 : index
        %get3A_483 = tpu.vector_load %arg15[%get3A_481, %get3A_482] {strides = array<i32>} : memref<72x64xf32, #tpu.memory_space<vmem>>, vector<1x16xf32>,
        %get3A_484 = vector.shape_cast %get3A_483 : vector<1x16xf32> to vector<16xf32>
        %max3A_485 = arith.maximumf %max3A_463, %get3A_484 : vector<16xf32>
        %get3A_486 = arith.index_cast %scan3A_475 : i32 to index
        %get3A_487 = arith.constant 32 : index
        %get3A_488 = tpu.vector_load %arg15[%get3A_486, %get3A_487] {strides = array<i32>} : memref<72x64xf32, #tpu.memory_space<vmem>>, vector<1x16xf32>,
        %get3A_489 = vector.shape_cast %get3A_488 : vector<1x16xf32> to vector<16xf32>
        %max3A_490 = arith.maximumf %max3A_468, %get3A_489 : vector<16xf32>
        %get3A_491 = arith.index_cast %scan3A_475 : i32 to index
        %get3A_492 = arith.constant 48 : index
        %get3A_493 = tpu.vector_load %arg15[%get3A_491, %get3A_492] {strides = array<i32>} : memref<72x64xf32, #tpu.memory_space<vmem>>, vector<1x16xf32>,
        %get3A_494 = vector.shape_cast %get3A_493 : vector<1x16xf32> to vector<16xf32>
        %max3A_495 = arith.maximumf %max3A_473, %get3A_494 : vector<16xf32>
        %scan3A_496 = arith.constant 5 : i32
        %scan3A_497 = arith.addi %scan3A_385, %scan3A_496 : i32
        %get3A_498 = arith.index_cast %scan3A_497 : i32 to index
        %get3A_499 = arith.constant 0 : index
        %get3A_500 = tpu.vector_load %arg15[%get3A_498, %get3A_499] {strides = array<i32>} : memref<72x64xf32, #tpu.memory_space<vmem>>, vector<1x16xf32>,
        %get3A_501 = vector.shape_cast %get3A_500 : vector<1x16xf32> to vector<16xf32>
        %max3A_502 = arith.maximumf %max3A_480, %get3A_501 : vector<16xf32>
        %get3A_503 = arith.index_cast %scan3A_497 : i32 to index
        %get3A_504 = arith.constant 16 : index
        %get3A_505 = tpu.vector_load %arg15[%get3A_503, %get3A_504] {strides = array<i32>} : memref<72x64xf32, #tpu.memory_space<vmem>>, vector<1x16xf32>,
        %get3A_506 = vector.shape_cast %get3A_505 : vector<1x16xf32> to vector<16xf32>
        %max3A_507 = arith.maximumf %max3A_485, %get3A_506 : vector<16xf32>
        %get3A_508 = arith.index_cast %scan3A_497 : i32 to index
        %get3A_509 = arith.constant 32 : index
        %get3A_510 = tpu.vector_load %arg15[%get3A_508, %get3A_509] {strides = array<i32>} : memref<72x64xf32, #tpu.memory_space<vmem>>, vector<1x16xf32>,
        %get3A_511 = vector.shape_cast %get3A_510 : vector<1x16xf32> to vector<16xf32>
        %max3A_512 = arith.maximumf %max3A_490, %get3A_511 : vector<16xf32>
        %get3A_513 = arith.index_cast %scan3A_497 : i32 to index
        %get3A_514 = arith.constant 48 : index
        %get3A_515 = tpu.vector_load %arg15[%get3A_513, %get3A_514] {strides = array<i32>} : memref<72x64xf32, #tpu.memory_space<vmem>>, vector<1x16xf32>,
        %get3A_516 = vector.shape_cast %get3A_515 : vector<1x16xf32> to vector<16xf32>
        %max3A_517 = arith.maximumf %max3A_495, %get3A_516 : vector<16xf32>
        %scan3A_518 = arith.constant 6 : i32
        %scan3A_519 = arith.addi %scan3A_385, %scan3A_518 : i32
        %get3A_520 = arith.index_cast %scan3A_519 : i32 to index
        %get3A_521 = arith.constant 0 : index
        %get3A_522 = tpu.vector_load %arg15[%get3A_520, %get3A_521] {strides = array<i32>} : memref<72x64xf32, #tpu.memory_space<vmem>>, vector<1x16xf32>,
        %get3A_523 = vector.shape_cast %get3A_522 : vector<1x16xf32> to vector<16xf32>
        %max3A_524 = arith.maximumf %max3A_502, %get3A_523 : vector<16xf32>
        %get3A_525 = arith.index_cast %scan3A_519 : i32 to index
        %get3A_526 = arith.constant 16 : index
        %get3A_527 = tpu.vector_load %arg15[%get3A_525, %get3A_526] {strides = array<i32>} : memref<72x64xf32, #tpu.memory_space<vmem>>, vector<1x16xf32>,
        %get3A_528 = vector.shape_cast %get3A_527 : vector<1x16xf32> to vector<16xf32>
        %max3A_529 = arith.maximumf %max3A_507, %get3A_528 : vector<16xf32>
        %get3A_530 = arith.index_cast %scan3A_519 : i32 to index
        %get3A_531 = arith.constant 32 : index
        %get3A_532 = tpu.vector_load %arg15[%get3A_530, %get3A_531] {strides = array<i32>} : memref<72x64xf32, #tpu.memory_space<vmem>>, vector<1x16xf32>,
        %get3A_533 = vector.shape_cast %get3A_532 : vector<1x16xf32> to vector<16xf32>
        %max3A_534 = arith.maximumf %max3A_512, %get3A_533 : vector<16xf32>
        %get3A_535 = arith.index_cast %scan3A_519 : i32 to index
        %get3A_536 = arith.constant 48 : index
        %get3A_537 = tpu.vector_load %arg15[%get3A_535, %get3A_536] {strides = array<i32>} : memref<72x64xf32, #tpu.memory_space<vmem>>, vector<1x16xf32>,
        %get3A_538 = vector.shape_cast %get3A_537 : vector<1x16xf32> to vector<16xf32>
        %max3A_539 = arith.maximumf %max3A_517, %get3A_538 : vector<16xf32>
        %scan3A_540 = arith.constant 7 : i32
        %scan3A_541 = arith.addi %scan3A_385, %scan3A_540 : i32
        %get3A_542 = arith.index_cast %scan3A_541 : i32 to index
        %get3A_543 = arith.constant 0 : index
        %get3A_544 = tpu.vector_load %arg15[%get3A_542, %get3A_543] {strides = array<i32>} : memref<72x64xf32, #tpu.memory_space<vmem>>, vector<1x16xf32>,
        %get3A_545 = vector.shape_cast %get3A_544 : vector<1x16xf32> to vector<16xf32>
        %max3A_546 = arith.maximumf %max3A_524, %get3A_545 : vector<16xf32>
        %get3A_547 = arith.index_cast %scan3A_541 : i32 to index
        %get3A_548 = arith.constant 16 : index
        %get3A_549 = tpu.vector_load %arg15[%get3A_547, %get3A_548] {strides = array<i32>} : memref<72x64xf32, #tpu.memory_space<vmem>>, vector<1x16xf32>,
        %get3A_550 = vector.shape_cast %get3A_549 : vector<1x16xf32> to vector<16xf32>
        %max3A_551 = arith.maximumf %max3A_529, %get3A_550 : vector<16xf32>
        %get3A_552 = arith.index_cast %scan3A_541 : i32 to index
        %get3A_553 = arith.constant 32 : index
        %get3A_554 = tpu.vector_load %arg15[%get3A_552, %get3A_553] {strides = array<i32>} : memref<72x64xf32, #tpu.memory_space<vmem>>, vector<1x16xf32>,
        %get3A_555 = vector.shape_cast %get3A_554 : vector<1x16xf32> to vector<16xf32>
        %max3A_556 = arith.maximumf %max3A_534, %get3A_555 : vector<16xf32>
        %get3A_557 = arith.index_cast %scan3A_541 : i32 to index
        %get3A_558 = arith.constant 48 : index
        %get3A_559 = tpu.vector_load %arg15[%get3A_557, %get3A_558] {strides = array<i32>} : memref<72x64xf32, #tpu.memory_space<vmem>>, vector<1x16xf32>,
        %get3A_560 = vector.shape_cast %get3A_559 : vector<1x16xf32> to vector<16xf32>
        %max3A_561 = arith.maximumf %max3A_539, %get3A_560 : vector<16xf32>
        scf.yield %max3A_546, %max3A_551, %max3A_556, %max3A_561 : vector<16xf32>, vector<16xf32>, vector<16xf32>, vector<16xf32>
      }
      %scan3A_364 = arith.constant 72 : i32
      %swap3A_365 = arith.index_cast %add3A_312 : i32 to index
      %swap3A_366 = arith.constant 0 : index
      %swap3A_367 = tpu.vector_load %arg16[%swap3A_365, %swap3A_366] {strides = array<i32>} : memref<128x64xf32, #tpu.memory_space<vmem>>, vector<1x16xf32>,
      %swap3A_368 = vector.shape_cast %swap3A_367 : vector<1x16xf32> to vector<16xf32>
      %swap3A_369 = vector.shape_cast %scan3A_363#0 : vector<16xf32> to vector<1x16xf32>
      tpu.vector_store %arg16[%swap3A_365, %swap3A_366], %swap3A_369 {strides = array<i32>} : memref<128x64xf32, #tpu.memory_space<vmem>>, vector<1x16xf32>,
      %swap3A_370 = arith.index_cast %add3A_312 : i32 to index
      %swap3A_371 = arith.constant 16 : index
      %swap3A_372 = tpu.vector_load %arg16[%swap3A_370, %swap3A_371] {strides = array<i32>} : memref<128x64xf32, #tpu.memory_space<vmem>>, vector<1x16xf32>,
      %swap3A_373 = vector.shape_cast %swap3A_372 : vector<1x16xf32> to vector<16xf32>
      %swap3A_374 = vector.shape_cast %scan3A_363#1 : vector<16xf32> to vector<1x16xf32>
      tpu.vector_store %arg16[%swap3A_370, %swap3A_371], %swap3A_374 {strides = array<i32>} : memref<128x64xf32, #tpu.memory_space<vmem>>, vector<1x16xf32>,
      %swap3A_375 = arith.index_cast %add3A_312 : i32 to index
      %swap3A_376 = arith.constant 32 : index
      %swap3A_377 = tpu.vector_load %arg16[%swap3A_375, %swap3A_376] {strides = array<i32>} : memref<128x64xf32, #tpu.memory_space<vmem>>, vector<1x16xf32>,
      %swap3A_378 = vector.shape_cast %swap3A_377 : vector<1x16xf32> to vector<16xf32>
      %swap3A_379 = vector.shape_cast %scan3A_363#2 : vector<16xf32> to vector<1x16xf32>
      tpu.vector_store %arg16[%swap3A_375, %swap3A_376], %swap3A_379 {strides = array<i32>} : memref<128x64xf32, #tpu.memory_space<vmem>>, vector<1x16xf32>,
      %swap3A_380 = arith.index_cast %add3A_312 : i32 to index
      %swap3A_381 = arith.constant 48 : index
      %swap3A_382 = tpu.vector_load %arg16[%swap3A_380, %swap3A_381] {strides = array<i32>} : memref<128x64xf32, #tpu.memory_space<vmem>>, vector<1x16xf32>,
      %swap3A_383 = vector.shape_cast %swap3A_382 : vector<1x16xf32> to vector<16xf32>
      %swap3A_384 = vector.shape_cast %scan3A_363#3 : vector<16xf32> to vector<1x16xf32>
      tpu.vector_store %arg16[%swap3A_380, %swap3A_381], %swap3A_384 {strides = array<i32>} : memref<128x64xf32, #tpu.memory_space<vmem>>, vector<1x16xf32>,
    }
    %scan3A_48 = arith.constant 32 : i32
    %dma_wait3A = arith.constant 0 : i32
    %dma_wait3A_49 = arith.constant 0 : i32
    %dma_wait3A_50 = tpu.memref_slice %arg6[%dma_wait3A, %dma_wait3A_49] : memref<128x128xi32, #tpu.memory_space<vmem>> -> memref<1x128xi32, #tpu.memory_space<vmem>>
    %dma_wait3A_51 = tpu.memref_squeeze %dma_wait3A_50 : memref<1x128xi32, #tpu.memory_space<vmem>> -> memref<128xi32, #tpu.memory_space<vmem>>
    %dma_wait3A_52 = arith.constant 0 : i32
    %dma_wait3A_53 = arith.constant 0 : i32
    %dma_wait3A_54 = tpu.memref_slice %arg4[%dma_wait3A_52, %dma_wait3A_53] : memref<1048576x64xf32, #tpu.memory_space<hbm>> -> memref<1048576x64xf32, #tpu.memory_space<hbm>>
    tpu.wait_indirect_dma semaphore(%arg17 : memref<!tpu.dma_semaphore, #tpu.memory_space<semaphore_mem>>) src(%dma_wait3A_54 : memref<1048576x64xf32, #tpu.memory_space<hbm>>) dst(%arg8 : memref<128x64xf32, #tpu.memory_space<vmem>>)
    %dma_wait3A_55 = arith.constant 0 : i32
    %dma_wait3A_56 = arith.constant 0 : i32
    %dma_wait3A_57 = tpu.memref_slice %arg7[%dma_wait3A_55, %dma_wait3A_56] : memref<128x72xi32, #tpu.memory_space<vmem>> -> memref<1x72xi32, #tpu.memory_space<vmem>>
    %dma_wait3A_58 = tpu.memref_squeeze %dma_wait3A_57 : memref<1x72xi32, #tpu.memory_space<vmem>> -> memref<72xi32, #tpu.memory_space<vmem>>
    %dma_wait3A_59 = arith.constant 0 : i32
    %dma_wait3A_60 = arith.constant 0 : i32
    %dma_wait3A_61 = tpu.memref_slice %arg4[%dma_wait3A_59, %dma_wait3A_60] : memref<1048576x64xf32, #tpu.memory_space<hbm>> -> memref<1048576x64xf32, #tpu.memory_space<hbm>>
    tpu.wait_indirect_dma semaphore(%arg21 : memref<!tpu.dma_semaphore, #tpu.memory_space<semaphore_mem>>) src(%dma_wait3A_61 : memref<1048576x64xf32, #tpu.memory_space<hbm>>) dst(%arg12 : memref<72x64xf32, #tpu.memory_space<vmem>>)
    %dma_wait3A_62 = arith.constant 0 : i32
    %dma_wait3A_63 = arith.constant 0 : i32
    %dma_wait3A_64 = tpu.memref_slice %arg6[%dma_wait3A_62, %dma_wait3A_63] : memref<128x128xi32, #tpu.memory_space<vmem>> -> memref<1x128xi32, #tpu.memory_space<vmem>>
    %dma_wait3A_65 = tpu.memref_squeeze %dma_wait3A_64 : memref<1x128xi32, #tpu.memory_space<vmem>> -> memref<128xi32, #tpu.memory_space<vmem>>
    %dma_wait3A_66 = arith.constant 0 : i32
    %dma_wait3A_67 = arith.constant 0 : i32
    %dma_wait3A_68 = tpu.memref_slice %arg4[%dma_wait3A_66, %dma_wait3A_67] : memref<1048576x64xf32, #tpu.memory_space<hbm>> -> memref<1048576x64xf32, #tpu.memory_space<hbm>>
    tpu.wait_indirect_dma semaphore(%arg18 : memref<!tpu.dma_semaphore, #tpu.memory_space<semaphore_mem>>) src(%dma_wait3A_68 : memref<1048576x64xf32, #tpu.memory_space<hbm>>) dst(%arg9 : memref<128x64xf32, #tpu.memory_space<vmem>>)
    %dma_wait3A_69 = arith.constant 0 : i32
    %dma_wait3A_70 = arith.constant 0 : i32
    %dma_wait3A_71 = tpu.memref_slice %arg7[%dma_wait3A_69, %dma_wait3A_70] : memref<128x72xi32, #tpu.memory_space<vmem>> -> memref<1x72xi32, #tpu.memory_space<vmem>>
    %dma_wait3A_72 = tpu.memref_squeeze %dma_wait3A_71 : memref<1x72xi32, #tpu.memory_space<vmem>> -> memref<72xi32, #tpu.memory_space<vmem>>
    %dma_wait3A_73 = arith.constant 0 : i32
    %dma_wait3A_74 = arith.constant 0 : i32
    %dma_wait3A_75 = tpu.memref_slice %arg4[%dma_wait3A_73, %dma_wait3A_74] : memref<1048576x64xf32, #tpu.memory_space<hbm>> -> memref<1048576x64xf32, #tpu.memory_space<hbm>>
    tpu.wait_indirect_dma semaphore(%arg22 : memref<!tpu.dma_semaphore, #tpu.memory_space<semaphore_mem>>) src(%dma_wait3A_75 : memref<1048576x64xf32, #tpu.memory_space<hbm>>) dst(%arg13 : memref<72x64xf32, #tpu.memory_space<vmem>>)
    %dma_wait3A_76 = arith.constant 0 : i32
    %dma_wait3A_77 = arith.constant 0 : i32
    %dma_wait3A_78 = tpu.memref_slice %arg6[%dma_wait3A_76, %dma_wait3A_77] : memref<128x128xi32, #tpu.memory_space<vmem>> -> memref<1x128xi32, #tpu.memory_space<vmem>>
    %dma_wait3A_79 = tpu.memref_squeeze %dma_wait3A_78 : memref<1x128xi32, #tpu.memory_space<vmem>> -> memref<128xi32, #tpu.memory_space<vmem>>
    %dma_wait3A_80 = arith.constant 0 : i32
    %dma_wait3A_81 = arith.constant 0 : i32
    %dma_wait3A_82 = tpu.memref_slice %arg4[%dma_wait3A_80, %dma_wait3A_81] : memref<1048576x64xf32, #tpu.memory_space<hbm>> -> memref<1048576x64xf32, #tpu.memory_space<hbm>>
    tpu.wait_indirect_dma semaphore(%arg19 : memref<!tpu.dma_semaphore, #tpu.memory_space<semaphore_mem>>) src(%dma_wait3A_82 : memref<1048576x64xf32, #tpu.memory_space<hbm>>) dst(%arg10 : memref<128x64xf32, #tpu.memory_space<vmem>>)
    %dma_wait3A_83 = arith.constant 0 : i32
    %dma_wait3A_84 = arith.constant 0 : i32
    %dma_wait3A_85 = tpu.memref_slice %arg7[%dma_wait3A_83, %dma_wait3A_84] : memref<128x72xi32, #tpu.memory_space<vmem>> -> memref<1x72xi32, #tpu.memory_space<vmem>>
    %dma_wait3A_86 = tpu.memref_squeeze %dma_wait3A_85 : memref<1x72xi32, #tpu.memory_space<vmem>> -> memref<72xi32, #tpu.memory_space<vmem>>
    %dma_wait3A_87 = arith.constant 0 : i32
    %dma_wait3A_88 = arith.constant 0 : i32
    %dma_wait3A_89 = tpu.memref_slice %arg4[%dma_wait3A_87, %dma_wait3A_88] : memref<1048576x64xf32, #tpu.memory_space<hbm>> -> memref<1048576x64xf32, #tpu.memory_space<hbm>>
    tpu.wait_indirect_dma semaphore(%arg23 : memref<!tpu.dma_semaphore, #tpu.memory_space<semaphore_mem>>) src(%dma_wait3A_89 : memref<1048576x64xf32, #tpu.memory_space<hbm>>) dst(%arg14 : memref<72x64xf32, #tpu.memory_space<vmem>>)
    "tpu.region"() ({
      %run_scoped3A = tpu.sem_alloc : memref<!tpu.dma_semaphore, #tpu.memory_space<semaphore_mem>>
      %dma_start3A_90 = arith.constant 0 : i32
      %dma_start3A_91 = tpu.memref_slice %arg5[%mul3A_2, %dma_start3A_90] : memref<4096x64xf32, #tpu.memory_space<hbm>> -> memref<128x64xf32, #tpu.memory_space<hbm>>
      %dma_start3A_92 = arith.constant 0 : i32
      %dma_start3A_93 = tpu.memref_slice %arg5[%mul3A_2, %dma_start3A_92] : memref<4096x64xf32, #tpu.memory_space<hbm>> -> memref<128x64xf32, #tpu.memory_space<hbm>>
      tpu.enqueue_dma source(%arg16 : memref<128x64xf32, #tpu.memory_space<vmem>>) target(%dma_start3A_93 : memref<128x64xf32, #tpu.memory_space<hbm>>) target_semaphore(%run_scoped3A : memref<!tpu.dma_semaphore, #tpu.memory_space<semaphore_mem>>)
      %dma_wait3A_94 = arith.constant 0 : i32
      %dma_wait3A_95 = tpu.memref_slice %arg5[%mul3A_2, %dma_wait3A_94] : memref<4096x64xf32, #tpu.memory_space<hbm>> -> memref<128x64xf32, #tpu.memory_space<hbm>>
      %dma_wait3A_96 = arith.constant 0 : i32
      %dma_wait3A_97 = tpu.memref_slice %arg5[%mul3A_2, %dma_wait3A_96] : memref<4096x64xf32, #tpu.memory_space<hbm>> -> memref<128x64xf32, #tpu.memory_space<hbm>>
      tpu.wait_dma2 semaphore(%run_scoped3A : memref<!tpu.dma_semaphore, #tpu.memory_space<semaphore_mem>>) src(%arg16 : memref<128x64xf32, #tpu.memory_space<vmem>>) dst(%dma_wait3A_97 : memref<128x64xf32, #tpu.memory_space<hbm>>)
      tpu.yield
    }) : () -> ()
    return
  }
}

module attributes {stable_mosaic.version = 14 : i64} {
  func.func @_tr_body(%arg0: i32, %arg1: memref<64x2048xf32, #tpu.memory_space<vmem>>, %arg2: memref<64x2048xf32, #tpu.memory_space<vmem>>, %arg3: memref<64x576xf32, #tpu.memory_space<vmem>>, %arg4: memref<2048x128xf32, #tpu.memory_space<vmem>>) attributes {dimension_semantics = [#tpu.dimension_semantics<arbitrary>], iteration_bounds = array<i64: 256>, scalar_prefetch = 0 : i64, scratch_operands = 0 : i64, tpu.core_type = #tpu.core_type<tc>, window_params = [{transform_indices = @transform_0, window_bounds = array<i64: 64, 2048>}, {transform_indices = @transform_1, window_bounds = array<i64: 64, 2048>}, {pipeline_mode = #tpu.pipeline_mode<synchronous>, transform_indices = @transform_2, window_bounds = array<i64: 64, 576>}, {transform_indices = @transform_3, window_bounds = array<i64: 2048, 128>}]} {
    %get3A = arith.constant 0 : index
    %get3A_0 = arith.constant 0 : index
    %get3A_1 = vector.load %arg1[%get3A, %get3A_0] : memref<64x2048xf32, #tpu.memory_space<vmem>>, vector<64x2048xf32>
    %get3A_2 = arith.constant 0 : index
    %get3A_3 = arith.constant 0 : index
    %get3A_4 = vector.load %arg2[%get3A_2, %get3A_3] : memref<64x2048xf32, #tpu.memory_space<vmem>>, vector<64x2048xf32>
    %concatenate3A = tpu.concatenate %get3A_1, %get3A_4 in 0 : vector<64x2048xf32>, vector<64x2048xf32> -> vector<128x2048xf32>
    %transpose3A = tpu.transpose %concatenate3A, [1, 0] : vector<128x2048xf32> -> vector<2048x128xf32>
    %swap3A = arith.constant 0 : index
    %swap3A_5 = arith.constant 0 : index
    %swap3A_6 = vector.load %arg4[%swap3A, %swap3A_5] : memref<2048x128xf32, #tpu.memory_space<vmem>>, vector<2048x128xf32>
    tpu.vector_store %arg4[%swap3A, %swap3A_5], %transpose3A {strides = array<i32>} : memref<2048x128xf32, #tpu.memory_space<vmem>>, vector<2048x128xf32>,
    %eq3A = arith.constant 232 : i32
    %eq3A_7 = arith.cmpi eq, %arg0, %eq3A : i32
    %convert_element_type3A = arith.extui %eq3A_7 : i1 to i32
    %cond3A = arith.constant 0 : i32
    %cond3A_8 = arith.cmpi ne, %convert_element_type3A, %cond3A : i32
    scf.if %cond3A_8 {
      %get3A_9 = arith.constant 0 : index
      %get3A_10 = arith.constant 0 : index
      %get3A_11 = vector.load %arg3[%get3A_9, %get3A_10] : memref<64x576xf32, #tpu.memory_space<vmem>>, vector<64x576xf32>
      %transpose3A_12 = tpu.transpose %get3A_11, [1, 0] : vector<64x576xf32> -> vector<576x64xf32>
      %swap3A_13 = arith.constant 0 : index
      %swap3A_14 = arith.constant 64 : index
      %swap3A_15 = vector.load %arg4[%swap3A_13, %swap3A_14] : memref<2048x128xf32, #tpu.memory_space<vmem>>, vector<576x64xf32>
      tpu.vector_store %arg4[%swap3A_13, %swap3A_14], %transpose3A_12 {strides = array<i32>} : memref<2048x128xf32, #tpu.memory_space<vmem>>, vector<576x64xf32>,
    } else {
    }
    return
  }
  func.func @transform_0(%arg0: i32) -> (i32, i32) {
    %c0_i32 = arith.constant 0 : i32
    %c0_i32_0 = arith.constant 0 : i32
    return %c0_i32, %arg0 : i32, i32
  }
  func.func @transform_1(%arg0: i32) -> (i32, i32) {
    %add3A = arith.constant 256 : i32
    %add3A_0 = arith.addi %arg0, %add3A : i32
    %min3A = arith.constant 487 : i32
    %min3A_1 = arith.minsi %add3A_0, %min3A : i32
    %c0_i32 = arith.constant 0 : i32
    %c0_i32_2 = arith.constant 0 : i32
    return %c0_i32, %min3A_1 : i32, i32
  }
  func.func @transform_2(%arg0: i32) -> (i32, i32) {
    %c0_i32 = arith.constant 0 : i32
    %c0_i32_0 = arith.constant 0 : i32
    %c0_i32_1 = arith.constant 0 : i32
    return %c0_i32, %c0_i32_0 : i32, i32
  }
  func.func @transform_3(%arg0: i32) -> (i32, i32) {
    %c0_i32 = arith.constant 0 : i32
    %c0_i32_0 = arith.constant 0 : i32
    return %arg0, %c0_i32 : i32, i32
  }
}

module attributes {stable_mosaic.version = 14 : i64} {
  func.func @_mm_body(%arg0: i32, %arg1: memref<512x64xf32, #tpu.memory_space<vmem>>, %arg2: memref<128x64xf32, #tpu.memory_space<vmem>>, %arg3: memref<1x128xf32, #tpu.memory_space<vmem>>, %arg4: memref<512x128xf32, #tpu.memory_space<vmem>>) attributes {dimension_semantics = [#tpu.dimension_semantics<arbitrary>], iteration_bounds = array<i64: 8>, scalar_prefetch = 0 : i64, scratch_operands = 0 : i64, tpu.core_type = #tpu.core_type<tc>, window_params = [{transform_indices = @transform_0, window_bounds = array<i64: 512, 64>}, {pipeline_mode = #tpu.pipeline_mode<synchronous>, transform_indices = @transform_1, window_bounds = array<i64: 128, 64>}, {pipeline_mode = #tpu.pipeline_mode<synchronous>, transform_indices = @transform_2, window_bounds = array<i64: 1, 128>}, {transform_indices = @transform_3, window_bounds = array<i64: 512, 128>}]} {
    %get3A = arith.constant 0 : index
    %get3A_0 = arith.constant 0 : index
    %get3A_1 = vector.load %arg1[%get3A, %get3A_0] : memref<512x64xf32, #tpu.memory_space<vmem>>, vector<512x64xf32>
    %get3A_2 = arith.constant 0 : index
    %get3A_3 = arith.constant 0 : index
    %get3A_4 = vector.load %arg2[%get3A_2, %get3A_3] : memref<128x64xf32, #tpu.memory_space<vmem>>, vector<128x64xf32>
    %dot_general3A = arith.constant dense<0.000000e+00> : vector<512x128xf32>
    %dot_general3A_5 = tpu.matmul %get3A_1, %get3A_4, %dot_general3A {dimension_numbers = #tpu.dot_dimension_numbers<[1], [1], [0], [0], [0, 0, 1, 0], [], []>, transpose_lhs_hint = false} : vector<512x64xf32>, vector<128x64xf32>, vector<512x128xf32> -> vector<512x128xf32>
    %get3A_6 = arith.constant 0 : index
    %get3A_7 = arith.constant 0 : index
    %get3A_8 = vector.load %arg3[%get3A_6, %get3A_7] : memref<1x128xf32, #tpu.memory_space<vmem>>, vector<1x128xf32>
    %add3A = vector.broadcast %get3A_8 : vector<1x128xf32> to vector<512x128xf32>
    %add3A_9 = arith.addf %dot_general3A_5, %add3A : vector<512x128xf32>
    %swap3A = arith.constant 0 : index
    %swap3A_10 = arith.constant 0 : index
    %swap3A_11 = vector.load %arg4[%swap3A, %swap3A_10] : memref<512x128xf32, #tpu.memory_space<vmem>>, vector<512x128xf32>
    tpu.vector_store %arg4[%swap3A, %swap3A_10], %add3A_9 {strides = array<i32>} : memref<512x128xf32, #tpu.memory_space<vmem>>, vector<512x128xf32>,
    return
  }
  func.func @transform_0(%arg0: i32) -> (i32, i32) {
    %c0_i32 = arith.constant 0 : i32
    %c0_i32_0 = arith.constant 0 : i32
    return %arg0, %c0_i32 : i32, i32
  }
  func.func @transform_1(%arg0: i32) -> (i32, i32) {
    %c0_i32 = arith.constant 0 : i32
    %c0_i32_0 = arith.constant 0 : i32
    %c0_i32_1 = arith.constant 0 : i32
    return %c0_i32, %c0_i32_0 : i32, i32
  }
  func.func @transform_2(%arg0: i32) -> (i32, i32) {
    %c0_i32 = arith.constant 0 : i32
    %c0_i32_0 = arith.constant 0 : i32
    %c0_i32_1 = arith.constant 0 : i32
    return %c0_i32, %c0_i32_0 : i32, i32
  }
  func.func @transform_3(%arg0: i32) -> (i32, i32) {
    %c0_i32 = arith.constant 0 : i32
    %c0_i32_0 = arith.constant 0 : i32
    return %arg0, %c0_i32 : i32, i32
  }
}

</mosaic_0001>

<sc_bundles>
// kernel: kernel.5.cloned.1.call-start
scs
__scs_entry_jumppad:
0x0: {  	(pc) =	sbr.rel $0x88, $3  }
0x1: {  	(tag) =	ssettag $0x0;
	lr =	simm.s32 $0x1  }
0x2: {  	[smem:$0x3F9D] =	sst lr;
	_ =	strace $0xD0000000  }
0x3: {  	_ = 	snop  }
0x4: {  	_ = 	snop  }
0x5: {  	_ = 	snop  }
0x6: {  	_ = 	snop  }
0x7: {  	_ = 	snop  }
__scs_overlays_trampoline_lowered:
0x8: {  	[smem:$0x3FAC] =	sst s0  }
0x9: {  	[smem:$0x3FAD] =	sst s1  }
0xa: {  	[smem:$0x3FAE] =	sst s2  }
0xb: {  	[smem:$0x3FAF] =	sst s3  }
0xc: {  	[smem:$0x3FB0] =	sst s4  }
0xd: {  	[smem:$0x3FB1] =	sst s5  }
0xe: {  	[smem:$0x3FB2] =	sst s6  }
0xf: {  	[smem:$0x3FB3] =	sst s7  }
0x10: {  	[smem:$0x3FB4] =	sst s8  }
0x11: {  	[smem:$0x3FB5] =	sst s9;
	s0 =	simm.s32 @!p0 $0x0  }
0x12: {  	s1 =	sld [smem:$0x3F9B];
	s0 =	simm.s32 @p0 $0x1  }
0x13: {  	[smem:$0x3FB6] =	sst s0;
	s0 =	simm.s32 @!p1 $0x0  }
0x14: {  	s2 =	sld [smem:$0x3F9A];
	s0 =	simm.s32 @p1 $0x1  }
0x15: {  	[smem:$0x3FB7] =	sst s0;
	s0 =	simm.s32 @!p2 $0x0  }
0x16: {  	s3 =	sld [smem:$0x3FDB];
	s0 =	simm.s32 @p2 $0x1  }
0x17: {  	s4 =	simm.s32 $0x1BF5;
	[smem:$0x3FB9] =	sst s0  }
0x18: {  	s0 =	sld [smem:$0x3F9C];
	_ =	swait.ge [sflag:s4], $0x0  }
0x19: {  	s7 =	sld [smem:$0x3F9D]  }
0x1a: {  	s8 =	sadd.s32 $0xFFFFE003, lr  }
0x1b: {  	s9 =	sadd.s32 $0xFFFFFEF7, lr;
	s5 =	simm.s32 $0xFFFFFFFF;
	p2 =	slt.u32 s8, $0xFFFFF086  }
0x1c: {  	p1 =	slt.u32 s9, $0xF7A;
	s5 =	simm.s32 @!p2 $0x0  }
0x1d: {  	s5 =	simm.s32 @p1 $0x1;
	p0 =	seq.s32 s7, s2  }
0x1e: {  	s7 =	smul.u32 @!p0 $0xF7A, s2;
	p2 =	seq.s32 @!p0 s5, $0x0  }
0x1f: {  	s9 =	smul.u32 $0xF7A, s1;
	s8 =	simm.s32 @!p0 $0x1BF5;
	p2 =	por !p2, p0  }
0x20: {  	[sflag:s8] =	ssyncset.s32 @!p0 $0xFFFFF086;
	s6 =	sadd.s32 @!p0 s3, s7;
	s7 =	simm.s32 @!p0 $0x108  }
0x21: {  	s3 =	sadd.s32 s3, s9;
	s6 =	sadd.s32 @!p0 $0x88, s6;
	s7 =	simm.s32 @p2 $0x1082  }
0x22: {  	[simem:s7], [sflag:s8] =	dma.local @!p0 [hbm:s6], $0xF7A  }
0x23: {  	s9 =	sor.u32 $0xD0000000, s2;
	s6 =	simm.s32 $0x108;
	_ =	swait.ge @!p0 [sflag:s8], $0x0  }
0x24: {  	s3 =	sadd.s32 $0x88, s3;
	s6 =	simm.s32 @!p1 $0x1082;
	[sflag:s4] =	ssyncset.s32 $0xFFFFF086  }
0x25: {  	[simem:s6], [sflag:s4] =	dma.local [hbm:s3], $0xF7A  }
0x26: {  	[smem:$0x3F9D] =	sst s1;
	(tag) =	ssettag s2;
	_ =	strace s9  }
0x27: {  	s1 =	sld [smem:$0x3FAD]  }
0x28: {  	s2 =	sld [smem:$0x3FAE]  }
0x29: {  	s4 =	sld [smem:$0x3FB0]  }
0x2a: {  	p0 =	seq.s32 s5, $0x0;
	s5 =	sld [smem:$0x3FB1]  }
0x2b: {  	s6 =	sld [smem:$0x3FB2]  }
0x2c: {  	s7 =	sld [smem:$0x3FB3]  }
0x2d: {  	s3 =	simm.s32 $0x108;
	s8 =	sld [smem:$0x3FB4]  }
0x2e: {  	s3 =	simm.s32 @!p0 $0x1082;
	s9 =	sld [smem:$0x3FB5]  }
0x2f: {  	lr =	sadd.s32 s0, s3;
	s0 =	sld [smem:$0x3FAC]  }
0x30: {  	s3 =	sld [smem:$0x3FAF]  }
0x31: {  	[smem:$0x3FB8] =	sst s10  }
0x32: {  	s10 =	sld [smem:$0x3FB6];
	_ =	sdelay $0x3  }
0x33: {  	p0 =	seq.s32 s10, $0x1;
	s10 =	sld [smem:$0x3FB8];
	_ =	sdelay $0x3  }
0x34: {  	[smem:$0x3FB8] =	sst s10  }
0x35: {  	s10 =	sld [smem:$0x3FB7];
	_ =	sdelay $0x3  }
0x36: {  	p1 =	seq.s32 s10, $0x1;
	s10 =	sld [smem:$0x3FB8];
	_ =	sdelay $0x3  }
0x37: {  	[smem:$0x3FB8] =	sst s10  }
0x38: {  	s10 =	sld [smem:$0x3FB9]  }
0x39: {  	_ = 	snop;
	(pc) =	sbr.ind lr, $3  }
0x3a: {  	_ = 	snop  }
0x3b: {  	_ = 	snop  }
0x3c: {  	p2 =	seq.s32 s10, $0x1;
	s10 =	sld [smem:$0x3FB8]  }
0x3d: {  	_ =	shalt  }
0x3e: {  	_ =	shalt  }
0x3f: {  	_ =	shalt  }
0x40: {  	_ =	shalt  }
0x41: {  	_ =	shalt  }
0x42: {  	_ =	shalt  }
0x43: {  	_ =	shalt  }
0x44: {  	_ =	shalt  }
0x45: {  	_ =	shalt  }
0x46: {  	_ =	shalt  }
0x47: {  	_ =	shalt  }
0x48: {  	_ =	shalt  }
0x49: {  	_ =	shalt  }
0x4a: {  	_ =	shalt  }
0x4b: {  	_ =	shalt  }
0x4c: {  	_ =	shalt  }
0x4d: {  	_ =	shalt  }
0x4e: {  	_ =	shalt  }
0x4f: {  	_ =	shalt  }
0x50: {  	_ =	shalt  }
0x51: {  	_ =	shalt  }
0x52: {  	_ =	shalt  }
0x53: {  	_ =	shalt  }
0x54: {  	_ =	shalt  }
0x55: {  	_ =	shalt  }
0x56: {  	_ =	shalt  }
0x57: {  	_ =	shalt  }
0x58: {  	_ =	shalt  }
0x59: {  	_ =	shalt  }
0x5a: {  	_ =	shalt  }
0x5b: {  	_ =	shalt  }
0x5c: {  	_ =	shalt  }
0x5d: {  	_ =	shalt  }
0x5e: {  	_ =	shalt  }
0x5f: {  	_ =	shalt  }
0x60: {  	_ =	shalt  }
0x61: {  	_ =	shalt  }
0x62: {  	_ =	shalt  }
0x63: {  	_ =	shalt  }
0x64: {  	_ =	shalt  }
0x65: {  	_ =	shalt  }
0x66: {  	_ =	shalt  }
0x67: {  	_ =	shalt  }
0x68: {  	_ =	shalt  }
0x69: {  	_ =	shalt  }
0x6a: {  	_ =	shalt  }
0x6b: {  	_ =	shalt  }
0x6c: {  	_ =	shalt  }
0x6d: {  	_ =	shalt  }
0x6e: {  	_ =	shalt  }
0x6f: {  	_ =	shalt  }
0x70: {  	_ =	shalt  }
0x71: {  	_ =	shalt  }
0x72: {  	_ =	shalt  }
0x73: {  	_ =	shalt  }
0x74: {  	_ =	shalt  }
0x75: {  	_ =	shalt  }
0x76: {  	_ =	shalt  }
0x77: {  	_ =	shalt  }
0x78: {  	_ =	shalt  }
0x79: {  	_ =	shalt  }
0x7a: {  	_ =	shalt  }
0x7b: {  	_ =	shalt  }
0x7c: {  	_ =	shalt  }
0x7d: {  	_ =	shalt  }
0x7e: {  	_ =	shalt  }
0x7f: {  	_ =	shalt  }
0x80: {  	_ =	shalt  }
0x81: {  	_ =	shalt  }
0x82: {  	_ =	shalt  }
0x83: {  	_ =	shalt  }
0x84: {  	_ =	shalt  }
0x85: {  	_ =	shalt  }
0x86: {  	_ =	shalt  }
0x87: {  	_ =	shalt  }
.Lfunc_end0:
.L_simem_size_0:
called_computation_lowered:
.L_overlay_start_0:
0x88: {  	s2 =	sld [smem:$0x3FD9]  }
0x89: {  	s3 =	sld [smem:$0x3FFE];
	_ =	sdelay $0x1  }
0x8a: {  	s1 =	srdreg.scid  }
0x8b: {  	s0 =	sand.u32 $0x1, s1  }
0x8c: {  	s17 =	sshll.u32 s0, $0xA;
	s2 =	sadd.s32 s3, s2  }
0x8d: {  	s2 =	sadd.s32 s2, s17  }
0x8e: {  	[smem:$0x3FC4] =	sst s2  }
0x8f: {  	_ = 	snop  }
0x90: {  	s2 =	sld [smem:$0x3FD0];
	(tm) =	ssettm $0x1  }
0x91: {  	s18 =	sld [smem:$0x3FFB];
	_ =	sdelay $0x3  }
0x92: {  	_ =	strace s18  }
0x93: {  	s3 =	sld [smem:$0x3FFC];
	_ =	sdelay $0x3  }
0x94: {  	_ =	strace s3  }
0x95: {  	s3 =	sld [smem:$0x3FFD];
	_ =	sdelay $0x3  }
0x96: {  	_ =	strace s3  }
0x97: {  	_ =	strace $0x8FFFFFFF  }
0x98: {  	s19 =	sld [smem:$0x3FDB];
	_ =	sdelay $0x1  }
0x99: {  	s4 =	simm.s32 $_scs_section_size  }
0x9a: {  	s5 =	simm.s32 $_size__tile_overlayer_lowered;
	s6 =	simm.s32 $_tile_overlayer_lowered  }
0x9b: {  	s22 =	simm.s32 $0x1BFF;
	s21 =	sshll.u32 s6, $0x1;
	s3 =	sadd.s32 s4, s19  }
0x9c: {  	s7 =	simm.s32 $0x0;
	s20 =	sshll.u32 s5, $0x1;
	s5 =	sadd.s32 s21, s3  }
0x9d: {  	[timem:s7], [sflag:s22] =	dma.local [hbm:s5], s20  }
0x9e: {  	_ =	swait.ge [sflag:s22], s20  }
0x9f: {  	s4 =	ssub.s32 $0x0, s20;
	[sflag:s22] =	ssyncset.done $0x0  }
0xa0: {  	[sflag:s22] =	ssyncadd.s32 s4;
	_ =	sdelay $0x1  }
0xa1: {  	s23 =	simm.s32 $0x1B8B  }
0xa2: {  	_ =	swait.ge [sflag:s23], $0x1  }
0xa3: {  	[sflag:s23] =	ssyncset.done $0x0  }
0xa4: {  	s25 =	simm.s32 $0x1B8E;
	s24 =	sld [smem:$0x3FFE];
	[sflag:s23] =	ssyncadd.s32 $0xFFFFFFFF  }
0xa5: {  	s26 =	simm.s32 $execute0_lowered;
	[smem:$0x3FD2] =	sst s25  }
0xa6: {  	s5 =	sshll.u32 s26, $0x1;
	_ =	strace $0x80000046;
	[dreg:$0x1] =	wrdreg $0xFFFFFFFF  }
0xa7: {  	s28 =	simm.s32 $_size_execute0_lowered;
	s3 =	sadd.s32 s3, s5;
	[dreg:$0x0] =	wrdreg $0x0  }
0xa8: {  	s5 =	sshll.u32 s28, $0x1;
	[dreg:$0x2] =	wrdreg s3  }
0xa9: {  	[dreg:$0x3] =	wrdreg s5  }
0xaa: {  	[dreg:$0x4] =	wrdreg $0xC0  }
0xab: {  	_ =	task [dreg:s7], $0x5FFFF  }
0xac: {  	[dreg:$0x1] =	wrdreg $0xFFFFFFFF  }
0xad: {  	[dreg:$0x0] =	wrdreg $0x60  }
0xae: {  	[dreg:$0x2] =	wrdreg s2  }
0xaf: {  	[dreg:$0x3] =	wrdreg s24  }
0xb0: {  	[dreg:$0x4] =	wrdreg $0x9  }
0xb1: {  	_ =	task.clear_ibuf [dreg:s7], $0x5FFFF;
	_ =	strace $0x90000046  }
0xb2: {  	s29 =	simm.s32 $0x9;
	_ =	strace $0x80000048  }
0xb3: {  	_ =	swait.ge [sflag:s29], $0x1  }
0xb4: {  	[sflag:s29] =	ssyncadd.s32 $0xFFFFFFFF  }
0xb5: {  	_ =	strace $0x90000048  }
0xb6: {  	_ =	sfence  }
0xb7: {  	s30 =	sld [smem:$0x0];
	_ =	sdelay $0x2  }
0xb8: {  	s31 =	sshll.u32 s1, $0xD;
	s1 =	sshrl.u32 s1, $0x2  }
0xb9: {  	s3 =	sand.u32 $0x4000, s31;
	s1 =	sadd.s32 s1, s30  }
0xba: {  	s0 =	sor.u32 s3, s0;
	s1 =	sshll.u32 s1, $0x11  }
0xbb: {  	s0 =	sor.u32 s1, s0  }
0xbc: {  	s0 =	sadd.s32 $0x8F2B, s0  }
0xbd: {  	[sflag:s0] =	ssyncadd.remote.s32 $0x1  }
0xbe: {  	_ =	sfence.sel $0xFFFF  }
0xbf: {  	[dreg:$0x0] =	wrdreg $0xFFFFFFFF;
	(pc) =	sbr.abs _section_cstart, $3  }
0xc0: {  	[dreg:$0x1] =	wrdreg $0xFFFFFFFF  }
0xc1: {  	_ =	task.clear_ibuf [dreg:s7], $0x2FFFF;
	_ =	strace $0x9FFFFFFF  }
0xc2: {  	(tm) =	ssettm $0x7FFFFFFF  }
0xc3: {  	_ =	shalt  }
tec
execute0_lowered:
.L_overlay_start_1:
0x0: {  	(tag) =	ssettag $0x1  }
0x1: {  	s0 =	srdreg.scid;
	s1 =	rddreg [dreg:$0x0]  }
0x2: {  	s2 =	stileid.u32;
	s4 =	rddreg [dreg:$0x1]  }
0x3: {  	s8 =	simm.s32 $0x9;
	s10 =	simm.s32 $0x80;
	s11 =	simm.s32 $0x6400  }
0x4: {  	s12 =	simm.s32 $0x48;
	s13 =	simm.s32 $0xE400;
	s14 =	simm.s32 $0x8400  }
0x5: {  	s16 =	simm.s32 $0xF600;
	s18 =	simm.s32 $0xA400;
	s20 =	simm.s32 $0x10800  }
0x6: {  	s21 =	simm.s32 $0xC400;
	s22 =	simm.s32 $0x11A00;
	s23 =	simm.s32 $0x1  }
0x7: {  	s24 =	simm.s32 $0x5;
	s28 =	simm.s32 $0x3;
	s29 =	simm.s32 $0x7  }
0x8: {  	s30 =	simm.s32 $0x4;
	s31 =	simm.s32 $0x8;
	s0 =	sand.u32 $0x1, s0  }
0x9: {  	s2 =	sshll.u32 s2, $0x8;
	s3 =	sshll.u32 s0, $0x7;
	s0 =	ssub.s32 $0x2, s0  }
0xa: {  	s5 =	sor.u32 s3, s2;
	s2 =	simm.s32 $0x0;
	s25 =	sshrl.u32 s0, $0x1  }
0xb: {  	s3 =	smul.u32 $0x9, s5;
	[smem:$0x7FF] =	sst s2;
	s7 =	sshll.u32 s5, $0x3  }
0xc: {  	s5 =	sshll.u32 s5, $0x4;
	s0 =	ssub.s32 s0, s25;
	s25 =	simm.s32 $0x2  }
0xd: {  	_ =	strace $0x80000047;
	s1 =	sadd.s32 s1, s5;
	s6 =	sadd.s32 s3, s4  }
0xe: {  	s3 =	sadd.s32 $0x9800, s4;
	s4 =	sadd.s32 s7, s4;
	[dreg:$0x3] =	wrdreg s1  }
0xf: {  	s7 =	smax.u32 s0, $0x1;
	s0 =	simm.s32 $0x0;
	s26 =	sadd.s32 $0x800, s6  }
0x10: {  	s6 =	sadd.s32 $0x809800, s4;
	[dreg:$0x4] =	wrdreg s26;
	s26 =	simm.s32 $0x6  }
.LBB2_1:
0x11: {  	s1 =	rddreg [dreg:$0x3]  }
0x12: {  	[tilespmem:s2], [sflag:$0x9] =	stream.linear.gather [hbm4b:s1+s2], $0x4000, $0x38;
	[tilespmem:$0x14C00] =	vst v63  }
0x13: {  	_ =	swait.ge [sflag:s8], $0x4000  }
0x14: {  	[sflag:s8] =	ssyncset.done $0x0  }
0x15: {  	s4 =	simm.s32 $0x4000;
	s9 =	rddreg [dreg:$0x4];
	[sflag:s8] =	ssyncadd.s32 $0xFFFFC000  }
0x16: {  	[tilespmem:s4], [sflag:$0x9] =	stream.linear.gather [hbm4b:s9+s2], $0x2400, $0x38;
	[tilespmem:$0x14C00] =	vst v63  }
0x17: {  	_ =	swait.ge [sflag:s8], $0x2400  }
0x18: {  	[sflag:s8] =	ssyncset.done $0x0  }
0x19: {  	[sflag:s8] =	ssyncadd.s32 $0xFFFFDC00  }
0x1a: {  	[tilespmem:s11], [sflag:$0x1] =	stream.indirect.gather [hbm4b:s3+s10], $0x40, s2, s10, $0xb8;
	[tilespmem:$0x14C00] =	vst v63  }
0x1b: {  	_ = 	snop  }
0x1c: {  	[tilespmem:s13], [sflag:$0x5] =	stream.indirect.gather [hbm4b:s3+s12], $0x40, s4, s12, $0xb8;
	[tilespmem:$0x14C00] =	vst v63  }
0x1d: {  	_ = 	snop  }
0x1e: {  	[tilespmem:s14], [sflag:$0x2] =	stream.indirect.gather [hbm4b:s3+s10], $0x40, s10, s10, $0xb8;
	[tilespmem:$0x14C00] =	vst v63  }
0x1f: {  	s15 =	simm.s32 $0x4048  }
0x20: {  	[tilespmem:s16], [sflag:$0x6] =	stream.indirect.gather [hbm4b:s3+s12], $0x40, s15, s12, $0xb8;
	[tilespmem:$0x14C00] =	vst v63  }
0x21: {  	s17 =	simm.s32 $0x100  }
0x22: {  	[tilespmem:s18], [sflag:$0x3] =	stream.indirect.gather [hbm4b:s3+s10], $0x40, s17, s10, $0xb8;
	[tilespmem:$0x14C00] =	vst v63  }
0x23: {  	s19 =	simm.s32 $0x4090;
	s15 =	simm.s32 $0x0  }
0x24: {  	[tilespmem:s20], [sflag:$0x7] =	stream.indirect.gather [hbm4b:s3+s12], $0x40, s19, s12, $0xb8;
	[tilespmem:$0x14C00] =	vst v63  }
.LBB2_2:
0x25: {  	s17 =	sshllo.u32 s15, $0x2  }
0x26: {  	s1 =	sshll.u32 s17, $0x7  }
0x27: {  	s4 =	smul.u32 $0x120, s17;
	s1 =	sand.u32 $0x3FFFFF80, s1  }
0x28: {  	[tilespmem:s21], [sflag:$0x4] =	stream.indirect.gather [hbm4b:s3+s10], $0x40, s1, s10, $0xb8;
	[tilespmem:$0x14C00] =	vst v63  }
0x29: {  	s4 =	sshra.s32 s4, $0x2  }
0x2a: {  	s1 =	sadd.s32 $0x4000, s4  }
0x2b: {  	[tilespmem:s22], [sflag:$0x8] =	stream.indirect.gather [hbm4b:s3+s12], $0x40, s1, s12, $0xb8;
	[tilespmem:$0x14C00] =	vst v63  }
0x2c: {  	_ =	swait.ge [sflag:s23], $0x2000  }
0x2d: {  	[sflag:s23] =	ssyncset.done $0x0  }
0x2e: {  	[sflag:s23] =	ssyncadd.s32 $0xFFFFE000  }
0x2f: {  	_ =	swait.ge [sflag:s24], $0x1200  }
0x30: {  	[sflag:s24] =	ssyncset.done $0x0  }
0x31: {  	s5 =	simm.s32 $0x6500;
	[sflag:s24] =	ssyncadd.s32 $0xFFFFEE00  }
0x32: {  	v4 =	vld [tilespmem:s5+$0xC0]  }
0x33: {  	v0 =	vld [tilespmem:s5+$0xD0]  }
0x34: {  	v1 =	vld [tilespmem:s5+$0xE0]  }
0x35: {  	v5 =	vld [tilespmem:s5+$0x80]  }
0x36: {  	v2 =	vld [tilespmem:s5+$0x90]  }
0x37: {  	v3 =	vld [tilespmem:s5+$0xA0]  }
0x38: {  	v6 =	vld [tilespmem:s5+$0x40]  }
0x39: {  	v8 =	vld [tilespmem:s5+$0x50]  }
0x3a: {  	v9 =	vld [tilespmem:s5+$0x60]  }
0x3b: {  	v7 =	vld [tilespmem:s5+$0x0]  }
0x3c: {  	v12 =	vld [tilespmem:s5+$0x10]  }
0x3d: {  	v13 =	vld [tilespmem:s5+$0x20]  }
0x3e: {  	v10 =	vld [tilespmem:s5+$0xFFFFFFC0]  }
0x3f: {  	v17 =	vld [tilespmem:s5+$0xFFFFFFD0]  }
0x40: {  	v16 =	vld [tilespmem:s5+$0xFFFFFFE0]  }
0x41: {  	v11 =	vld [tilespmem:s5+$0xFFFFFF80]  }
0x42: {  	v14 =	vld [tilespmem:s5+$0xFFFFFF00]  }
0x43: {  	v15 =	vld [tilespmem:s5+$0xFFFFFF40]  }
0x44: {  	v19 =	vld [tilespmem:s5+$0xFFFFFF90]  }
0x45: {  	v20 =	vld [tilespmem:s5+$0xFFFFFFA0]  }
0x46: {  	v21 =	vimm.f32 $-Inf;
	v22 =	vld [tilespmem:s5+$0xFFFFFF50]  }
0x47: {  	v26 =	vld [tilespmem:s5+$0xFFFFFF60];
	v14 =	vmax.f32 v21, v14  }
0x48: {  	v24 =	vld [tilespmem:s5+$0xFFFFFF10];
	v14 =	vmax.f32 v14, v15  }
0x49: {  	v15 =	vld [tilespmem:s5+$0xFFFFFF20];
	v11 =	vmax.f32 v14, v11  }
0x4a: {  	v14 =	vld [tilespmem:s5+$0xFFFFFF30];
	v10 =	vmax.f32 v11, v10  }
0x4b: {  	v11 =	vld [tilespmem:s5+$0xFFFFFF70];
	v7 =	vmax.f32 v10, v7  }
0x4c: {  	v10 =	vld [tilespmem:s5+$0xFFFFFFB0];
	v6 =	vmax.f32 v7, v6  }
0x4d: {  	v25 =	vld [tilespmem:s5+$0xFFFFFFF0];
	v5 =	vmax.f32 v6, v5  }
0x4e: {  	v23 =	vld [tilespmem:s5+$0x30];
	v18 =	vmax.f32 v5, v4  }
0x4f: {  	v4 =	vmax.f32 v21, v24;
	v5 =	vmax.f32 v21, v15;
	v6 =	vmax.f32 v21, v14;
	v24 =	vld [tilespmem:s5+$0x70]  }
0x50: {  	v21 =	vld [tilespmem:s5+$0xB0];
	v4 =	vmax.f32 v4, v22;
	v5 =	vmax.f32 v5, v26;
	v6 =	vmax.f32 v6, v11  }
0x51: {  	s19 =	sshll.u32 s15, $0x2;
	s9 =	simm.s32 $0x0;
	s4 =	simm.s32 $0x6700;
	v22 =	vld [tilespmem:s5+$0xF0];
	v28 =	vmax.f32 v4, v19;
	v26 =	vmax.f32 v5, v20;
	v27 =	vmax.f32 v6, v10  }
.LBB2_3:
0x52: {  	v4 =	vld [tilespmem:s4+$0xC0];
	v5 =	vmax.f32 v28, v17;
	v6 =	vmax.f32 v26, v16;
	v7 =	vmax.f32 v27, v25  }
0x53: {  	v10 =	vld [tilespmem:s4+$0xD0];
	v5 =	vmax.f32 v5, v12;
	v6 =	vmax.f32 v6, v13;
	v7 =	vmax.f32 v7, v23  }
0x54: {  	v11 =	vld [tilespmem:s4+$0xE0];
	v5 =	vmax.f32 v5, v8;
	v6 =	vmax.f32 v6, v9;
	v7 =	vmax.f32 v7, v24  }
0x55: {  	v14 =	vld [tilespmem:s4+$0x80];
	v5 =	vmax.f32 v5, v2;
	v3 =	vmax.f32 v6, v3;
	v6 =	vmax.f32 v7, v21  }
0x56: {  	s1 =	simm.s32 $0xE500;
	v2 =	vld [tilespmem:s4+$0x90];
	v5 =	vmax.f32 v5, v0;
	v7 =	vmax.f32 v3, v1;
	v6 =	vmax.f32 v6, v22  }
0x57: {  	v3 =	vld [tilespmem:s4+$0xA0]  }
0x58: {  	v15 =	vld [tilespmem:s4+$0x40];
	v0 =	vmov v10  }
0x59: {  	v8 =	vld [tilespmem:s4+$0x50];
	v1 =	vmov v11  }
0x5a: {  	v9 =	vld [tilespmem:s4+$0x60]  }
0x5b: {  	v10 =	vld [tilespmem:s4+$0x0]  }
0x5c: {  	v12 =	vld [tilespmem:s4+$0x10]  }
0x5d: {  	v13 =	vld [tilespmem:s4+$0x20]  }
0x5e: {  	v11 =	vld [tilespmem:s4+$0xFFFFFFC0]  }
0x5f: {  	v17 =	vld [tilespmem:s4+$0xFFFFFFD0]  }
0x60: {  	v16 =	vld [tilespmem:s4+$0xFFFFFFE0]  }
0x61: {  	v19 =	vld [tilespmem:s4+$0xFFFFFF80]  }
0x62: {  	v20 =	vld [tilespmem:s4+$0xFFFFFF00]  }
0x63: {  	v21 =	vld [tilespmem:s4+$0xFFFFFF40]  }
0x64: {  	v22 =	vld [tilespmem:s4+$0xFFFFFF90]  }
0x65: {  	v26 =	vld [tilespmem:s4+$0xFFFFFFA0]  }
0x66: {  	v27 =	vld [tilespmem:s4+$0xFFFFFF50]  }
0x67: {  	v18 =	vmax.f32 v18, v20;
	v20 =	vld [tilespmem:s4+$0xFFFFFF60]  }
0x68: {  	v24 =	vld [tilespmem:s4+$0xFFFFFF10];
	v18 =	vmax.f32 v18, v21  }
0x69: {  	v21 =	vld [tilespmem:s4+$0xFFFFFF20];
	v18 =	vmax.f32 v18, v19  }
0x6a: {  	s9 =	sadd.s32 $0x8, s9;
	v19 =	vld [tilespmem:s4+$0xFFFFFF30];
	v11 =	vmax.f32 v18, v11  }
0x6b: {  	p0 =	slt.u32 s9, $0x78;
	v28 =	vld [tilespmem:s4+$0xFFFFFF70];
	v10 =	vmax.f32 v11, v10  }
0x6c: {  	v11 =	vld [tilespmem:s4+$0xFFFFFFB0];
	v10 =	vmax.f32 v10, v15  }
.Ltmp0:
0x6d: {  	v25 =	vld [tilespmem:s4+$0xFFFFFFF0];
	v10 =	vmax.f32 v10, v14;
	(pc) =	sbr.rel @p0 .LBB2_3-.Ltmp0, $4  }
0x6e: {  	v23 =	vld [tilespmem:s4+$0x30];
	v18 =	vmax.f32 v10, v4  }
0x6f: {  	v4 =	vmax.f32 v5, v24;
	v5 =	vmax.f32 v7, v21;
	v6 =	vmax.f32 v6, v19;
	v24 =	vld [tilespmem:s4+$0x70]  }
0x70: {  	v4 =	vmax.f32 v4, v27;
	v5 =	vmax.f32 v5, v20;
	v6 =	vmax.f32 v6, v28;
	v21 =	vld [tilespmem:s4+$0xB0]  }
0x71: {  	v28 =	vmax.f32 v4, v22;
	v26 =	vmax.f32 v5, v26;
	v27 =	vmax.f32 v6, v11;
	v22 =	vld [tilespmem:s4+$0xF0];
	s4 =	sadd.s32 $0x200, s4  }
0x72: {  	v29 =	vld [tilespmem:s1+$0xC0]  }
0x73: {  	v4 =	vld [tilespmem:s1+$0xD0]  }
0x74: {  	v5 =	vld [tilespmem:s1+$0xE0]  }
0x75: {  	v30 =	vld [tilespmem:s1+$0x80]  }
0x76: {  	v6 =	vld [tilespmem:s1+$0x90]  }
0x77: {  	v7 =	vld [tilespmem:s1+$0xA0]  }
0x78: {  	v31 =	vld [tilespmem:s1+$0x40]  }
0x79: {  	v10 =	vld [tilespmem:s1+$0x50]  }
0x7a: {  	v11 =	vld [tilespmem:s1+$0x60]  }
0x7b: {  	v32 =	vld [tilespmem:s1+$0x0]  }
0x7c: {  	v14 =	vld [tilespmem:s1+$0x10]  }
0x7d: {  	v15 =	vld [tilespmem:s1+$0x20]  }
0x7e: {  	v33 =	vld [tilespmem:s1+$0xFFFFFFC0]  }
0x7f: {  	v19 =	vld [tilespmem:s1+$0xFFFFFFD0]  }
0x80: {  	v20 =	vld [tilespmem:s1+$0xFFFFFFE0]  }
0x81: {  	v34 =	vld [tilespmem:s1+$0xFFFFFF80]  }
0x82: {  	v35 =	vld [tilespmem:s1+$0xFFFFFF00]  }
0x83: {  	v36 =	vld [tilespmem:s1+$0xFFFFFF40]  }
0x84: {  	v37 =	vld [tilespmem:s1+$0xFFFFFF90]  }
0x85: {  	v38 =	vld [tilespmem:s1+$0xFFFFFFA0]  }
0x86: {  	v39 =	vld [tilespmem:s1+$0xFFFFFF50]  }
0x87: {  	v17 =	vmax.f32 v28, v17;
	v62 =	vld [tilespmem:s1+$0xFFFFFF60];
	v18 =	vmax.f32 v18, v35  }
0x88: {  	v16 =	vmax.f32 v26, v16;
	v25 =	vmax.f32 v27, v25;
	v63 =	vld [tilespmem:s1+$0xFFFFFF10];
	v18 =	vmax.f32 v18, v36  }
0x89: {  	v12 =	vmax.f32 v17, v12;
	v13 =	vmax.f32 v16, v13;
	v17 =	vld [tilespmem:s1+$0xFFFFFF20];
	v16 =	vmax.f32 v18, v34  }
0x8a: {  	v8 =	vmax.f32 v12, v8;
	v18 =	vmax.f32 v25, v23;
	v12 =	vmax.f32 v16, v33;
	v16 =	vld [tilespmem:s1+$0xFFFFFF30]  }
0x8b: {  	v9 =	vmax.f32 v13, v9;
	v13 =	vmax.f32 v18, v24;
	v18 =	vld [tilespmem:s1+$0xFFFFFF70];
	v12 =	vmax.f32 v12, v32  }
0x8c: {  	v2 =	vmax.f32 v8, v2;
	v3 =	vmax.f32 v9, v3;
	v9 =	vld [tilespmem:s1+$0xFFFFFFB0];
	v8 =	vmax.f32 v12, v31  }
0x8d: {  	v2 =	vmax.f32 v2, v0;
	v12 =	vmax.f32 v13, v21;
	v0 =	vmax.f32 v8, v30;
	v8 =	vld [tilespmem:s1+$0xFFFFFFF0]  }
0x8e: {  	v3 =	vmax.f32 v3, v1;
	v1 =	vld [tilespmem:s1+$0x30];
	v13 =	vmax.f32 v2, v63;
	v12 =	vmax.f32 v12, v22  }
0x8f: {  	v3 =	vmax.f32 v3, v17;
	v2 =	vld [tilespmem:s1+$0x70];
	v13 =	vmax.f32 v13, v39;
	v12 =	vmax.f32 v12, v16  }
0x90: {  	v0 =	vmax.f32 v0, v29;
	v16 =	vmax.f32 v3, v62;
	v3 =	vld [tilespmem:s1+$0xB0];
	v12 =	vmax.f32 v12, v18  }
0x91: {  	s4 =	simm.s32 $0x0;
	v13 =	vmax.f32 v13, v37;
	v16 =	vmax.f32 v16, v38;
	v12 =	vmax.f32 v12, v9;
	v9 =	vld [tilespmem:s1+$0xF0];
	s1 =	simm.s32 $0xE700  }
.LBB2_5:
0x92: {  	v17 =	vld [tilespmem:s1+$0xC0];
	v13 =	vmax.f32 v13, v19;
	v16 =	vmax.f32 v16, v20;
	v8 =	vmax.f32 v12, v8  }
0x93: {  	v12 =	vld [tilespmem:s1+$0xD0];
	v13 =	vmax.f32 v13, v14;
	v14 =	vmax.f32 v16, v15;
	v1 =	vmax.f32 v8, v1  }
0x94: {  	v8 =	vld [tilespmem:s1+$0xE0];
	v10 =	vmax.f32 v13, v10;
	v11 =	vmax.f32 v14, v11;
	v1 =	vmax.f32 v1, v2  }
0x95: {  	v2 =	vld [tilespmem:s1+$0x80];
	v10 =	vmax.f32 v10, v6;
	v7 =	vmax.f32 v11, v7;
	v1 =	vmax.f32 v1, v3  }
0x96: {  	v6 =	vld [tilespmem:s1+$0x90];
	v3 =	vmax.f32 v10, v4;
	v13 =	vmax.f32 v7, v5;
	v9 =	vmax.f32 v1, v9  }
0x97: {  	v7 =	vld [tilespmem:s1+$0xA0]  }
0x98: {  	v1 =	vld [tilespmem:s1+$0x40];
	v4 =	vmov v12  }
0x99: {  	v10 =	vld [tilespmem:s1+$0x50];
	v5 =	vmov v8  }
0x9a: {  	v11 =	vld [tilespmem:s1+$0x60]  }
0x9b: {  	v8 =	vld [tilespmem:s1+$0x0]  }
0x9c: {  	v14 =	vld [tilespmem:s1+$0x10]  }
0x9d: {  	v15 =	vld [tilespmem:s1+$0x20]  }
0x9e: {  	v12 =	vld [tilespmem:s1+$0xFFFFFFC0]  }
0x9f: {  	v19 =	vld [tilespmem:s1+$0xFFFFFFD0]  }
0xa0: {  	v20 =	vld [tilespmem:s1+$0xFFFFFFE0]  }
0xa1: {  	v16 =	vld [tilespmem:s1+$0xFFFFFF80]  }
0xa2: {  	v18 =	vld [tilespmem:s1+$0xFFFFFF00]  }
0xa3: {  	v21 =	vld [tilespmem:s1+$0xFFFFFF40]  }
0xa4: {  	v22 =	vld [tilespmem:s1+$0xFFFFFF90]  }
0xa5: {  	v23 =	vld [tilespmem:s1+$0xFFFFFFA0]  }
0xa6: {  	v24 =	vld [tilespmem:s1+$0xFFFFFF50]  }
0xa7: {  	v0 =	vmax.f32 v0, v18;
	v18 =	vld [tilespmem:s1+$0xFFFFFF60]  }
0xa8: {  	v25 =	vld [tilespmem:s1+$0xFFFFFF10];
	v0 =	vmax.f32 v0, v21  }
0xa9: {  	v21 =	vld [tilespmem:s1+$0xFFFFFF20];
	v0 =	vmax.f32 v0, v16  }
0xaa: {  	s4 =	sadd.s32 $0x8, s4;
	v16 =	vld [tilespmem:s1+$0xFFFFFF30];
	v0 =	vmax.f32 v0, v12  }
0xab: {  	p0 =	slt.u32 s4, $0x40;
	v12 =	vld [tilespmem:s1+$0xFFFFFF70];
	v0 =	vmax.f32 v0, v8  }
0xac: {  	v26 =	vld [tilespmem:s1+$0xFFFFFFB0];
	v0 =	vmax.f32 v0, v1  }
.Ltmp1:
0xad: {  	v8 =	vld [tilespmem:s1+$0xFFFFFFF0];
	v0 =	vmax.f32 v0, v2;
	(pc) =	sbr.rel @p0 .LBB2_5-.Ltmp1, $4  }
0xae: {  	v1 =	vld [tilespmem:s1+$0x30];
	v0 =	vmax.f32 v0, v17  }
0xaf: {  	v3 =	vmax.f32 v3, v25;
	v13 =	vmax.f32 v13, v21;
	v9 =	vmax.f32 v9, v16;
	v2 =	vld [tilespmem:s1+$0x70]  }
0xb0: {  	v16 =	vmax.f32 v3, v24;
	v17 =	vmax.f32 v13, v18;
	v9 =	vmax.f32 v9, v12;
	v3 =	vld [tilespmem:s1+$0xB0]  }
0xb1: {  	v13 =	vmax.f32 v16, v22;
	v16 =	vmax.f32 v17, v23;
	v12 =	vmax.f32 v9, v26;
	v9 =	vld [tilespmem:s1+$0xF0];
	s1 =	sadd.s32 $0x200, s1  }
0xb2: {  	v13 =	vmax.f32 v13, v19  }
0xb3: {  	v16 =	vmax.f32 v16, v20;
	v13 =	vmax.f32 v13, v14  }
0xb4: {  	v8 =	vmax.f32 v12, v8;
	s1 =	sshll.u32 s15, $0x8;
	v12 =	vmax.f32 v16, v15;
	v10 =	vmax.f32 v13, v10  }
0xb5: {  	s4 =	smin.u32 s19, $0x7B;
	v1 =	vmax.f32 v8, v1;
	s1 =	sand.u32 $0x3FFFFF00, s1;
	v8 =	vmax.f32 v12, v11;
	v6 =	vmax.f32 v10, v6  }
0xb6: {  	s4 =	sadd.s32 $0x4, s4;
	v1 =	vmax.f32 v1, v2;
	[tilespmem:s1+$0x12C00] =	vst v0;
	v2 =	vmax.f32 v8, v7;
	v4 =	vmax.f32 v6, v4  }
0xb7: {  	s5 =	sshll.u32 s4, $0x7;
	s4 =	smul.u32 $0x120, s4;
	v0 =	vmax.f32 v1, v3;
	v1 =	vmax.f32 v2, v5;
	[tilespmem:s1+$0x12C10] =	vst v4  }
0xb8: {  	v0 =	vmax.f32 v0, v9;
	[tilespmem:s1+$0x12C20] =	vst v1  }
0xb9: {  	s4 =	sshrl.u32 s4, $0x2;
	[tilespmem:s1+$0x12C30] =	vst v0  }
0xba: {  	[tilespmem:s11], [sflag:$0x1] =	stream.indirect.gather [hbm4b:s3+s10], $0x40, s5, s10, $0xb8;
	[tilespmem:$0x14C00] =	vst v63  }
0xbb: {  	s4 =	sadd.s32 $0x4000, s4  }
0xbc: {  	[tilespmem:s13], [sflag:$0x5] =	stream.indirect.gather [hbm4b:s3+s12], $0x40, s4, s12, $0xb8;
	[tilespmem:$0x14C00] =	vst v63  }
0xbd: {  	_ =	swait.ge [sflag:s25], $0x2000  }
0xbe: {  	[sflag:s25] =	ssyncset.done $0x0  }
0xbf: {  	[sflag:s25] =	ssyncadd.s32 $0xFFFFE000  }
0xc0: {  	_ =	swait.ge [sflag:s26], $0x1200  }
0xc1: {  	[sflag:s26] =	ssyncset.done $0x0  }
0xc2: {  	s9 =	simm.s32 $0x8500;
	[sflag:s26] =	ssyncadd.s32 $0xFFFFEE00  }
0xc3: {  	v4 =	vld [tilespmem:s9+$0xC0]  }
0xc4: {  	v0 =	vld [tilespmem:s9+$0xD0]  }
0xc5: {  	v1 =	vld [tilespmem:s9+$0xE0]  }
0xc6: {  	v5 =	vld [tilespmem:s9+$0x80]  }
0xc7: {  	v2 =	vld [tilespmem:s9+$0x90]  }
0xc8: {  	v3 =	vld [tilespmem:s9+$0xA0]  }
0xc9: {  	v6 =	vld [tilespmem:s9+$0x40]  }
0xca: {  	v8 =	vld [tilespmem:s9+$0x50]  }
0xcb: {  	v9 =	vld [tilespmem:s9+$0x60]  }
0xcc: {  	v7 =	vld [tilespmem:s9+$0x0]  }
0xcd: {  	v12 =	vld [tilespmem:s9+$0x10]  }
0xce: {  	v13 =	vld [tilespmem:s9+$0x20]  }
0xcf: {  	v10 =	vld [tilespmem:s9+$0xFFFFFFC0]  }
0xd0: {  	v17 =	vld [tilespmem:s9+$0xFFFFFFD0]  }
0xd1: {  	v16 =	vld [tilespmem:s9+$0xFFFFFFE0]  }
0xd2: {  	v11 =	vld [tilespmem:s9+$0xFFFFFF80]  }
0xd3: {  	v14 =	vld [tilespmem:s9+$0xFFFFFF00]  }
0xd4: {  	v15 =	vld [tilespmem:s9+$0xFFFFFF40]  }
0xd5: {  	v19 =	vld [tilespmem:s9+$0xFFFFFF90]  }
0xd6: {  	v20 =	vld [tilespmem:s9+$0xFFFFFFA0]  }
0xd7: {  	v21 =	vimm.f32 $-Inf;
	v22 =	vld [tilespmem:s9+$0xFFFFFF50]  }
0xd8: {  	v26 =	vld [tilespmem:s9+$0xFFFFFF60];
	v14 =	vmax.f32 v21, v14  }
0xd9: {  	v24 =	vld [tilespmem:s9+$0xFFFFFF10];
	v14 =	vmax.f32 v14, v15  }
0xda: {  	v15 =	vld [tilespmem:s9+$0xFFFFFF20];
	v11 =	vmax.f32 v14, v11  }
0xdb: {  	v14 =	vld [tilespmem:s9+$0xFFFFFF30];
	v10 =	vmax.f32 v11, v10  }
0xdc: {  	v11 =	vld [tilespmem:s9+$0xFFFFFF70];
	v7 =	vmax.f32 v10, v7  }
0xdd: {  	v10 =	vld [tilespmem:s9+$0xFFFFFFB0];
	v6 =	vmax.f32 v7, v6  }
0xde: {  	v25 =	vld [tilespmem:s9+$0xFFFFFFF0];
	v5 =	vmax.f32 v6, v5  }
0xdf: {  	v23 =	vld [tilespmem:s9+$0x30];
	v18 =	vmax.f32 v5, v4  }
0xe0: {  	v4 =	vmax.f32 v21, v24;
	v5 =	vmax.f32 v21, v15;
	v6 =	vmax.f32 v21, v14;
	v24 =	vld [tilespmem:s9+$0x70]  }
0xe1: {  	v21 =	vld [tilespmem:s9+$0xB0];
	v4 =	vmax.f32 v4, v22;
	v5 =	vmax.f32 v5, v26;
	v6 =	vmax.f32 v6, v11  }
0xe2: {  	s5 =	simm.s32 $0x8700;
	s4 =	simm.s32 $0x0;
	v22 =	vld [tilespmem:s9+$0xF0];
	v28 =	vmax.f32 v4, v19;
	v26 =	vmax.f32 v5, v20;
	v27 =	vmax.f32 v6, v10  }
.LBB2_7:
0xe3: {  	v4 =	vld [tilespmem:s5+$0xC0];
	v5 =	vmax.f32 v28, v17;
	v6 =	vmax.f32 v26, v16;
	v7 =	vmax.f32 v27, v25  }
0xe4: {  	v10 =	vld [tilespmem:s5+$0xD0];
	v5 =	vmax.f32 v5, v12;
	v6 =	vmax.f32 v6, v13;
	v7 =	vmax.f32 v7, v23  }
0xe5: {  	v11 =	vld [tilespmem:s5+$0xE0];
	v5 =	vmax.f32 v5, v8;
	v6 =	vmax.f32 v6, v9;
	v7 =	vmax.f32 v7, v24  }
0xe6: {  	v14 =	vld [tilespmem:s5+$0x80];
	v5 =	vmax.f32 v5, v2;
	v3 =	vmax.f32 v6, v3;
	v6 =	vmax.f32 v7, v21  }
0xe7: {  	s9 =	simm.s32 $0xF700;
	v2 =	vld [tilespmem:s5+$0x90];
	v5 =	vmax.f32 v5, v0;
	v7 =	vmax.f32 v3, v1;
	v6 =	vmax.f32 v6, v22  }
0xe8: {  	v3 =	vld [tilespmem:s5+$0xA0]  }
0xe9: {  	v15 =	vld [tilespmem:s5+$0x40];
	v0 =	vmov v10  }
0xea: {  	v8 =	vld [tilespmem:s5+$0x50];
	v1 =	vmov v11  }
0xeb: {  	v9 =	vld [tilespmem:s5+$0x60]  }
0xec: {  	v10 =	vld [tilespmem:s5+$0x0]  }
0xed: {  	v12 =	vld [tilespmem:s5+$0x10]  }
0xee: {  	v13 =	vld [tilespmem:s5+$0x20]  }
0xef: {  	v11 =	vld [tilespmem:s5+$0xFFFFFFC0]  }
0xf0: {  	v17 =	vld [tilespmem:s5+$0xFFFFFFD0]  }
0xf1: {  	v16 =	vld [tilespmem:s5+$0xFFFFFFE0]  }
0xf2: {  	v19 =	vld [tilespmem:s5+$0xFFFFFF80]  }
0xf3: {  	v20 =	vld [tilespmem:s5+$0xFFFFFF00]  }
0xf4: {  	v21 =	vld [tilespmem:s5+$0xFFFFFF40]  }
0xf5: {  	v22 =	vld [tilespmem:s5+$0xFFFFFF90]  }
0xf6: {  	v26 =	vld [tilespmem:s5+$0xFFFFFFA0]  }
0xf7: {  	v27 =	vld [tilespmem:s5+$0xFFFFFF50]  }
0xf8: {  	v18 =	vmax.f32 v18, v20;
	v20 =	vld [tilespmem:s5+$0xFFFFFF60]  }
0xf9: {  	v24 =	vld [tilespmem:s5+$0xFFFFFF10];
	v18 =	vmax.f32 v18, v21  }
0xfa: {  	v21 =	vld [tilespmem:s5+$0xFFFFFF20];
	v18 =	vmax.f32 v18, v19  }
0xfb: {  	s4 =	sadd.s32 $0x8, s4;
	v19 =	vld [tilespmem:s5+$0xFFFFFF30];
	v11 =	vmax.f32 v18, v11  }
0xfc: {  	p0 =	slt.u32 s4, $0x78;
	v28 =	vld [tilespmem:s5+$0xFFFFFF70];
	v10 =	vmax.f32 v11, v10  }
0xfd: {  	v11 =	vld [tilespmem:s5+$0xFFFFFFB0];
	v10 =	vmax.f32 v10, v15  }
.Ltmp2:
0xfe: {  	v25 =	vld [tilespmem:s5+$0xFFFFFFF0];
	v10 =	vmax.f32 v10, v14;
	(pc) =	sbr.rel @p0 .LBB2_7-.Ltmp2, $4  }
0xff: {  	v23 =	vld [tilespmem:s5+$0x30];
	v18 =	vmax.f32 v10, v4  }
0x100: {  	v4 =	vmax.f32 v5, v24;
	v5 =	vmax.f32 v7, v21;
	v6 =	vmax.f32 v6, v19;
	v24 =	vld [tilespmem:s5+$0x70]  }
0x101: {  	v4 =	vmax.f32 v4, v27;
	v5 =	vmax.f32 v5, v20;
	v6 =	vmax.f32 v6, v28;
	v21 =	vld [tilespmem:s5+$0xB0]  }
0x102: {  	v28 =	vmax.f32 v4, v22;
	v26 =	vmax.f32 v5, v26;
	v27 =	vmax.f32 v6, v11;
	v22 =	vld [tilespmem:s5+$0xF0];
	s5 =	sadd.s32 $0x200, s5  }
0x103: {  	v29 =	vld [tilespmem:s9+$0xC0]  }
0x104: {  	v4 =	vld [tilespmem:s9+$0xD0]  }
0x105: {  	v5 =	vld [tilespmem:s9+$0xE0]  }
0x106: {  	v30 =	vld [tilespmem:s9+$0x80]  }
0x107: {  	v6 =	vld [tilespmem:s9+$0x90]  }
0x108: {  	v7 =	vld [tilespmem:s9+$0xA0]  }
0x109: {  	v31 =	vld [tilespmem:s9+$0x40]  }
0x10a: {  	v10 =	vld [tilespmem:s9+$0x50]  }
0x10b: {  	v11 =	vld [tilespmem:s9+$0x60]  }
0x10c: {  	v32 =	vld [tilespmem:s9+$0x0]  }
0x10d: {  	v14 =	vld [tilespmem:s9+$0x10]  }
0x10e: {  	v15 =	vld [tilespmem:s9+$0x20]  }
0x10f: {  	v33 =	vld [tilespmem:s9+$0xFFFFFFC0]  }
0x110: {  	v19 =	vld [tilespmem:s9+$0xFFFFFFD0]  }
0x111: {  	v20 =	vld [tilespmem:s9+$0xFFFFFFE0]  }
0x112: {  	v34 =	vld [tilespmem:s9+$0xFFFFFF80]  }
0x113: {  	v35 =	vld [tilespmem:s9+$0xFFFFFF00]  }
0x114: {  	v36 =	vld [tilespmem:s9+$0xFFFFFF40]  }
0x115: {  	v37 =	vld [tilespmem:s9+$0xFFFFFF90]  }
0x116: {  	v38 =	vld [tilespmem:s9+$0xFFFFFFA0]  }
0x117: {  	v39 =	vld [tilespmem:s9+$0xFFFFFF50]  }
0x118: {  	v17 =	vmax.f32 v28, v17;
	v62 =	vld [tilespmem:s9+$0xFFFFFF60];
	v16 =	vmax.f32 v26, v16;
	v18 =	vmax.f32 v18, v35  }
0x119: {  	v25 =	vmax.f32 v27, v25;
	v63 =	vld [tilespmem:s9+$0xFFFFFF10];
	v12 =	vmax.f32 v17, v12;
	v18 =	vmax.f32 v18, v36  }
0x11a: {  	v13 =	vmax.f32 v16, v13;
	v17 =	vld [tilespmem:s9+$0xFFFFFF20];
	v8 =	vmax.f32 v12, v8;
	v16 =	vmax.f32 v18, v34  }
0x11b: {  	v9 =	vmax.f32 v13, v9;
	v18 =	vmax.f32 v25, v23;
	v12 =	vmax.f32 v16, v33;
	v16 =	vld [tilespmem:s9+$0xFFFFFF30]  }
0x11c: {  	v3 =	vmax.f32 v9, v3;
	v13 =	vmax.f32 v18, v24;
	v18 =	vld [tilespmem:s9+$0xFFFFFF70]  }
0x11d: {  	v2 =	vmax.f32 v8, v2;
	v9 =	vld [tilespmem:s9+$0xFFFFFFB0];
	v3 =	vmax.f32 v3, v1;
	v12 =	vmax.f32 v12, v32  }
0x11e: {  	v8 =	vmax.f32 v12, v31;
	v12 =	vmax.f32 v13, v21;
	v13 =	vmax.f32 v2, v0;
	v2 =	vld [tilespmem:s9+$0xFFFFFFF0]  }
0x11f: {  	v1 =	vld [tilespmem:s9+$0x30];
	v0 =	vmax.f32 v8, v30;
	v8 =	vmax.f32 v12, v22;
	v12 =	vmax.f32 v13, v63  }
0x120: {  	v13 =	vmax.f32 v3, v17;
	v3 =	vld [tilespmem:s9+$0x70];
	v0 =	vmax.f32 v0, v29;
	v8 =	vmax.f32 v8, v16  }
0x121: {  	v12 =	vmax.f32 v12, v39;
	v16 =	vmax.f32 v13, v62;
	v17 =	vmax.f32 v8, v18;
	v8 =	vld [tilespmem:s9+$0xB0]  }
0x122: {  	s4 =	simm.s32 $0x0;
	s5 =	simm.s32 $0xF900;
	v13 =	vmax.f32 v12, v37;
	v16 =	vmax.f32 v16, v38;
	v12 =	vmax.f32 v17, v9;
	v9 =	vld [tilespmem:s9+$0xF0]  }
.LBB2_9:
0x123: {  	v17 =	vld [tilespmem:s5+$0xC0];
	v13 =	vmax.f32 v13, v19;
	v16 =	vmax.f32 v16, v20;
	v2 =	vmax.f32 v12, v2  }
0x124: {  	v12 =	vld [tilespmem:s5+$0xD0];
	v13 =	vmax.f32 v13, v14;
	v14 =	vmax.f32 v16, v15;
	v1 =	vmax.f32 v2, v1  }
0x125: {  	v2 =	vld [tilespmem:s5+$0xE0];
	v10 =	vmax.f32 v13, v10;
	v11 =	vmax.f32 v14, v11;
	v1 =	vmax.f32 v1, v3  }
0x126: {  	v3 =	vld [tilespmem:s5+$0x80];
	v10 =	vmax.f32 v10, v6;
	v7 =	vmax.f32 v11, v7;
	v1 =	vmax.f32 v1, v8  }
0x127: {  	v6 =	vld [tilespmem:s5+$0x90];
	v8 =	vmax.f32 v10, v4;
	v13 =	vmax.f32 v7, v5;
	v9 =	vmax.f32 v1, v9  }
0x128: {  	v7 =	vld [tilespmem:s5+$0xA0]  }
0x129: {  	v1 =	vld [tilespmem:s5+$0x40];
	v4 =	vmov v12  }
0x12a: {  	v10 =	vld [tilespmem:s5+$0x50];
	v5 =	vmov v2  }
0x12b: {  	v11 =	vld [tilespmem:s5+$0x60]  }
0x12c: {  	v2 =	vld [tilespmem:s5+$0x0]  }
0x12d: {  	v14 =	vld [tilespmem:s5+$0x10]  }
0x12e: {  	v15 =	vld [tilespmem:s5+$0x20]  }
0x12f: {  	v12 =	vld [tilespmem:s5+$0xFFFFFFC0]  }
0x130: {  	v19 =	vld [tilespmem:s5+$0xFFFFFFD0]  }
0x131: {  	v20 =	vld [tilespmem:s5+$0xFFFFFFE0]  }
0x132: {  	v16 =	vld [tilespmem:s5+$0xFFFFFF80]  }
0x133: {  	v18 =	vld [tilespmem:s5+$0xFFFFFF00]  }
0x134: {  	v21 =	vld [tilespmem:s5+$0xFFFFFF40]  }
0x135: {  	v22 =	vld [tilespmem:s5+$0xFFFFFF90]  }
0x136: {  	v23 =	vld [tilespmem:s5+$0xFFFFFFA0]  }
0x137: {  	v24 =	vld [tilespmem:s5+$0xFFFFFF50]  }
0x138: {  	v0 =	vmax.f32 v0, v18;
	v18 =	vld [tilespmem:s5+$0xFFFFFF60]  }
0x139: {  	v25 =	vld [tilespmem:s5+$0xFFFFFF10];
	v0 =	vmax.f32 v0, v21  }
0x13a: {  	v21 =	vld [tilespmem:s5+$0xFFFFFF20];
	v0 =	vmax.f32 v0, v16  }
0x13b: {  	s4 =	sadd.s32 $0x8, s4;
	v16 =	vld [tilespmem:s5+$0xFFFFFF30];
	v0 =	vmax.f32 v0, v12  }
0x13c: {  	p0 =	slt.u32 s4, $0x40;
	v12 =	vld [tilespmem:s5+$0xFFFFFF70];
	v0 =	vmax.f32 v0, v2  }
0x13d: {  	v26 =	vld [tilespmem:s5+$0xFFFFFFB0];
	v0 =	vmax.f32 v0, v1  }
.Ltmp3:
0x13e: {  	v2 =	vld [tilespmem:s5+$0xFFFFFFF0];
	v0 =	vmax.f32 v0, v3;
	(pc) =	sbr.rel @p0 .LBB2_9-.Ltmp3, $4  }
0x13f: {  	v1 =	vld [tilespmem:s5+$0x30];
	v0 =	vmax.f32 v0, v17  }
0x140: {  	v8 =	vmax.f32 v8, v25;
	v13 =	vmax.f32 v13, v21;
	v9 =	vmax.f32 v9, v16;
	v3 =	vld [tilespmem:s5+$0x70]  }
0x141: {  	v16 =	vmax.f32 v8, v24;
	v17 =	vmax.f32 v13, v18;
	v9 =	vmax.f32 v9, v12;
	v8 =	vld [tilespmem:s5+$0xB0]  }
0x142: {  	v13 =	vmax.f32 v16, v22;
	v16 =	vmax.f32 v17, v23;
	v12 =	vmax.f32 v9, v26;
	v9 =	vld [tilespmem:s5+$0xF0];
	s5 =	sadd.s32 $0x200, s5  }
0x143: {  	v13 =	vmax.f32 v13, v19  }
0x144: {  	v16 =	vmax.f32 v16, v20;
	v13 =	vmax.f32 v13, v14  }
0x145: {  	v2 =	vmax.f32 v12, v2;
	v12 =	vmax.f32 v16, v15;
	v10 =	vmax.f32 v13, v10  }
0x146: {  	s4 =	smin.u32 s19, $0x7A;
	v1 =	vmax.f32 v2, v1;
	v2 =	vmax.f32 v12, v11;
	v6 =	vmax.f32 v10, v6  }
0x147: {  	[tilespmem:s1+$0x12C40] =	vst v0;
	s4 =	sadd.s32 $0x5, s4;
	v1 =	vmax.f32 v1, v3;
	v2 =	vmax.f32 v2, v7;
	v3 =	vmax.f32 v6, v4  }
0x148: {  	s5 =	sshll.u32 s4, $0x7;
	s4 =	smul.u32 $0x120, s4;
	v0 =	vmax.f32 v1, v8;
	v1 =	vmax.f32 v2, v5;
	[tilespmem:s1+$0x12C50] =	vst v3  }
0x149: {  	v0 =	vmax.f32 v0, v9;
	[tilespmem:s1+$0x12C60] =	vst v1  }
0x14a: {  	s4 =	sshrl.u32 s4, $0x2;
	[tilespmem:s1+$0x12C70] =	vst v0  }
0x14b: {  	[tilespmem:s14], [sflag:$0x2] =	stream.indirect.gather [hbm4b:s3+s10], $0x40, s5, s10, $0xb8;
	[tilespmem:$0x14C00] =	vst v63  }
0x14c: {  	s4 =	sadd.s32 $0x4000, s4  }
0x14d: {  	[tilespmem:s16], [sflag:$0x6] =	stream.indirect.gather [hbm4b:s3+s12], $0x40, s4, s12, $0xb8;
	[tilespmem:$0x14C00] =	vst v63  }
0x14e: {  	_ =	swait.ge [sflag:s28], $0x2000  }
0x14f: {  	[sflag:s28] =	ssyncset.done $0x0  }
0x150: {  	[sflag:s28] =	ssyncadd.s32 $0xFFFFE000  }
0x151: {  	_ =	swait.ge [sflag:s29], $0x1200  }
0x152: {  	[sflag:s29] =	ssyncset.done $0x0  }
0x153: {  	s9 =	simm.s32 $0xA500;
	[sflag:s29] =	ssyncadd.s32 $0xFFFFEE00  }
0x154: {  	v4 =	vld [tilespmem:s9+$0xC0]  }
0x155: {  	v0 =	vld [tilespmem:s9+$0xD0]  }
0x156: {  	v1 =	vld [tilespmem:s9+$0xE0]  }
0x157: {  	v5 =	vld [tilespmem:s9+$0x80]  }
0x158: {  	v2 =	vld [tilespmem:s9+$0x90]  }
0x159: {  	v3 =	vld [tilespmem:s9+$0xA0]  }
0x15a: {  	v6 =	vld [tilespmem:s9+$0x40]  }
0x15b: {  	v8 =	vld [tilespmem:s9+$0x50]  }
0x15c: {  	v9 =	vld [tilespmem:s9+$0x60]  }
0x15d: {  	v7 =	vld [tilespmem:s9+$0x0]  }
0x15e: {  	v12 =	vld [tilespmem:s9+$0x10]  }
0x15f: {  	v13 =	vld [tilespmem:s9+$0x20]  }
0x160: {  	v10 =	vld [tilespmem:s9+$0xFFFFFFC0]  }
0x161: {  	v17 =	vld [tilespmem:s9+$0xFFFFFFD0]  }
0x162: {  	v16 =	vld [tilespmem:s9+$0xFFFFFFE0]  }
0x163: {  	v11 =	vld [tilespmem:s9+$0xFFFFFF80]  }
0x164: {  	v14 =	vld [tilespmem:s9+$0xFFFFFF00]  }
0x165: {  	v15 =	vld [tilespmem:s9+$0xFFFFFF40]  }
0x166: {  	v19 =	vld [tilespmem:s9+$0xFFFFFF90]  }
0x167: {  	v20 =	vld [tilespmem:s9+$0xFFFFFFA0]  }
0x168: {  	v21 =	vimm.f32 $-Inf;
	v22 =	vld [tilespmem:s9+$0xFFFFFF50]  }
0x169: {  	v26 =	vld [tilespmem:s9+$0xFFFFFF60];
	v14 =	vmax.f32 v21, v14  }
0x16a: {  	v24 =	vld [tilespmem:s9+$0xFFFFFF10];
	v14 =	vmax.f32 v14, v15  }
0x16b: {  	v15 =	vld [tilespmem:s9+$0xFFFFFF20];
	v11 =	vmax.f32 v14, v11  }
0x16c: {  	v14 =	vld [tilespmem:s9+$0xFFFFFF30];
	v10 =	vmax.f32 v11, v10  }
0x16d: {  	v11 =	vld [tilespmem:s9+$0xFFFFFF70];
	v7 =	vmax.f32 v10, v7  }
0x16e: {  	v10 =	vld [tilespmem:s9+$0xFFFFFFB0];
	v6 =	vmax.f32 v7, v6  }
0x16f: {  	v25 =	vld [tilespmem:s9+$0xFFFFFFF0];
	v5 =	vmax.f32 v6, v5  }
0x170: {  	v23 =	vld [tilespmem:s9+$0x30];
	v18 =	vmax.f32 v5, v4  }
0x171: {  	v4 =	vmax.f32 v21, v24;
	v5 =	vmax.f32 v21, v15;
	v6 =	vmax.f32 v21, v14;
	v24 =	vld [tilespmem:s9+$0x70]  }
0x172: {  	v21 =	vld [tilespmem:s9+$0xB0];
	v4 =	vmax.f32 v4, v22;
	v5 =	vmax.f32 v5, v26;
	v6 =	vmax.f32 v6, v11  }
0x173: {  	s5 =	simm.s32 $0xA700;
	s4 =	simm.s32 $0x0;
	v22 =	vld [tilespmem:s9+$0xF0];
	v28 =	vmax.f32 v4, v19;
	v26 =	vmax.f32 v5, v20;
	v27 =	vmax.f32 v6, v10  }
.LBB2_11:
0x174: {  	v4 =	vld [tilespmem:s5+$0xC0];
	v5 =	vmax.f32 v28, v17;
	v6 =	vmax.f32 v26, v16;
	v7 =	vmax.f32 v27, v25  }
0x175: {  	v10 =	vld [tilespmem:s5+$0xD0];
	v5 =	vmax.f32 v5, v12;
	v6 =	vmax.f32 v6, v13;
	v7 =	vmax.f32 v7, v23  }
0x176: {  	v11 =	vld [tilespmem:s5+$0xE0];
	v5 =	vmax.f32 v5, v8;
	v6 =	vmax.f32 v6, v9;
	v7 =	vmax.f32 v7, v24  }
0x177: {  	v14 =	vld [tilespmem:s5+$0x80];
	v5 =	vmax.f32 v5, v2;
	v3 =	vmax.f32 v6, v3;
	v6 =	vmax.f32 v7, v21  }
0x178: {  	s9 =	simm.s32 $0x10900;
	v2 =	vld [tilespmem:s5+$0x90];
	v5 =	vmax.f32 v5, v0;
	v7 =	vmax.f32 v3, v1;
	v6 =	vmax.f32 v6, v22  }
0x179: {  	v3 =	vld [tilespmem:s5+$0xA0]  }
0x17a: {  	v15 =	vld [tilespmem:s5+$0x40];
	v0 =	vmov v10  }
0x17b: {  	v8 =	vld [tilespmem:s5+$0x50];
	v1 =	vmov v11  }
0x17c: {  	v9 =	vld [tilespmem:s5+$0x60]  }
0x17d: {  	v10 =	vld [tilespmem:s5+$0x0]  }
0x17e: {  	v12 =	vld [tilespmem:s5+$0x10]  }
0x17f: {  	v13 =	vld [tilespmem:s5+$0x20]  }
0x180: {  	v11 =	vld [tilespmem:s5+$0xFFFFFFC0]  }
0x181: {  	v17 =	vld [tilespmem:s5+$0xFFFFFFD0]  }
0x182: {  	v16 =	vld [tilespmem:s5+$0xFFFFFFE0]  }
0x183: {  	v19 =	vld [tilespmem:s5+$0xFFFFFF80]  }
0x184: {  	v20 =	vld [tilespmem:s5+$0xFFFFFF00]  }
0x185: {  	v21 =	vld [tilespmem:s5+$0xFFFFFF40]  }
0x186: {  	v22 =	vld [tilespmem:s5+$0xFFFFFF90]  }
0x187: {  	v26 =	vld [tilespmem:s5+$0xFFFFFFA0]  }
0x188: {  	v27 =	vld [tilespmem:s5+$0xFFFFFF50]  }
0x189: {  	v18 =	vmax.f32 v18, v20;
	v20 =	vld [tilespmem:s5+$0xFFFFFF60]  }
0x18a: {  	v24 =	vld [tilespmem:s5+$0xFFFFFF10];
	v18 =	vmax.f32 v18, v21  }
0x18b: {  	v21 =	vld [tilespmem:s5+$0xFFFFFF20];
	v18 =	vmax.f32 v18, v19  }
0x18c: {  	s4 =	sadd.s32 $0x8, s4;
	v19 =	vld [tilespmem:s5+$0xFFFFFF30];
	v11 =	vmax.f32 v18, v11  }
0x18d: {  	p0 =	slt.u32 s4, $0x78;
	v28 =	vld [tilespmem:s5+$0xFFFFFF70];
	v10 =	vmax.f32 v11, v10  }
0x18e: {  	v11 =	vld [tilespmem:s5+$0xFFFFFFB0];
	v10 =	vmax.f32 v10, v15  }
.Ltmp4:
0x18f: {  	v25 =	vld [tilespmem:s5+$0xFFFFFFF0];
	v10 =	vmax.f32 v10, v14;
	(pc) =	sbr.rel @p0 .LBB2_11-.Ltmp4, $4  }
0x190: {  	v23 =	vld [tilespmem:s5+$0x30];
	v18 =	vmax.f32 v10, v4  }
0x191: {  	v4 =	vmax.f32 v5, v24;
	v5 =	vmax.f32 v7, v21;
	v6 =	vmax.f32 v6, v19;
	v24 =	vld [tilespmem:s5+$0x70]  }
0x192: {  	v4 =	vmax.f32 v4, v27;
	v5 =	vmax.f32 v5, v20;
	v6 =	vmax.f32 v6, v28;
	v21 =	vld [tilespmem:s5+$0xB0]  }
0x193: {  	v28 =	vmax.f32 v4, v22;
	v26 =	vmax.f32 v5, v26;
	v27 =	vmax.f32 v6, v11;
	v22 =	vld [tilespmem:s5+$0xF0];
	s5 =	sadd.s32 $0x200, s5  }
0x194: {  	v29 =	vld [tilespmem:s9+$0xC0]  }
0x195: {  	v4 =	vld [tilespmem:s9+$0xD0]  }
0x196: {  	v5 =	vld [tilespmem:s9+$0xE0]  }
0x197: {  	v30 =	vld [tilespmem:s9+$0x80]  }
0x198: {  	v6 =	vld [tilespmem:s9+$0x90]  }
0x199: {  	v7 =	vld [tilespmem:s9+$0xA0]  }
0x19a: {  	v31 =	vld [tilespmem:s9+$0x40]  }
0x19b: {  	v10 =	vld [tilespmem:s9+$0x50]  }
0x19c: {  	v11 =	vld [tilespmem:s9+$0x60]  }
0x19d: {  	v32 =	vld [tilespmem:s9+$0x0]  }
0x19e: {  	v14 =	vld [tilespmem:s9+$0x10]  }
0x19f: {  	v15 =	vld [tilespmem:s9+$0x20]  }
0x1a0: {  	v33 =	vld [tilespmem:s9+$0xFFFFFFC0]  }
0x1a1: {  	v19 =	vld [tilespmem:s9+$0xFFFFFFD0]  }
0x1a2: {  	v20 =	vld [tilespmem:s9+$0xFFFFFFE0]  }
0x1a3: {  	v34 =	vld [tilespmem:s9+$0xFFFFFF80]  }
0x1a4: {  	v35 =	vld [tilespmem:s9+$0xFFFFFF00]  }
0x1a5: {  	v36 =	vld [tilespmem:s9+$0xFFFFFF40]  }
0x1a6: {  	v37 =	vld [tilespmem:s9+$0xFFFFFF90]  }
0x1a7: {  	v38 =	vld [tilespmem:s9+$0xFFFFFFA0]  }
0x1a8: {  	v39 =	vld [tilespmem:s9+$0xFFFFFF50]  }
0x1a9: {  	v17 =	vmax.f32 v28, v17;
	v62 =	vld [tilespmem:s9+$0xFFFFFF60];
	v16 =	vmax.f32 v26, v16;
	v18 =	vmax.f32 v18, v35  }
0x1aa: {  	v25 =	vmax.f32 v27, v25;
	v63 =	vld [tilespmem:s9+$0xFFFFFF10];
	v12 =	vmax.f32 v17, v12;
	v18 =	vmax.f32 v18, v36  }
0x1ab: {  	v13 =	vmax.f32 v16, v13;
	v17 =	vld [tilespmem:s9+$0xFFFFFF20];
	v8 =	vmax.f32 v12, v8;
	v16 =	vmax.f32 v18, v34  }
0x1ac: {  	v9 =	vmax.f32 v13, v9;
	v18 =	vmax.f32 v25, v23;
	v12 =	vmax.f32 v16, v33;
	v16 =	vld [tilespmem:s9+$0xFFFFFF30]  }
0x1ad: {  	v3 =	vmax.f32 v9, v3;
	v13 =	vmax.f32 v18, v24;
	v18 =	vld [tilespmem:s9+$0xFFFFFF70]  }
0x1ae: {  	v2 =	vmax.f32 v8, v2;
	v9 =	vld [tilespmem:s9+$0xFFFFFFB0];
	v3 =	vmax.f32 v3, v1;
	v12 =	vmax.f32 v12, v32  }
0x1af: {  	v8 =	vmax.f32 v12, v31;
	v12 =	vmax.f32 v13, v21;
	v13 =	vmax.f32 v2, v0;
	v2 =	vld [tilespmem:s9+$0xFFFFFFF0]  }
0x1b0: {  	v1 =	vld [tilespmem:s9+$0x30];
	v0 =	vmax.f32 v8, v30;
	v8 =	vmax.f32 v12, v22;
	v12 =	vmax.f32 v13, v63  }
0x1b1: {  	v13 =	vmax.f32 v3, v17;
	v3 =	vld [tilespmem:s9+$0x70];
	v0 =	vmax.f32 v0, v29;
	v8 =	vmax.f32 v8, v16  }
0x1b2: {  	v12 =	vmax.f32 v12, v39;
	v16 =	vmax.f32 v13, v62;
	v17 =	vmax.f32 v8, v18;
	v8 =	vld [tilespmem:s9+$0xB0]  }
0x1b3: {  	s4 =	simm.s32 $0x0;
	s5 =	simm.s32 $0x10B00;
	v13 =	vmax.f32 v12, v37;
	v16 =	vmax.f32 v16, v38;
	v12 =	vmax.f32 v17, v9;
	v9 =	vld [tilespmem:s9+$0xF0]  }
.LBB2_13:
0x1b4: {  	v17 =	vld [tilespmem:s5+$0xC0];
	v13 =	vmax.f32 v13, v19;
	v16 =	vmax.f32 v16, v20;
	v2 =	vmax.f32 v12, v2  }
0x1b5: {  	v12 =	vld [tilespmem:s5+$0xD0];
	v13 =	vmax.f32 v13, v14;
	v14 =	vmax.f32 v16, v15;
	v1 =	vmax.f32 v2, v1  }
0x1b6: {  	v2 =	vld [tilespmem:s5+$0xE0];
	v10 =	vmax.f32 v13, v10;
	v11 =	vmax.f32 v14, v11;
	v1 =	vmax.f32 v1, v3  }
0x1b7: {  	v3 =	vld [tilespmem:s5+$0x80];
	v10 =	vmax.f32 v10, v6;
	v7 =	vmax.f32 v11, v7;
	v1 =	vmax.f32 v1, v8  }
0x1b8: {  	v6 =	vld [tilespmem:s5+$0x90];
	v8 =	vmax.f32 v10, v4;
	v13 =	vmax.f32 v7, v5;
	v9 =	vmax.f32 v1, v9  }
0x1b9: {  	v7 =	vld [tilespmem:s5+$0xA0]  }
0x1ba: {  	v1 =	vld [tilespmem:s5+$0x40];
	v4 =	vmov v12  }
0x1bb: {  	v10 =	vld [tilespmem:s5+$0x50];
	v5 =	vmov v2  }
0x1bc: {  	v11 =	vld [tilespmem:s5+$0x60]  }
0x1bd: {  	v2 =	vld [tilespmem:s5+$0x0]  }
0x1be: {  	v14 =	vld [tilespmem:s5+$0x10]  }
0x1bf: {  	v15 =	vld [tilespmem:s5+$0x20]  }
0x1c0: {  	v12 =	vld [tilespmem:s5+$0xFFFFFFC0]  }
0x1c1: {  	v19 =	vld [tilespmem:s5+$0xFFFFFFD0]  }
0x1c2: {  	v20 =	vld [tilespmem:s5+$0xFFFFFFE0]  }
0x1c3: {  	v16 =	vld [tilespmem:s5+$0xFFFFFF80]  }
0x1c4: {  	v18 =	vld [tilespmem:s5+$0xFFFFFF00]  }
0x1c5: {  	v21 =	vld [tilespmem:s5+$0xFFFFFF40]  }
0x1c6: {  	v22 =	vld [tilespmem:s5+$0xFFFFFF90]  }
0x1c7: {  	v23 =	vld [tilespmem:s5+$0xFFFFFFA0]  }
0x1c8: {  	v24 =	vld [tilespmem:s5+$0xFFFFFF50]  }
0x1c9: {  	v0 =	vmax.f32 v0, v18;
	v18 =	vld [tilespmem:s5+$0xFFFFFF60]  }
0x1ca: {  	v25 =	vld [tilespmem:s5+$0xFFFFFF10];
	v0 =	vmax.f32 v0, v21  }
0x1cb: {  	v21 =	vld [tilespmem:s5+$0xFFFFFF20];
	v0 =	vmax.f32 v0, v16  }
0x1cc: {  	s4 =	sadd.s32 $0x8, s4;
	v16 =	vld [tilespmem:s5+$0xFFFFFF30];
	v0 =	vmax.f32 v0, v12  }
0x1cd: {  	p0 =	slt.u32 s4, $0x40;
	v12 =	vld [tilespmem:s5+$0xFFFFFF70];
	v0 =	vmax.f32 v0, v2  }
0x1ce: {  	v26 =	vld [tilespmem:s5+$0xFFFFFFB0];
	v0 =	vmax.f32 v0, v1  }
.Ltmp5:
0x1cf: {  	v2 =	vld [tilespmem:s5+$0xFFFFFFF0];
	v0 =	vmax.f32 v0, v3;
	(pc) =	sbr.rel @p0 .LBB2_13-.Ltmp5, $4  }
0x1d0: {  	v1 =	vld [tilespmem:s5+$0x30];
	v0 =	vmax.f32 v0, v17  }
0x1d1: {  	v8 =	vmax.f32 v8, v25;
	v13 =	vmax.f32 v13, v21;
	v9 =	vmax.f32 v9, v16;
	v3 =	vld [tilespmem:s5+$0x70]  }
0x1d2: {  	v16 =	vmax.f32 v8, v24;
	v17 =	vmax.f32 v13, v18;
	v9 =	vmax.f32 v9, v12;
	v8 =	vld [tilespmem:s5+$0xB0]  }
0x1d3: {  	v13 =	vmax.f32 v16, v22;
	v16 =	vmax.f32 v17, v23;
	v12 =	vmax.f32 v9, v26;
	v9 =	vld [tilespmem:s5+$0xF0];
	s5 =	sadd.s32 $0x200, s5  }
0x1d4: {  	v13 =	vmax.f32 v13, v19  }
0x1d5: {  	v16 =	vmax.f32 v16, v20;
	v13 =	vmax.f32 v13, v14  }
0x1d6: {  	v2 =	vmax.f32 v12, v2;
	v12 =	vmax.f32 v16, v15;
	v10 =	vmax.f32 v13, v10  }
0x1d7: {  	s4 =	smin.u32 s19, $0x79;
	v1 =	vmax.f32 v2, v1;
	v2 =	vmax.f32 v12, v11;
	v6 =	vmax.f32 v10, v6  }
0x1d8: {  	[tilespmem:s1+$0x12C80] =	vst v0;
	s4 =	sadd.s32 $0x6, s4;
	v1 =	vmax.f32 v1, v3;
	v2 =	vmax.f32 v2, v7;
	v3 =	vmax.f32 v6, v4  }
0x1d9: {  	s5 =	sshll.u32 s4, $0x7;
	s4 =	smul.u32 $0x120, s4;
	v0 =	vmax.f32 v1, v8;
	v1 =	vmax.f32 v2, v5;
	[tilespmem:s1+$0x12C90] =	vst v3  }
0x1da: {  	v0 =	vmax.f32 v0, v9;
	[tilespmem:s1+$0x12CA0] =	vst v1  }
0x1db: {  	s9 =	sshrl.u32 s4, $0x2;
	[tilespmem:s1+$0x12CB0] =	vst v0  }
0x1dc: {  	[tilespmem:s18], [sflag:$0x3] =	stream.indirect.gather [hbm4b:s3+s10], $0x40, s5, s10, $0xb8;
	[tilespmem:$0x14C00] =	vst v63  }
0x1dd: {  	s1 =	sadd.s32 $0x4000, s9  }
0x1de: {  	[tilespmem:s20], [sflag:$0x7] =	stream.indirect.gather [hbm4b:s3+s12], $0x40, s1, s12, $0xb8;
	[tilespmem:$0x14C00] =	vst v63  }
0x1df: {  	_ =	swait.ge [sflag:s30], $0x2000  }
0x1e0: {  	[sflag:s30] =	ssyncset.done $0x0  }
0x1e1: {  	[sflag:s30] =	ssyncadd.s32 $0xFFFFE000  }
0x1e2: {  	_ =	swait.ge [sflag:s31], $0x1200  }
0x1e3: {  	[sflag:s31] =	ssyncset.done $0x0  }
0x1e4: {  	s19 =	simm.s32 $0xC500;
	[sflag:s31] =	ssyncadd.s32 $0xFFFFEE00  }
0x1e5: {  	v4 =	vld [tilespmem:s19+$0xC0]  }
0x1e6: {  	v0 =	vld [tilespmem:s19+$0xD0]  }
0x1e7: {  	v1 =	vld [tilespmem:s19+$0xE0]  }
0x1e8: {  	v5 =	vld [tilespmem:s19+$0x80]  }
0x1e9: {  	v2 =	vld [tilespmem:s19+$0x90]  }
0x1ea: {  	v3 =	vld [tilespmem:s19+$0xA0]  }
0x1eb: {  	v6 =	vld [tilespmem:s19+$0x40]  }
0x1ec: {  	v8 =	vld [tilespmem:s19+$0x50]  }
0x1ed: {  	v9 =	vld [tilespmem:s19+$0x60]  }
0x1ee: {  	v7 =	vld [tilespmem:s19+$0x0]  }
0x1ef: {  	v12 =	vld [tilespmem:s19+$0x10]  }
0x1f0: {  	v13 =	vld [tilespmem:s19+$0x20]  }
0x1f1: {  	v10 =	vld [tilespmem:s19+$0xFFFFFFC0]  }
0x1f2: {  	v17 =	vld [tilespmem:s19+$0xFFFFFFD0]  }
0x1f3: {  	v16 =	vld [tilespmem:s19+$0xFFFFFFE0]  }
0x1f4: {  	v11 =	vld [tilespmem:s19+$0xFFFFFF80]  }
0x1f5: {  	v14 =	vld [tilespmem:s19+$0xFFFFFF00]  }
0x1f6: {  	v15 =	vld [tilespmem:s19+$0xFFFFFF40]  }
0x1f7: {  	v19 =	vld [tilespmem:s19+$0xFFFFFF90]  }
0x1f8: {  	v20 =	vld [tilespmem:s19+$0xFFFFFFA0]  }
0x1f9: {  	v21 =	vimm.f32 $-Inf;
	v22 =	vld [tilespmem:s19+$0xFFFFFF50]  }
0x1fa: {  	v26 =	vld [tilespmem:s19+$0xFFFFFF60];
	v14 =	vmax.f32 v21, v14  }
0x1fb: {  	v24 =	vld [tilespmem:s19+$0xFFFFFF10];
	v14 =	vmax.f32 v14, v15  }
0x1fc: {  	v15 =	vld [tilespmem:s19+$0xFFFFFF20];
	v11 =	vmax.f32 v14, v11  }
0x1fd: {  	v14 =	vld [tilespmem:s19+$0xFFFFFF30];
	v10 =	vmax.f32 v11, v10  }
0x1fe: {  	v11 =	vld [tilespmem:s19+$0xFFFFFF70];
	v7 =	vmax.f32 v10, v7  }
0x1ff: {  	v10 =	vld [tilespmem:s19+$0xFFFFFFB0];
	v6 =	vmax.f32 v7, v6  }
0x200: {  	v25 =	vld [tilespmem:s19+$0xFFFFFFF0];
	v5 =	vmax.f32 v6, v5  }
0x201: {  	v23 =	vld [tilespmem:s19+$0x30];
	v18 =	vmax.f32 v5, v4  }
0x202: {  	v4 =	vmax.f32 v21, v24;
	v5 =	vmax.f32 v21, v15;
	v6 =	vmax.f32 v21, v14;
	v24 =	vld [tilespmem:s19+$0x70]  }
0x203: {  	v21 =	vld [tilespmem:s19+$0xB0];
	v4 =	vmax.f32 v4, v22;
	v5 =	vmax.f32 v5, v26;
	v6 =	vmax.f32 v6, v11  }
0x204: {  	s4 =	simm.s32 $0x0;
	s5 =	simm.s32 $0xC700;
	v22 =	vld [tilespmem:s19+$0xF0];
	v28 =	vmax.f32 v4, v19;
	v26 =	vmax.f32 v5, v20;
	v27 =	vmax.f32 v6, v10  }
.LBB2_15:
0x205: {  	v4 =	vld [tilespmem:s5+$0xC0];
	v5 =	vmax.f32 v28, v17;
	v6 =	vmax.f32 v26, v16;
	v7 =	vmax.f32 v27, v25  }
0x206: {  	v10 =	vld [tilespmem:s5+$0xD0];
	v5 =	vmax.f32 v5, v12;
	v6 =	vmax.f32 v6, v13;
	v7 =	vmax.f32 v7, v23  }
0x207: {  	v11 =	vld [tilespmem:s5+$0xE0];
	v5 =	vmax.f32 v5, v8;
	v6 =	vmax.f32 v6, v9;
	v7 =	vmax.f32 v7, v24  }
0x208: {  	v14 =	vld [tilespmem:s5+$0x80];
	v5 =	vmax.f32 v5, v2;
	v3 =	vmax.f32 v6, v3;
	v6 =	vmax.f32 v7, v21  }
0x209: {  	s1 =	simm.s32 $0x11B00;
	v2 =	vld [tilespmem:s5+$0x90];
	v5 =	vmax.f32 v5, v0;
	v7 =	vmax.f32 v3, v1;
	v6 =	vmax.f32 v6, v22  }
0x20a: {  	v3 =	vld [tilespmem:s5+$0xA0]  }
0x20b: {  	v15 =	vld [tilespmem:s5+$0x40];
	v0 =	vmov v10  }
0x20c: {  	v8 =	vld [tilespmem:s5+$0x50];
	v1 =	vmov v11  }
0x20d: {  	v9 =	vld [tilespmem:s5+$0x60]  }
0x20e: {  	v10 =	vld [tilespmem:s5+$0x0]  }
0x20f: {  	v12 =	vld [tilespmem:s5+$0x10]  }
0x210: {  	v13 =	vld [tilespmem:s5+$0x20]  }
0x211: {  	v11 =	vld [tilespmem:s5+$0xFFFFFFC0]  }
0x212: {  	v17 =	vld [tilespmem:s5+$0xFFFFFFD0]  }
0x213: {  	v16 =	vld [tilespmem:s5+$0xFFFFFFE0]  }
0x214: {  	v19 =	vld [tilespmem:s5+$0xFFFFFF80]  }
0x215: {  	v20 =	vld [tilespmem:s5+$0xFFFFFF00]  }
0x216: {  	v21 =	vld [tilespmem:s5+$0xFFFFFF40]  }
0x217: {  	v22 =	vld [tilespmem:s5+$0xFFFFFF90]  }
0x218: {  	v26 =	vld [tilespmem:s5+$0xFFFFFFA0]  }
0x219: {  	v27 =	vld [tilespmem:s5+$0xFFFFFF50]  }
0x21a: {  	v18 =	vmax.f32 v18, v20;
	v20 =	vld [tilespmem:s5+$0xFFFFFF60]  }
0x21b: {  	v24 =	vld [tilespmem:s5+$0xFFFFFF10];
	v18 =	vmax.f32 v18, v21  }
0x21c: {  	v21 =	vld [tilespmem:s5+$0xFFFFFF20];
	v18 =	vmax.f32 v18, v19  }
0x21d: {  	s4 =	sadd.s32 $0x8, s4;
	v19 =	vld [tilespmem:s5+$0xFFFFFF30];
	v11 =	vmax.f32 v18, v11  }
0x21e: {  	p0 =	slt.u32 s4, $0x78;
	v28 =	vld [tilespmem:s5+$0xFFFFFF70];
	v10 =	vmax.f32 v11, v10  }
0x21f: {  	v11 =	vld [tilespmem:s5+$0xFFFFFFB0];
	v10 =	vmax.f32 v10, v15  }
.Ltmp6:
0x220: {  	v25 =	vld [tilespmem:s5+$0xFFFFFFF0];
	v10 =	vmax.f32 v10, v14;
	(pc) =	sbr.rel @p0 .LBB2_15-.Ltmp6, $4  }
0x221: {  	v23 =	vld [tilespmem:s5+$0x30];
	v18 =	vmax.f32 v10, v4  }
0x222: {  	v4 =	vmax.f32 v5, v24;
	v5 =	vmax.f32 v7, v21;
	v6 =	vmax.f32 v6, v19;
	v24 =	vld [tilespmem:s5+$0x70]  }
0x223: {  	v4 =	vmax.f32 v4, v27;
	v5 =	vmax.f32 v5, v20;
	v6 =	vmax.f32 v6, v28;
	v21 =	vld [tilespmem:s5+$0xB0]  }
0x224: {  	v28 =	vmax.f32 v4, v22;
	v26 =	vmax.f32 v5, v26;
	v27 =	vmax.f32 v6, v11;
	v22 =	vld [tilespmem:s5+$0xF0];
	s5 =	sadd.s32 $0x200, s5  }
0x225: {  	v29 =	vld [tilespmem:s1+$0xC0]  }
0x226: {  	v4 =	vld [tilespmem:s1+$0xD0]  }
0x227: {  	v5 =	vld [tilespmem:s1+$0xE0]  }
0x228: {  	v30 =	vld [tilespmem:s1+$0x80]  }
0x229: {  	v6 =	vld [tilespmem:s1+$0x90]  }
0x22a: {  	v7 =	vld [tilespmem:s1+$0xA0]  }
0x22b: {  	v31 =	vld [tilespmem:s1+$0x40]  }
0x22c: {  	v10 =	vld [tilespmem:s1+$0x50]  }
0x22d: {  	v11 =	vld [tilespmem:s1+$0x60]  }
0x22e: {  	v32 =	vld [tilespmem:s1+$0x0]  }
0x22f: {  	v14 =	vld [tilespmem:s1+$0x10]  }
0x230: {  	v15 =	vld [tilespmem:s1+$0x20]  }
0x231: {  	v33 =	vld [tilespmem:s1+$0xFFFFFFC0]  }
0x232: {  	v19 =	vld [tilespmem:s1+$0xFFFFFFD0]  }
0x233: {  	v20 =	vld [tilespmem:s1+$0xFFFFFFE0]  }
0x234: {  	v34 =	vld [tilespmem:s1+$0xFFFFFF80]  }
0x235: {  	v35 =	vld [tilespmem:s1+$0xFFFFFF00]  }
0x236: {  	v36 =	vld [tilespmem:s1+$0xFFFFFF40]  }
0x237: {  	v37 =	vld [tilespmem:s1+$0xFFFFFF90]  }
0x238: {  	v38 =	vld [tilespmem:s1+$0xFFFFFFA0]  }
0x239: {  	v39 =	vld [tilespmem:s1+$0xFFFFFF50]  }
0x23a: {  	v17 =	vmax.f32 v28, v17;
	v62 =	vld [tilespmem:s1+$0xFFFFFF60];
	v18 =	vmax.f32 v18, v35  }
0x23b: {  	v16 =	vmax.f32 v26, v16;
	v25 =	vmax.f32 v27, v25;
	v63 =	vld [tilespmem:s1+$0xFFFFFF10];
	v18 =	vmax.f32 v18, v36  }
0x23c: {  	v12 =	vmax.f32 v17, v12;
	v13 =	vmax.f32 v16, v13;
	v17 =	vld [tilespmem:s1+$0xFFFFFF20];
	v16 =	vmax.f32 v18, v34  }
0x23d: {  	v8 =	vmax.f32 v12, v8;
	v18 =	vmax.f32 v25, v23;
	v12 =	vmax.f32 v16, v33;
	v16 =	vld [tilespmem:s1+$0xFFFFFF30]  }
0x23e: {  	v9 =	vmax.f32 v13, v9;
	v13 =	vmax.f32 v18, v24;
	v18 =	vld [tilespmem:s1+$0xFFFFFF70];
	v12 =	vmax.f32 v12, v32  }
0x23f: {  	v2 =	vmax.f32 v8, v2;
	v3 =	vmax.f32 v9, v3;
	v9 =	vld [tilespmem:s1+$0xFFFFFFB0];
	v8 =	vmax.f32 v12, v31  }
0x240: {  	v2 =	vmax.f32 v2, v0;
	v12 =	vmax.f32 v13, v21;
	v0 =	vmax.f32 v8, v30;
	v8 =	vld [tilespmem:s1+$0xFFFFFFF0]  }
0x241: {  	v3 =	vmax.f32 v3, v1;
	v1 =	vld [tilespmem:s1+$0x30];
	v13 =	vmax.f32 v2, v63;
	v12 =	vmax.f32 v12, v22  }
0x242: {  	v3 =	vmax.f32 v3, v17;
	v2 =	vld [tilespmem:s1+$0x70];
	v13 =	vmax.f32 v13, v39;
	v12 =	vmax.f32 v12, v16  }
0x243: {  	v0 =	vmax.f32 v0, v29;
	v16 =	vmax.f32 v3, v62;
	v3 =	vld [tilespmem:s1+$0xB0];
	v12 =	vmax.f32 v12, v18  }
0x244: {  	s4 =	simm.s32 $0x0;
	v13 =	vmax.f32 v13, v37;
	v16 =	vmax.f32 v16, v38;
	v12 =	vmax.f32 v12, v9;
	v9 =	vld [tilespmem:s1+$0xF0];
	s1 =	simm.s32 $0x11D00  }
.LBB2_17:
0x245: {  	v17 =	vld [tilespmem:s1+$0xC0];
	v13 =	vmax.f32 v13, v19;
	v16 =	vmax.f32 v16, v20;
	v8 =	vmax.f32 v12, v8  }
0x246: {  	v12 =	vld [tilespmem:s1+$0xD0];
	v13 =	vmax.f32 v13, v14;
	v14 =	vmax.f32 v16, v15;
	v1 =	vmax.f32 v8, v1  }
0x247: {  	v8 =	vld [tilespmem:s1+$0xE0];
	v10 =	vmax.f32 v13, v10;
	v11 =	vmax.f32 v14, v11;
	v1 =	vmax.f32 v1, v2  }
0x248: {  	v2 =	vld [tilespmem:s1+$0x80];
	v10 =	vmax.f32 v10, v6;
	v7 =	vmax.f32 v11, v7;
	v1 =	vmax.f32 v1, v3  }
0x249: {  	v6 =	vld [tilespmem:s1+$0x90];
	v3 =	vmax.f32 v10, v4;
	v13 =	vmax.f32 v7, v5;
	v9 =	vmax.f32 v1, v9  }
0x24a: {  	v7 =	vld [tilespmem:s1+$0xA0]  }
0x24b: {  	v1 =	vld [tilespmem:s1+$0x40];
	v4 =	vmov v12  }
0x24c: {  	v10 =	vld [tilespmem:s1+$0x50];
	v5 =	vmov v8  }
0x24d: {  	v11 =	vld [tilespmem:s1+$0x60]  }
0x24e: {  	v8 =	vld [tilespmem:s1+$0x0]  }
0x24f: {  	v14 =	vld [tilespmem:s1+$0x10]  }
0x250: {  	v15 =	vld [tilespmem:s1+$0x20]  }
0x251: {  	v12 =	vld [tilespmem:s1+$0xFFFFFFC0]  }
0x252: {  	v19 =	vld [tilespmem:s1+$0xFFFFFFD0]  }
0x253: {  	v20 =	vld [tilespmem:s1+$0xFFFFFFE0]  }
0x254: {  	v16 =	vld [tilespmem:s1+$0xFFFFFF80]  }
0x255: {  	v18 =	vld [tilespmem:s1+$0xFFFFFF00]  }
0x256: {  	v21 =	vld [tilespmem:s1+$0xFFFFFF40]  }
0x257: {  	v22 =	vld [tilespmem:s1+$0xFFFFFF90]  }
0x258: {  	v23 =	vld [tilespmem:s1+$0xFFFFFFA0]  }
0x259: {  	v24 =	vld [tilespmem:s1+$0xFFFFFF50]  }
0x25a: {  	v0 =	vmax.f32 v0, v18;
	v18 =	vld [tilespmem:s1+$0xFFFFFF60]  }
0x25b: {  	v25 =	vld [tilespmem:s1+$0xFFFFFF10];
	v0 =	vmax.f32 v0, v21  }
0x25c: {  	v21 =	vld [tilespmem:s1+$0xFFFFFF20];
	v0 =	vmax.f32 v0, v16  }
0x25d: {  	s4 =	sadd.s32 $0x8, s4;
	v16 =	vld [tilespmem:s1+$0xFFFFFF30];
	v0 =	vmax.f32 v0, v12  }
0x25e: {  	p0 =	slt.u32 s4, $0x40;
	v12 =	vld [tilespmem:s1+$0xFFFFFF70];
	v0 =	vmax.f32 v0, v8  }
0x25f: {  	v26 =	vld [tilespmem:s1+$0xFFFFFFB0];
	v0 =	vmax.f32 v0, v1  }
.Ltmp7:
0x260: {  	v8 =	vld [tilespmem:s1+$0xFFFFFFF0];
	v0 =	vmax.f32 v0, v2;
	(pc) =	sbr.rel @p0 .LBB2_17-.Ltmp7, $4  }
0x261: {  	v1 =	vld [tilespmem:s1+$0x30];
	v0 =	vmax.f32 v0, v17  }
0x262: {  	v3 =	vmax.f32 v3, v25;
	v13 =	vmax.f32 v13, v21;
	v9 =	vmax.f32 v9, v16;
	v2 =	vld [tilespmem:s1+$0x70]  }
0x263: {  	v16 =	vmax.f32 v3, v24;
	v17 =	vmax.f32 v13, v18;
	v9 =	vmax.f32 v9, v12;
	v3 =	vld [tilespmem:s1+$0xB0]  }
0x264: {  	v13 =	vmax.f32 v16, v22;
	v16 =	vmax.f32 v17, v23;
	v12 =	vmax.f32 v9, v26;
	v9 =	vld [tilespmem:s1+$0xF0];
	s1 =	sadd.s32 $0x200, s1  }
0x265: {  	v13 =	vmax.f32 v13, v19  }
0x266: {  	v16 =	vmax.f32 v16, v20;
	s15 =	sadd.s32 $0x1, s15;
	v13 =	vmax.f32 v13, v14  }
0x267: {  	v8 =	vmax.f32 v12, v8;
	s1 =	sshll.u32 s17, $0x6;
	v59 =	vmax.f32 v16, v15;
	p0 =	sne.s32 s15, $0x20;
	v10 =	vmax.f32 v13, v10  }
.Ltmp8:
0x268: {  	v1 =	vmax.f32 v8, v1;
	s1 =	sand.u32 $0x3FFFFFC0, s1;
	v60 =	vmax.f32 v59, v11;
	v6 =	vmax.f32 v10, v6;
	(pc) =	sbr.rel @p0 .LBB2_2-.Ltmp8, $4  }
0x269: {  	v1 =	vmax.f32 v1, v2;
	[tilespmem:s1+$0x12C00] =	vst v0;
	v61 =	vmax.f32 v60, v7;
	v4 =	vmax.f32 v6, v4  }
0x26a: {  	v62 =	vmax.f32 v1, v3;
	v63 =	vmax.f32 v61, v5;
	[tilespmem:s1+$0x12C10] =	vst v4  }
0x26b: {  	v0 =	vmax.f32 v62, v9;
	[tilespmem:s1+$0x12C20] =	vst v63  }
0x26c: {  	[tilespmem:s1+$0x12C30] =	vst v0  }
0x26d: {  	_ =	swait.ge [sflag:s23], $0x2000  }
0x26e: {  	[sflag:s23] =	ssyncset.done $0x0  }
0x26f: {  	[sflag:s23] =	ssyncadd.s32 $0xFFFFE000  }
0x270: {  	_ =	swait.ge [sflag:s24], $0x1200  }
0x271: {  	[sflag:s24] =	ssyncset.done $0x0  }
0x272: {  	[sflag:s24] =	ssyncadd.s32 $0xFFFFEE00  }
0x273: {  	_ =	swait.ge [sflag:s25], $0x2000  }
0x274: {  	[sflag:s25] =	ssyncset.done $0x0  }
0x275: {  	[sflag:s25] =	ssyncadd.s32 $0xFFFFE000  }
0x276: {  	_ =	swait.ge [sflag:s26], $0x1200  }
0x277: {  	[sflag:s26] =	ssyncset.done $0x0  }
0x278: {  	[sflag:s26] =	ssyncadd.s32 $0xFFFFEE00  }
0x279: {  	_ =	swait.ge [sflag:s28], $0x2000  }
0x27a: {  	[sflag:s28] =	ssyncset.done $0x0  }
0x27b: {  	[sflag:s28] =	ssyncadd.s32 $0xFFFFE000  }
0x27c: {  	s0 =	sadd.s32 $0x1, s0;
	_ =	swait.ge [sflag:s29], $0x1200  }
0x27d: {  	p0 =	sne.s32 s0, s7;
	[sflag:s29] =	ssyncset.done $0x0  }
.Ltmp9:
0x27e: {  	s1 =	simm.s32 $0x12C00;
	[sflag:s29] =	ssyncadd.s32 $0xFFFFEE00;
	(pc) =	sbr.rel @p0 .LBB2_1-.Ltmp9, $4  }
0x27f: {  	[hbm4b:s6+s2] =	stream.linear.scatter [tilespmem:s1], [sflag:$0x9], $0x2000, $0x38;
	[tilespmem:$0x14C00] =	vst v63  }
0x280: {  	_ =	swait.ge [sflag:s8], $0x2000  }
0x281: {  	[sflag:s8] =	ssyncset.done $0x0  }
0x282: {  	[sflag:s8] =	ssyncadd.s32 $0xFFFFE000  }
0x283: {  	_ =	sfence.sel $0x180000  }
0x284: {  	[bflag:$0x0] =	sbarrier.arrive $0xFFFF  }
0x285: {  	_ =	strace $0x90000047  }
0x286: {  	s0 =	stileid.u32;
	[bflag:$0x2] =	sbarrier.arrive $0xFFFF  }
0x287: {  	p0 =	sne.s32 s0, $0x0;
	s0 =	rddreg [dreg:$0x2]  }
0x288: {  	s0 =	sadd.s32 @!p0 $0x100000, s0  }
0x289: {  	[sflag:s0] =	ssyncadd.tile.s32 @!p0 $0x1;
	_ =	shalt  }
.Lfunc_end2:
_tile_overlayer_lowered:
.L_overlay_start_2:
0x28a: {  	(tag) =	ssettag $0x2  }
0x28b: {  	s0 =	rddreg [dreg:$0x0];
	s2 =	stileid.u32  }
0x28c: {  	s1 =	rddreg [dreg:$0x1];
	p0 =	sne.s32 s2, $0x0  }
0x28d: {  	s3 =	rddreg [dreg:$0x2];
	[bflag:$0x3] =	sbarrier.arrive $0xFFFF;
	s2 =	simm.s32 @!p0 $0x1C09  }
0x28e: {  	[timem:s3], [sflag:s2] =	dma.local @!p0 [hbm:s0], s1  }
0x28f: {  	s0 =	simm.s32 @!p0 $0x9  }
0x290: {  	_ =	swait.ge @!p0 [sflag:s0], s1  }
0x291: {  	s1 =	ssub.s32 @!p0 $0x0, s1;
	[sflag:s0] =	ssyncset.done @!p0 $0x0  }
0x292: {  	[sflag:s0] =	ssyncadd.s32 @!p0 s1  }
0x293: {  	[bflag:$0x3] =	sbarrier.arrive $0xFFFF  }
0x294: {  	_ =	shalt  }

</sc_bundles>
